<compile_context>
chip_gen: v7x
topology: tpu7x:2x2x1
jax: 0.10.2.dev20260603
libtpu: 0.0.44.dev20260713+nightly
codegen_flags: <defaults>
</compile_context>

<pallas_src>
import math

import numpy as np
import jax
import jax.numpy as jnp
from jax import lax
from jax.experimental import pallas as pl
from jax.experimental.pallas import tpu as pltpu
from jax.experimental.pallas import tpu_sc as plsc

D = 16

_freqs = np.arange(0, D, 2, dtype=np.float32) * np.float32(-(math.log(10000.0) / D))
_pe = np.zeros((2, D), dtype=np.float32)
_pe[0, 0::2] = np.sin(np.float32(0.0) * _freqs)
_pe[0, 1::2] = np.cos(np.float32(0.0) * _freqs)
_pe[1, 0::2] = np.sin(np.float32(1.0) * _freqs)
_pe[1, 1::2] = np.cos(np.float32(1.0) * _freqs)

_NC = 2
_NS = 16
_NW = _NC * _NS

_NBUF = 3
_CB = 16
_GRP = _CB * 8
_IN_W = _CB * 256
_PL_W = _CB * 1024


def _make_lookup(E):
    nblk = E // 128
    base_len = nblk // _NW
    n_extra = nblk - base_len * _NW
    n_chunks = -(-(base_len + 1) // _CB)
    assert base_len >= _CB
    plane_w = nblk * 1024
    mesh = plsc.VectorSubcoreMesh(core_axis_name="c", subcore_axis_name="s",
                                  num_cores=_NC)

    def body(attr_hbm, tab_hbm, out_hbm, tab_v, in_v, out_v, sin, sout):
        wid = lax.axis_index("s") * _NC + lax.axis_index("c")
        my_len = base_len + jnp.where(wid < n_extra, 1, 0)
        my_start = base_len * wid + jnp.minimum(wid, n_extra)

        pltpu.sync_copy(tab_hbm, tab_v)

        def blk_start(c):
            return my_start + jnp.minimum(c * _CB, my_len - _CB)

        def in_cp(c, slot):
            return pltpu.make_async_copy(
                attr_hbm.at[pl.ds(blk_start(c) * 256, _IN_W)],
                in_v[slot], sin[slot])

        def out_cp(c, slot, p):
            return pltpu.make_async_copy(
                out_v[slot][p],
                out_hbm.at[pl.ds(p * plane_w + blk_start(c) * 1024, _PL_W)],
                sout[slot])

        lane65 = lax.iota(jnp.int32, 16) * 65

        def compute(slot):
            tin = in_v[slot]
            t0 = out_v[slot][0]
            t1 = out_v[slot][1]

            @plsc.parallel_loop(0, _GRP, unroll=2)
            def group(j):
                i = j >> 3
                jj = j & 7
                off_in = i * 256 + jj * 16
                a0 = tin[pl.ds(off_in, 16)]
                a1 = tin[pl.ds(off_in + 128, 16)]
                base = (a0 << 5) + (a1 << 4) + lane65
                off_out = i * 1024 + jj * 16
                for half, tgt in ((0, t0), (1, t1)):
                    cols = [plsc.load_gather(tab_v, [base + (half * 8 + ds)])
                            for ds in range(8)]
                    for ds in range(8):
                        tgt[pl.ds(off_out + ds * 128, 16)] = cols[ds]

        n_pad = -(-n_chunks // _NBUF) * _NBUF
        for slot in range(_NBUF):
            in_cp(slot, slot).start()

        def ring(k0, carry):
            for slot in range(_NBUF):
                c = k0 * _NBUF + slot
                in_cp(c, slot).wait()

                @pl.when(k0 >= 1)
                def _wait_out():
                    out_cp(c - _NBUF, slot, 0).wait()
                    out_cp(c - _NBUF, slot, 1).wait()

                compute(slot)
                out_cp(c, slot, 0).start()
                out_cp(c, slot, 1).start()

                @pl.when(c + _NBUF < n_pad)
                def _next_in():
                    in_cp(c + _NBUF, slot).start()
            return carry

        lax.fori_loop(0, n_pad // _NBUF, ring, 0)

        for slot in range(_NBUF):
            c = n_pad - _NBUF + slot
            out_cp(c, slot, 0).wait()
            out_cp(c, slot, 1).wait()

    return pl.kernel(
        body,
        mesh=mesh,
        out_type=jax.ShapeDtypeStruct((E * D,), jnp.float32),
        scratch_types=[
            pltpu.VMEM((16 * 65,), jnp.float32),
            [pltpu.VMEM((_IN_W,), jnp.int32) for _ in range(_NBUF)],
            [[pltpu.VMEM((_PL_W,), jnp.float32) for _ in range(2)]
             for _ in range(_NBUF)],
            [pltpu.SemaphoreType.DMA for _ in range(_NBUF)],
            [pltpu.SemaphoreType.DMA for _ in range(_NBUF)],
        ],
        compiler_params=pltpu.CompilerParams(needs_layout_passes=False,
                                             use_tc_tiling_on_sc=False),
    )


def kernel(edge_attr, emb_table):
    E = edge_attr.shape[0]
    pe = jnp.asarray(_pe)
    tab = (emb_table[:, None, :] + pe[None, :, :]).reshape(4 * D)
    tab = jnp.broadcast_to(jnp.pad(tab, (0, 1)), (16, 65)).reshape(-1)
    attr_lin = edge_attr.reshape(E // 128, 128, 2).transpose(0, 2, 1).reshape(-1)
    out_lin = _make_lookup(E)(attr_lin, tab)
    out = (out_lin.reshape(2, E // 128, 8, 128)
           .transpose(1, 3, 0, 2).reshape(E, D))
    return out

# --- scband reference (transcript-rebuilt; emitter-appended) ---
"""Pipeline reference for scband-edge-encoder-14912126452050 (READ-ONLY COPY).

The authoritative reference and input builder live on the scoring server;
editing this copy changes nothing except your own understanding.
"""

import jax, jax.numpy as jnp
import numpy as np
import math

E = 3200000
D = 16

def get_positions_encoding(positions, d_model):
    # Faithful translation of the torch helper: sinusoidal encoding of 1-D positions.
    pe = jnp.zeros((positions.shape[0], d_model), dtype=jnp.float32)
    freqs = jnp.arange(0, d_model, 2, dtype=jnp.float32) * (-(math.log(10000.0) / d_model))
    ang = jnp.outer(positions.astype(jnp.float32), freqs)
    pe = pe.at[:, 0::2].set(jnp.sin(ang))
    pe = pe.at[:, 1::2].set(jnp.cos(ang))
    return pe

def setup_inputs(seed: int = 0):
    key = jax.random.key(seed)
    k1, k2 = jax.random.split(key)
    # edge_attr: [edgeType in {0,1}, jobId/macId]; per input_specs both columns drawn in [0, 2)
    edge_attr = jax.random.randint(k1, (E, 2), 0, 2, dtype=jnp.int32)
    # nn.Embedding(2, D) weights, default init N(0, 1)
    emb_table = jax.random.normal(k2, (2, D), dtype=jnp.float32)
    return {"edge_attr": edge_attr, "emb_table": emb_table}

def reference(edge_attr, emb_table):
    # x0 = self.attr_type_encoder(edge_attr[:, 0])  -> embedding gather
    x0 = jnp.take(emb_table, edge_attr[:, 0], axis=0)
    # x1 = get_positions_encoding(edge_attr[:, 1], edge_attr_dim)
    x1 = get_positions_encoding(edge_attr[:, 1], D)
    return x0 + x1

if __name__ == "__main__":
    import jax
    _d = setup_inputs()
    print(jax.jit(kernel)(*tuple(_d.values())))

</pallas_src>

<mosaic_0001>
#map = affine_map<(d0, d1) -> (0)>
module attributes {stable_mosaic.version = 14 : i64} {
  func.func @body(%arg0: i32, %arg1: i32, %arg2: memref<6400000xi32, #tpu.memory_space<hbm>>, %arg3: memref<1040xf32, #tpu.memory_space<hbm>>, %arg4: memref<51200000xf32, #tpu.memory_space<hbm>>, %arg5: memref<1040xf32, #tpu.memory_space<vmem>>, %arg6: memref<4096xi32, #tpu.memory_space<vmem>>, %arg7: memref<4096xi32, #tpu.memory_space<vmem>>, %arg8: memref<4096xi32, #tpu.memory_space<vmem>>, %arg9: memref<16384xf32, #tpu.memory_space<vmem>>, %arg10: memref<16384xf32, #tpu.memory_space<vmem>>, %arg11: memref<16384xf32, #tpu.memory_space<vmem>>, %arg12: memref<16384xf32, #tpu.memory_space<vmem>>, %arg13: memref<16384xf32, #tpu.memory_space<vmem>>, %arg14: memref<16384xf32, #tpu.memory_space<vmem>>, %arg15: memref<!tpu.dma_semaphore, #tpu.memory_space<semaphore_mem>>, %arg16: memref<!tpu.dma_semaphore, #tpu.memory_space<semaphore_mem>>, %arg17: memref<!tpu.dma_semaphore, #tpu.memory_space<semaphore_mem>>, %arg18: memref<!tpu.dma_semaphore, #tpu.memory_space<semaphore_mem>>, %arg19: memref<!tpu.dma_semaphore, #tpu.memory_space<semaphore_mem>>, %arg20: memref<!tpu.dma_semaphore, #tpu.memory_space<semaphore_mem>>) attributes {dimension_semantics = [#tpu.dimension_semantics<core_parallel>, #tpu.dimension_semantics<subcore_parallel>], iteration_bounds = array<i64: 2, 16>, scalar_prefetch = 0 : i64, scratch_operands = 16 : i64, tpu.core_type = #tpu.core_type<sc_vector_subcore>, window_params = [{transform_indices = #map}, {transform_indices = #map}, {transform_indices = #map}]} {
    %mul3A = arith.constant 2 : i32
    %mul3A_0 = arith.muli %arg1, %mul3A : i32
    %add3A = arith.addi %mul3A_0, %arg0 : i32
    %lt3A = arith.constant 8 : i32
    %lt3A_1 = arith.cmpi slt, %add3A, %lt3A : i32
    %jit3A = arith.constant 1 : i32
    %jit3A_2 = arith.constant 0 : i32
    %select_n3A = arith.select %lt3A_1, %jit3A, %jit3A_2 : i32
    %add3A_3 = arith.constant 781 : i32
    %add3A_4 = arith.addi %add3A_3, %select_n3A : i32
    %mul3A_5 = arith.constant 781 : i32
    %mul3A_6 = arith.muli %mul3A_5, %add3A : i32
    %min3A = arith.constant 8 : i32
    %min3A_7 = arith.minsi %add3A, %min3A : i32
    %add3A_8 = arith.addi %mul3A_6, %min3A_7 : i32
    "tpu.region"() ({
      %run_scoped3A = tpu.sem_alloc : memref<!tpu.dma_semaphore, #tpu.memory_space<semaphore_mem>>
      tpu.enqueue_dma source(%arg3 : memref<1040xf32, #tpu.memory_space<hbm>>) target(%arg5 : memref<1040xf32, #tpu.memory_space<vmem>>) target_semaphore(%run_scoped3A : memref<!tpu.dma_semaphore, #tpu.memory_space<semaphore_mem>>)
      tpu.wait_dma2 semaphore(%run_scoped3A : memref<!tpu.dma_semaphore, #tpu.memory_space<semaphore_mem>>) src(%arg3 : memref<1040xf32, #tpu.memory_space<hbm>>) dst(%arg5 : memref<1040xf32, #tpu.memory_space<vmem>>)
      tpu.yield
    }) : () -> ()
    %iota3A = tpu.iota {dimensions = array<i32: 0>} : vector<16xi32>
    %mul3A_9 = arith.constant 65 : i32
    %mul3A_10 = vector.broadcast %mul3A_9 : i32 to vector<16xi32>
    %mul3A_11 = arith.muli %iota3A, %mul3A_10 : vector<16xi32>
    %sub3A = arith.constant 16 : i32
    %sub3A_12 = arith.subi %add3A_4, %sub3A : i32
    %min3A_13 = arith.constant 0 : i32
    %min3A_14 = arith.minsi %min3A_13, %sub3A_12 : i32
    %add3A_15 = arith.addi %add3A_8, %min3A_14 : i32
    %mul3A_16 = arith.constant 256 : i32
    %mul3A_17 = arith.muli %add3A_15, %mul3A_16 : i32
    %dma_start3A = tpu.memref_slice %arg2[%mul3A_17] : memref<6400000xi32, #tpu.memory_space<hbm>> -> memref<4096xi32, #tpu.memory_space<hbm>>
    %dma_start3A_18 = tpu.memref_slice %arg2[%mul3A_17] : memref<6400000xi32, #tpu.memory_space<hbm>> -> memref<4096xi32, #tpu.memory_space<hbm>>
    tpu.enqueue_dma source(%dma_start3A_18 : memref<4096xi32, #tpu.memory_space<hbm>>) target(%arg6 : memref<4096xi32, #tpu.memory_space<vmem>>) target_semaphore(%arg15 : memref<!tpu.dma_semaphore, #tpu.memory_space<semaphore_mem>>)
    %sub3A_19 = arith.constant 16 : i32
    %sub3A_20 = arith.subi %add3A_4, %sub3A_19 : i32
    %min3A_21 = arith.constant 16 : i32
    %min3A_22 = arith.minsi %min3A_21, %sub3A_20 : i32
    %add3A_23 = arith.addi %add3A_8, %min3A_22 : i32
    %mul3A_24 = arith.constant 256 : i32
    %mul3A_25 = arith.muli %add3A_23, %mul3A_24 : i32
    %dma_start3A_26 = tpu.memref_slice %arg2[%mul3A_25] : memref<6400000xi32, #tpu.memory_space<hbm>> -> memref<4096xi32, #tpu.memory_space<hbm>>
    %dma_start3A_27 = tpu.memref_slice %arg2[%mul3A_25] : memref<6400000xi32, #tpu.memory_space<hbm>> -> memref<4096xi32, #tpu.memory_space<hbm>>
    tpu.enqueue_dma source(%dma_start3A_27 : memref<4096xi32, #tpu.memory_space<hbm>>) target(%arg7 : memref<4096xi32, #tpu.memory_space<vmem>>) target_semaphore(%arg16 : memref<!tpu.dma_semaphore, #tpu.memory_space<semaphore_mem>>)
    %sub3A_28 = arith.constant 16 : i32
    %sub3A_29 = arith.subi %add3A_4, %sub3A_28 : i32
    %min3A_30 = arith.constant 32 : i32
    %min3A_31 = arith.minsi %min3A_30, %sub3A_29 : i32
    %add3A_32 = arith.addi %add3A_8, %min3A_31 : i32
    %mul3A_33 = arith.constant 256 : i32
    %mul3A_34 = arith.muli %add3A_32, %mul3A_33 : i32
    %dma_start3A_35 = tpu.memref_slice %arg2[%mul3A_34] : memref<6400000xi32, #tpu.memory_space<hbm>> -> memref<4096xi32, #tpu.memory_space<hbm>>
    %dma_start3A_36 = tpu.memref_slice %arg2[%mul3A_34] : memref<6400000xi32, #tpu.memory_space<hbm>> -> memref<4096xi32, #tpu.memory_space<hbm>>
    tpu.enqueue_dma source(%dma_start3A_36 : memref<4096xi32, #tpu.memory_space<hbm>>) target(%arg8 : memref<4096xi32, #tpu.memory_space<vmem>>) target_semaphore(%arg17 : memref<!tpu.dma_semaphore, #tpu.memory_space<semaphore_mem>>)
    %scan3A = arith.constant 0 : i32
    %scan3A_37 = arith.constant 0 : i32
    %scan3A_38 = arith.constant 17 : i32
    %scan3A_39 = arith.addi %scan3A_37, %scan3A_38 : i32
    %scan3A_40 = arith.constant 1 : i32
    scf.for %scan3A_107 = %scan3A_37 to %scan3A_39 step %scan3A_40  : i32 {
      %mul3A_108 = arith.constant 3 : i32
      %mul3A_109 = arith.muli %scan3A_107, %mul3A_108 : i32
      %add3A_110 = arith.constant 0 : i32
      %add3A_111 = arith.addi %mul3A_109, %add3A_110 : i32
      %mul3A_112 = arith.constant 16 : i32
      %mul3A_113 = arith.muli %add3A_111, %mul3A_112 : i32
      %sub3A_114 = arith.constant 16 : i32
      %sub3A_115 = arith.subi %add3A_4, %sub3A_114 : i32
      %min3A_116 = arith.minsi %mul3A_113, %sub3A_115 : i32
      %add3A_117 = arith.addi %add3A_8, %min3A_116 : i32
      %mul3A_118 = arith.constant 256 : i32
      %mul3A_119 = arith.muli %add3A_117, %mul3A_118 : i32
      %dma_wait3A_120 = tpu.memref_slice %arg2[%mul3A_119] : memref<6400000xi32, #tpu.memory_space<hbm>> -> memref<4096xi32, #tpu.memory_space<hbm>>
      %dma_wait3A_121 = tpu.memref_slice %arg2[%mul3A_119] : memref<6400000xi32, #tpu.memory_space<hbm>> -> memref<4096xi32, #tpu.memory_space<hbm>>
      tpu.wait_dma2 semaphore(%arg15 : memref<!tpu.dma_semaphore, #tpu.memory_space<semaphore_mem>>) src(%dma_wait3A_121 : memref<4096xi32, #tpu.memory_space<hbm>>) dst(%arg6 : memref<4096xi32, #tpu.memory_space<vmem>>)
      %ge3A = arith.constant 1 : i32
      %ge3A_122 = arith.cmpi sge, %scan3A_107, %ge3A : i32
      %convert_element_type3A = arith.extui %ge3A_122 : i1 to i32
      %cond3A = arith.constant 0 : i32
      %cond3A_123 = arith.cmpi ne, %convert_element_type3A, %cond3A : i32
      scf.if %cond3A_123 {
        %sub3A_263 = arith.constant 3 : i32
        %sub3A_264 = arith.subi %add3A_111, %sub3A_263 : i32
        %mul3A_265 = arith.constant 16 : i32
        %mul3A_266 = arith.muli %sub3A_264, %mul3A_265 : i32
        %sub3A_267 = arith.constant 16 : i32
        %sub3A_268 = arith.subi %add3A_4, %sub3A_267 : i32
        %min3A_269 = arith.minsi %mul3A_266, %sub3A_268 : i32
        %add3A_270 = arith.addi %add3A_8, %min3A_269 : i32
        %mul3A_271 = arith.constant 1024 : i32
        %mul3A_272 = arith.muli %add3A_270, %mul3A_271 : i32
        %add3A_273 = arith.constant 0 : i32
        %add3A_274 = arith.addi %add3A_273, %mul3A_272 : i32
        %dma_wait3A_275 = tpu.memref_slice %arg4[%add3A_274] : memref<51200000xf32, #tpu.memory_space<hbm>> -> memref<16384xf32, #tpu.memory_space<hbm>>
        %dma_wait3A_276 = tpu.memref_slice %arg4[%add3A_274] : memref<51200000xf32, #tpu.memory_space<hbm>> -> memref<16384xf32, #tpu.memory_space<hbm>>
        tpu.wait_dma2 semaphore(%arg18 : memref<!tpu.dma_semaphore, #tpu.memory_space<semaphore_mem>>) src(%arg9 : memref<16384xf32, #tpu.memory_space<vmem>>) dst(%dma_wait3A_276 : memref<16384xf32, #tpu.memory_space<hbm>>)
        %sub3A_277 = arith.constant 3 : i32
        %sub3A_278 = arith.subi %add3A_111, %sub3A_277 : i32
        %mul3A_279 = arith.constant 16 : i32
        %mul3A_280 = arith.muli %sub3A_278, %mul3A_279 : i32
        %sub3A_281 = arith.constant 16 : i32
        %sub3A_282 = arith.subi %add3A_4, %sub3A_281 : i32
        %min3A_283 = arith.minsi %mul3A_280, %sub3A_282 : i32
        %add3A_284 = arith.addi %add3A_8, %min3A_283 : i32
        %mul3A_285 = arith.constant 1024 : i32
        %mul3A_286 = arith.muli %add3A_284, %mul3A_285 : i32
        %add3A_287 = arith.constant 25600000 : i32
        %add3A_288 = arith.addi %add3A_287, %mul3A_286 : i32
        %dma_wait3A_289 = tpu.memref_slice %arg4[%add3A_288] : memref<51200000xf32, #tpu.memory_space<hbm>> -> memref<16384xf32, #tpu.memory_space<hbm>>
        %dma_wait3A_290 = tpu.memref_slice %arg4[%add3A_288] : memref<51200000xf32, #tpu.memory_space<hbm>> -> memref<16384xf32, #tpu.memory_space<hbm>>
        tpu.wait_dma2 semaphore(%arg18 : memref<!tpu.dma_semaphore, #tpu.memory_space<semaphore_mem>>) src(%arg10 : memref<16384xf32, #tpu.memory_space<vmem>>) dst(%dma_wait3A_290 : memref<16384xf32, #tpu.memory_space<hbm>>)
      } else {
      }
      %parallel_loop3A = arith.constant 0 : i32
      %parallel_loop3A_124 = arith.constant 128 : i32
      %parallel_loop3A_125 = arith.constant 1 : i32
      scf.for %parallel_loop3A_263 = %parallel_loop3A to %parallel_loop3A_124 step %parallel_loop3A_125  : i32 {
        %parallel_loop3A_264 = arith.constant 3 : i32
        %parallel_loop3A_265 = arith.shrsi %parallel_loop3A_263, %parallel_loop3A_264 : i32
        %parallel_loop3A_266 = arith.constant 7 : i32
        %parallel_loop3A_267 = arith.andi %parallel_loop3A_263, %parallel_loop3A_266 : i32
        %parallel_loop3A_268 = arith.constant 256 : i32
        %parallel_loop3A_269 = arith.muli %parallel_loop3A_265, %parallel_loop3A_268 : i32
        %parallel_loop3A_270 = arith.constant 16 : i32
        %parallel_loop3A_271 = arith.muli %parallel_loop3A_267, %parallel_loop3A_270 : i32
        %parallel_loop3A_272 = arith.addi %parallel_loop3A_269, %parallel_loop3A_271 : i32
        %parallel_loop3A_273 = arith.index_cast %parallel_loop3A_272 : i32 to index
        %parallel_loop3A_274 = tpu.vector_load %arg6[%parallel_loop3A_273] {strides = array<i32>} : memref<4096xi32, #tpu.memory_space<vmem>>, vector<16xi32>,
        %parallel_loop3A_275 = arith.constant 128 : i32
        %parallel_loop3A_276 = arith.addi %parallel_loop3A_272, %parallel_loop3A_275 : i32
        %parallel_loop3A_277 = arith.index_cast %parallel_loop3A_276 : i32 to index
        %parallel_loop3A_278 = tpu.vector_load %arg6[%parallel_loop3A_277] {strides = array<i32>} : memref<4096xi32, #tpu.memory_space<vmem>>, vector<16xi32>,
        %parallel_loop3A_279 = arith.constant 5 : i32
        %parallel_loop3A_280 = vector.broadcast %parallel_loop3A_279 : i32 to vector<16xi32>
        %parallel_loop3A_281 = arith.shli %parallel_loop3A_274, %parallel_loop3A_280 : vector<16xi32>
        %parallel_loop3A_282 = arith.constant 4 : i32
        %parallel_loop3A_283 = vector.broadcast %parallel_loop3A_282 : i32 to vector<16xi32>
        %parallel_loop3A_284 = arith.shli %parallel_loop3A_278, %parallel_loop3A_283 : vector<16xi32>
        %parallel_loop3A_285 = arith.addi %parallel_loop3A_281, %parallel_loop3A_284 : vector<16xi32>
        %parallel_loop3A_286 = arith.addi %parallel_loop3A_285, %mul3A_11 : vector<16xi32>
        %parallel_loop3A_287 = arith.constant 1024 : i32
        %parallel_loop3A_288 = arith.muli %parallel_loop3A_265, %parallel_loop3A_287 : i32
        %parallel_loop3A_289 = arith.constant 16 : i32
        %parallel_loop3A_290 = arith.muli %parallel_loop3A_267, %parallel_loop3A_289 : i32
        %parallel_loop3A_291 = arith.addi %parallel_loop3A_288, %parallel_loop3A_290 : i32
        %parallel_loop3A_292 = arith.constant 0 : i32
        %parallel_loop3A_293 = vector.broadcast %parallel_loop3A_292 : i32 to vector<16xi32>
        %parallel_loop3A_294 = arith.addi %parallel_loop3A_286, %parallel_loop3A_293 : vector<16xi32>
        %parallel_loop3A_295 = tpu.vector_load_idx %arg5[%parallel_loop3A_294] : memref<1040xf32, #tpu.memory_space<vmem>>[vector<16xi32>], vector<16xf32>,
        %parallel_loop3A_296 = arith.constant 1 : i32
        %parallel_loop3A_297 = vector.broadcast %parallel_loop3A_296 : i32 to vector<16xi32>
        %parallel_loop3A_298 = arith.addi %parallel_loop3A_286, %parallel_loop3A_297 : vector<16xi32>
        %parallel_loop3A_299 = tpu.vector_load_idx %arg5[%parallel_loop3A_298] : memref<1040xf32, #tpu.memory_space<vmem>>[vector<16xi32>], vector<16xf32>,
        %parallel_loop3A_300 = arith.constant 2 : i32
        %parallel_loop3A_301 = vector.broadcast %parallel_loop3A_300 : i32 to vector<16xi32>
        %parallel_loop3A_302 = arith.addi %parallel_loop3A_286, %parallel_loop3A_301 : vector<16xi32>
        %parallel_loop3A_303 = tpu.vector_load_idx %arg5[%parallel_loop3A_302] : memref<1040xf32, #tpu.memory_space<vmem>>[vector<16xi32>], vector<16xf32>,
        %parallel_loop3A_304 = arith.constant 3 : i32
        %parallel_loop3A_305 = vector.broadcast %parallel_loop3A_304 : i32 to vector<16xi32>
        %parallel_loop3A_306 = arith.addi %parallel_loop3A_286, %parallel_loop3A_305 : vector<16xi32>
        %parallel_loop3A_307 = tpu.vector_load_idx %arg5[%parallel_loop3A_306] : memref<1040xf32, #tpu.memory_space<vmem>>[vector<16xi32>], vector<16xf32>,
        %parallel_loop3A_308 = arith.constant 4 : i32
        %parallel_loop3A_309 = vector.broadcast %parallel_loop3A_308 : i32 to vector<16xi32>
        %parallel_loop3A_310 = arith.addi %parallel_loop3A_286, %parallel_loop3A_309 : vector<16xi32>
        %parallel_loop3A_311 = tpu.vector_load_idx %arg5[%parallel_loop3A_310] : memref<1040xf32, #tpu.memory_space<vmem>>[vector<16xi32>], vector<16xf32>,
        %parallel_loop3A_312 = arith.constant 5 : i32
        %parallel_loop3A_313 = vector.broadcast %parallel_loop3A_312 : i32 to vector<16xi32>
        %parallel_loop3A_314 = arith.addi %parallel_loop3A_286, %parallel_loop3A_313 : vector<16xi32>
        %parallel_loop3A_315 = tpu.vector_load_idx %arg5[%parallel_loop3A_314] : memref<1040xf32, #tpu.memory_space<vmem>>[vector<16xi32>], vector<16xf32>,
        %parallel_loop3A_316 = arith.constant 6 : i32
        %parallel_loop3A_317 = vector.broadcast %parallel_loop3A_316 : i32 to vector<16xi32>
        %parallel_loop3A_318 = arith.addi %parallel_loop3A_286, %parallel_loop3A_317 : vector<16xi32>
        %parallel_loop3A_319 = tpu.vector_load_idx %arg5[%parallel_loop3A_318] : memref<1040xf32, #tpu.memory_space<vmem>>[vector<16xi32>], vector<16xf32>,
        %parallel_loop3A_320 = arith.constant 7 : i32
        %parallel_loop3A_321 = vector.broadcast %parallel_loop3A_320 : i32 to vector<16xi32>
        %parallel_loop3A_322 = arith.addi %parallel_loop3A_286, %parallel_loop3A_321 : vector<16xi32>
        %parallel_loop3A_323 = tpu.vector_load_idx %arg5[%parallel_loop3A_322] : memref<1040xf32, #tpu.memory_space<vmem>>[vector<16xi32>], vector<16xf32>,
        %parallel_loop3A_324 = arith.constant 0 : i32
        %parallel_loop3A_325 = arith.addi %parallel_loop3A_291, %parallel_loop3A_324 : i32
        %parallel_loop3A_326 = arith.index_cast %parallel_loop3A_325 : i32 to index
        %parallel_loop3A_327 = tpu.vector_load %arg9[%parallel_loop3A_326] {strides = array<i32>} : memref<16384xf32, #tpu.memory_space<vmem>>, vector<16xf32>,
        tpu.vector_store %arg9[%parallel_loop3A_326], %parallel_loop3A_295 {strides = array<i32>} : memref<16384xf32, #tpu.memory_space<vmem>>, vector<16xf32>,
        %parallel_loop3A_328 = arith.constant 128 : i32
        %parallel_loop3A_329 = arith.addi %parallel_loop3A_291, %parallel_loop3A_328 : i32
        %parallel_loop3A_330 = arith.index_cast %parallel_loop3A_329 : i32 to index
        %parallel_loop3A_331 = tpu.vector_load %arg9[%parallel_loop3A_330] {strides = array<i32>} : memref<16384xf32, #tpu.memory_space<vmem>>, vector<16xf32>,
        tpu.vector_store %arg9[%parallel_loop3A_330], %parallel_loop3A_299 {strides = array<i32>} : memref<16384xf32, #tpu.memory_space<vmem>>, vector<16xf32>,
        %parallel_loop3A_332 = arith.constant 256 : i32
        %parallel_loop3A_333 = arith.addi %parallel_loop3A_291, %parallel_loop3A_332 : i32
        %parallel_loop3A_334 = arith.index_cast %parallel_loop3A_333 : i32 to index
        %parallel_loop3A_335 = tpu.vector_load %arg9[%parallel_loop3A_334] {strides = array<i32>} : memref<16384xf32, #tpu.memory_space<vmem>>, vector<16xf32>,
        tpu.vector_store %arg9[%parallel_loop3A_334], %parallel_loop3A_303 {strides = array<i32>} : memref<16384xf32, #tpu.memory_space<vmem>>, vector<16xf32>,
        %parallel_loop3A_336 = arith.constant 384 : i32
        %parallel_loop3A_337 = arith.addi %parallel_loop3A_291, %parallel_loop3A_336 : i32
        %parallel_loop3A_338 = arith.index_cast %parallel_loop3A_337 : i32 to index
        %parallel_loop3A_339 = tpu.vector_load %arg9[%parallel_loop3A_338] {strides = array<i32>} : memref<16384xf32, #tpu.memory_space<vmem>>, vector<16xf32>,
        tpu.vector_store %arg9[%parallel_loop3A_338], %parallel_loop3A_307 {strides = array<i32>} : memref<16384xf32, #tpu.memory_space<vmem>>, vector<16xf32>,
        %parallel_loop3A_340 = arith.constant 512 : i32
        %parallel_loop3A_341 = arith.addi %parallel_loop3A_291, %parallel_loop3A_340 : i32
        %parallel_loop3A_342 = arith.index_cast %parallel_loop3A_341 : i32 to index
        %parallel_loop3A_343 = tpu.vector_load %arg9[%parallel_loop3A_342] {strides = array<i32>} : memref<16384xf32, #tpu.memory_space<vmem>>, vector<16xf32>,
        tpu.vector_store %arg9[%parallel_loop3A_342], %parallel_loop3A_311 {strides = array<i32>} : memref<16384xf32, #tpu.memory_space<vmem>>, vector<16xf32>,
        %parallel_loop3A_344 = arith.constant 640 : i32
        %parallel_loop3A_345 = arith.addi %parallel_loop3A_291, %parallel_loop3A_344 : i32
        %parallel_loop3A_346 = arith.index_cast %parallel_loop3A_345 : i32 to index
        %parallel_loop3A_347 = tpu.vector_load %arg9[%parallel_loop3A_346] {strides = array<i32>} : memref<16384xf32, #tpu.memory_space<vmem>>, vector<16xf32>,
        tpu.vector_store %arg9[%parallel_loop3A_346], %parallel_loop3A_315 {strides = array<i32>} : memref<16384xf32, #tpu.memory_space<vmem>>, vector<16xf32>,
        %parallel_loop3A_348 = arith.constant 768 : i32
        %parallel_loop3A_349 = arith.addi %parallel_loop3A_291, %parallel_loop3A_348 : i32
        %parallel_loop3A_350 = arith.index_cast %parallel_loop3A_349 : i32 to index
        %parallel_loop3A_351 = tpu.vector_load %arg9[%parallel_loop3A_350] {strides = array<i32>} : memref<16384xf32, #tpu.memory_space<vmem>>, vector<16xf32>,
        tpu.vector_store %arg9[%parallel_loop3A_350], %parallel_loop3A_319 {strides = array<i32>} : memref<16384xf32, #tpu.memory_space<vmem>>, vector<16xf32>,
        %parallel_loop3A_352 = arith.constant 896 : i32
        %parallel_loop3A_353 = arith.addi %parallel_loop3A_291, %parallel_loop3A_352 : i32
        %parallel_loop3A_354 = arith.index_cast %parallel_loop3A_353 : i32 to index
        %parallel_loop3A_355 = tpu.vector_load %arg9[%parallel_loop3A_354] {strides = array<i32>} : memref<16384xf32, #tpu.memory_space<vmem>>, vector<16xf32>,
        tpu.vector_store %arg9[%parallel_loop3A_354], %parallel_loop3A_323 {strides = array<i32>} : memref<16384xf32, #tpu.memory_space<vmem>>, vector<16xf32>,
        %parallel_loop3A_356 = arith.constant 8 : i32
        %parallel_loop3A_357 = vector.broadcast %parallel_loop3A_356 : i32 to vector<16xi32>
        %parallel_loop3A_358 = arith.addi %parallel_loop3A_286, %parallel_loop3A_357 : vector<16xi32>
        %parallel_loop3A_359 = tpu.vector_load_idx %arg5[%parallel_loop3A_358] : memref<1040xf32, #tpu.memory_space<vmem>>[vector<16xi32>], vector<16xf32>,
        %parallel_loop3A_360 = arith.constant 9 : i32
        %parallel_loop3A_361 = vector.broadcast %parallel_loop3A_360 : i32 to vector<16xi32>
        %parallel_loop3A_362 = arith.addi %parallel_loop3A_286, %parallel_loop3A_361 : vector<16xi32>
        %parallel_loop3A_363 = tpu.vector_load_idx %arg5[%parallel_loop3A_362] : memref<1040xf32, #tpu.memory_space<vmem>>[vector<16xi32>], vector<16xf32>,
        %parallel_loop3A_364 = arith.constant 10 : i32
        %parallel_loop3A_365 = vector.broadcast %parallel_loop3A_364 : i32 to vector<16xi32>
        %parallel_loop3A_366 = arith.addi %parallel_loop3A_286, %parallel_loop3A_365 : vector<16xi32>
        %parallel_loop3A_367 = tpu.vector_load_idx %arg5[%parallel_loop3A_366] : memref<1040xf32, #tpu.memory_space<vmem>>[vector<16xi32>], vector<16xf32>,
        %parallel_loop3A_368 = arith.constant 11 : i32
        %parallel_loop3A_369 = vector.broadcast %parallel_loop3A_368 : i32 to vector<16xi32>
        %parallel_loop3A_370 = arith.addi %parallel_loop3A_286, %parallel_loop3A_369 : vector<16xi32>
        %parallel_loop3A_371 = tpu.vector_load_idx %arg5[%parallel_loop3A_370] : memref<1040xf32, #tpu.memory_space<vmem>>[vector<16xi32>], vector<16xf32>,
        %parallel_loop3A_372 = arith.constant 12 : i32
        %parallel_loop3A_373 = vector.broadcast %parallel_loop3A_372 : i32 to vector<16xi32>
        %parallel_loop3A_374 = arith.addi %parallel_loop3A_286, %parallel_loop3A_373 : vector<16xi32>
        %parallel_loop3A_375 = tpu.vector_load_idx %arg5[%parallel_loop3A_374] : memref<1040xf32, #tpu.memory_space<vmem>>[vector<16xi32>], vector<16xf32>,
        %parallel_loop3A_376 = arith.constant 13 : i32
        %parallel_loop3A_377 = vector.broadcast %parallel_loop3A_376 : i32 to vector<16xi32>
        %parallel_loop3A_378 = arith.addi %parallel_loop3A_286, %parallel_loop3A_377 : vector<16xi32>
        %parallel_loop3A_379 = tpu.vector_load_idx %arg5[%parallel_loop3A_378] : memref<1040xf32, #tpu.memory_space<vmem>>[vector<16xi32>], vector<16xf32>,
        %parallel_loop3A_380 = arith.constant 14 : i32
        %parallel_loop3A_381 = vector.broadcast %parallel_loop3A_380 : i32 to vector<16xi32>
        %parallel_loop3A_382 = arith.addi %parallel_loop3A_286, %parallel_loop3A_381 : vector<16xi32>
        %parallel_loop3A_383 = tpu.vector_load_idx %arg5[%parallel_loop3A_382] : memref<1040xf32, #tpu.memory_space<vmem>>[vector<16xi32>], vector<16xf32>,
        %parallel_loop3A_384 = arith.constant 15 : i32
        %parallel_loop3A_385 = vector.broadcast %parallel_loop3A_384 : i32 to vector<16xi32>
        %parallel_loop3A_386 = arith.addi %parallel_loop3A_286, %parallel_loop3A_385 : vector<16xi32>
        %parallel_loop3A_387 = tpu.vector_load_idx %arg5[%parallel_loop3A_386] : memref<1040xf32, #tpu.memory_space<vmem>>[vector<16xi32>], vector<16xf32>,
        %parallel_loop3A_388 = arith.constant 0 : i32
        %parallel_loop3A_389 = arith.addi %parallel_loop3A_291, %parallel_loop3A_388 : i32
        %parallel_loop3A_390 = arith.index_cast %parallel_loop3A_389 : i32 to index
        %parallel_loop3A_391 = tpu.vector_load %arg10[%parallel_loop3A_390] {strides = array<i32>} : memref<16384xf32, #tpu.memory_space<vmem>>, vector<16xf32>,
        tpu.vector_store %arg10[%parallel_loop3A_390], %parallel_loop3A_359 {strides = array<i32>} : memref<16384xf32, #tpu.memory_space<vmem>>, vector<16xf32>,
        %parallel_loop3A_392 = arith.constant 128 : i32
        %parallel_loop3A_393 = arith.addi %parallel_loop3A_291, %parallel_loop3A_392 : i32
        %parallel_loop3A_394 = arith.index_cast %parallel_loop3A_393 : i32 to index
        %parallel_loop3A_395 = tpu.vector_load %arg10[%parallel_loop3A_394] {strides = array<i32>} : memref<16384xf32, #tpu.memory_space<vmem>>, vector<16xf32>,
        tpu.vector_store %arg10[%parallel_loop3A_394], %parallel_loop3A_363 {strides = array<i32>} : memref<16384xf32, #tpu.memory_space<vmem>>, vector<16xf32>,
        %parallel_loop3A_396 = arith.constant 256 : i32
        %parallel_loop3A_397 = arith.addi %parallel_loop3A_291, %parallel_loop3A_396 : i32
        %parallel_loop3A_398 = arith.index_cast %parallel_loop3A_397 : i32 to index
        %parallel_loop3A_399 = tpu.vector_load %arg10[%parallel_loop3A_398] {strides = array<i32>} : memref<16384xf32, #tpu.memory_space<vmem>>, vector<16xf32>,
        tpu.vector_store %arg10[%parallel_loop3A_398], %parallel_loop3A_367 {strides = array<i32>} : memref<16384xf32, #tpu.memory_space<vmem>>, vector<16xf32>,
        %parallel_loop3A_400 = arith.constant 384 : i32
        %parallel_loop3A_401 = arith.addi %parallel_loop3A_291, %parallel_loop3A_400 : i32
        %parallel_loop3A_402 = arith.index_cast %parallel_loop3A_401 : i32 to index
        %parallel_loop3A_403 = tpu.vector_load %arg10[%parallel_loop3A_402] {strides = array<i32>} : memref<16384xf32, #tpu.memory_space<vmem>>, vector<16xf32>,
        tpu.vector_store %arg10[%parallel_loop3A_402], %parallel_loop3A_371 {strides = array<i32>} : memref<16384xf32, #tpu.memory_space<vmem>>, vector<16xf32>,
        %parallel_loop3A_404 = arith.constant 512 : i32
        %parallel_loop3A_405 = arith.addi %parallel_loop3A_291, %parallel_loop3A_404 : i32
        %parallel_loop3A_406 = arith.index_cast %parallel_loop3A_405 : i32 to index
        %parallel_loop3A_407 = tpu.vector_load %arg10[%parallel_loop3A_406] {strides = array<i32>} : memref<16384xf32, #tpu.memory_space<vmem>>, vector<16xf32>,
        tpu.vector_store %arg10[%parallel_loop3A_406], %parallel_loop3A_375 {strides = array<i32>} : memref<16384xf32, #tpu.memory_space<vmem>>, vector<16xf32>,
        %parallel_loop3A_408 = arith.constant 640 : i32
        %parallel_loop3A_409 = arith.addi %parallel_loop3A_291, %parallel_loop3A_408 : i32
        %parallel_loop3A_410 = arith.index_cast %parallel_loop3A_409 : i32 to index
        %parallel_loop3A_411 = tpu.vector_load %arg10[%parallel_loop3A_410] {strides = array<i32>} : memref<16384xf32, #tpu.memory_space<vmem>>, vector<16xf32>,
        tpu.vector_store %arg10[%parallel_loop3A_410], %parallel_loop3A_379 {strides = array<i32>} : memref<16384xf32, #tpu.memory_space<vmem>>, vector<16xf32>,
        %parallel_loop3A_412 = arith.constant 768 : i32
        %parallel_loop3A_413 = arith.addi %parallel_loop3A_291, %parallel_loop3A_412 : i32
        %parallel_loop3A_414 = arith.index_cast %parallel_loop3A_413 : i32 to index
        %parallel_loop3A_415 = tpu.vector_load %arg10[%parallel_loop3A_414] {strides = array<i32>} : memref<16384xf32, #tpu.memory_space<vmem>>, vector<16xf32>,
        tpu.vector_store %arg10[%parallel_loop3A_414], %parallel_loop3A_383 {strides = array<i32>} : memref<16384xf32, #tpu.memory_space<vmem>>, vector<16xf32>,
        %parallel_loop3A_416 = arith.constant 896 : i32
        %parallel_loop3A_417 = arith.addi %parallel_loop3A_291, %parallel_loop3A_416 : i32
        %parallel_loop3A_418 = arith.index_cast %parallel_loop3A_417 : i32 to index
        %parallel_loop3A_419 = tpu.vector_load %arg10[%parallel_loop3A_418] {strides = array<i32>} : memref<16384xf32, #tpu.memory_space<vmem>>, vector<16xf32>,
        tpu.vector_store %arg10[%parallel_loop3A_418], %parallel_loop3A_387 {strides = array<i32>} : memref<16384xf32, #tpu.memory_space<vmem>>, vector<16xf32>,
      } {sc.loop_unroll_factor = 2 : i64, sc.parallel_access}
      %mul3A_126 = arith.constant 16 : i32
      %mul3A_127 = arith.muli %add3A_111, %mul3A_126 : i32
      %sub3A_128 = arith.constant 16 : i32
      %sub3A_129 = arith.subi %add3A_4, %sub3A_128 : i32
      %min3A_130 = arith.minsi %mul3A_127, %sub3A_129 : i32
      %add3A_131 = arith.addi %add3A_8, %min3A_130 : i32
      %mul3A_132 = arith.constant 1024 : i32
      %mul3A_133 = arith.muli %add3A_131, %mul3A_132 : i32
      %add3A_134 = arith.constant 0 : i32
      %add3A_135 = arith.addi %add3A_134, %mul3A_133 : i32
      %dma_start3A_136 = tpu.memref_slice %arg4[%add3A_135] : memref<51200000xf32, #tpu.memory_space<hbm>> -> memref<16384xf32, #tpu.memory_space<hbm>>
      %dma_start3A_137 = tpu.memref_slice %arg4[%add3A_135] : memref<51200000xf32, #tpu.memory_space<hbm>> -> memref<16384xf32, #tpu.memory_space<hbm>>
      tpu.enqueue_dma source(%arg9 : memref<16384xf32, #tpu.memory_space<vmem>>) target(%dma_start3A_137 : memref<16384xf32, #tpu.memory_space<hbm>>) target_semaphore(%arg18 : memref<!tpu.dma_semaphore, #tpu.memory_space<semaphore_mem>>)
      %mul3A_138 = arith.constant 16 : i32
      %mul3A_139 = arith.muli %add3A_111, %mul3A_138 : i32
      %sub3A_140 = arith.constant 16 : i32
      %sub3A_141 = arith.subi %add3A_4, %sub3A_140 : i32
      %min3A_142 = arith.minsi %mul3A_139, %sub3A_141 : i32
      %add3A_143 = arith.addi %add3A_8, %min3A_142 : i32
      %mul3A_144 = arith.constant 1024 : i32
      %mul3A_145 = arith.muli %add3A_143, %mul3A_144 : i32
      %add3A_146 = arith.constant 25600000 : i32
      %add3A_147 = arith.addi %add3A_146, %mul3A_145 : i32
      %dma_start3A_148 = tpu.memref_slice %arg4[%add3A_147] : memref<51200000xf32, #tpu.memory_space<hbm>> -> memref<16384xf32, #tpu.memory_space<hbm>>
      %dma_start3A_149 = tpu.memref_slice %arg4[%add3A_147] : memref<51200000xf32, #tpu.memory_space<hbm>> -> memref<16384xf32, #tpu.memory_space<hbm>>
      tpu.enqueue_dma source(%arg10 : memref<16384xf32, #tpu.memory_space<vmem>>) target(%dma_start3A_149 : memref<16384xf32, #tpu.memory_space<hbm>>) target_semaphore(%arg18 : memref<!tpu.dma_semaphore, #tpu.memory_space<semaphore_mem>>)
      %add3A_150 = arith.constant 3 : i32
      %add3A_151 = arith.addi %add3A_111, %add3A_150 : i32
      %lt3A_152 = arith.constant 51 : i32
      %lt3A_153 = arith.cmpi slt, %add3A_151, %lt3A_152 : i32
      %convert_element_type3A_154 = arith.extui %lt3A_153 : i1 to i32
      %cond3A_155 = arith.constant 0 : i32
      %cond3A_156 = arith.cmpi ne, %convert_element_type3A_154, %cond3A_155 : i32
      scf.if %cond3A_156 {
        %add3A_263 = arith.constant 3 : i32
        %add3A_264 = arith.addi %add3A_111, %add3A_263 : i32
        %mul3A_265 = arith.constant 16 : i32
        %mul3A_266 = arith.muli %add3A_264, %mul3A_265 : i32
        %sub3A_267 = arith.constant 16 : i32
        %sub3A_268 = arith.subi %add3A_4, %sub3A_267 : i32
        %min3A_269 = arith.minsi %mul3A_266, %sub3A_268 : i32
        %add3A_270 = arith.addi %add3A_8, %min3A_269 : i32
        %mul3A_271 = arith.constant 256 : i32
        %mul3A_272 = arith.muli %add3A_270, %mul3A_271 : i32
        %dma_start3A_273 = tpu.memref_slice %arg2[%mul3A_272] : memref<6400000xi32, #tpu.memory_space<hbm>> -> memref<4096xi32, #tpu.memory_space<hbm>>
        %dma_start3A_274 = tpu.memref_slice %arg2[%mul3A_272] : memref<6400000xi32, #tpu.memory_space<hbm>> -> memref<4096xi32, #tpu.memory_space<hbm>>
        tpu.enqueue_dma source(%dma_start3A_274 : memref<4096xi32, #tpu.memory_space<hbm>>) target(%arg6 : memref<4096xi32, #tpu.memory_space<vmem>>) target_semaphore(%arg15 : memref<!tpu.dma_semaphore, #tpu.memory_space<semaphore_mem>>)
      } else {
      }
      %mul3A_157 = arith.constant 3 : i32
      %mul3A_158 = arith.muli %scan3A_107, %mul3A_157 : i32
      %add3A_159 = arith.constant 1 : i32
      %add3A_160 = arith.addi %mul3A_158, %add3A_159 : i32
      %mul3A_161 = arith.constant 16 : i32
      %mul3A_162 = arith.muli %add3A_160, %mul3A_161 : i32
      %sub3A_163 = arith.constant 16 : i32
      %sub3A_164 = arith.subi %add3A_4, %sub3A_163 : i32
      %min3A_165 = arith.minsi %mul3A_162, %sub3A_164 : i32
      %add3A_166 = arith.addi %add3A_8, %min3A_165 : i32
      %mul3A_167 = arith.constant 256 : i32
      %mul3A_168 = arith.muli %add3A_166, %mul3A_167 : i32
      %dma_wait3A_169 = tpu.memref_slice %arg2[%mul3A_168] : memref<6400000xi32, #tpu.memory_space<hbm>> -> memref<4096xi32, #tpu.memory_space<hbm>>
      %dma_wait3A_170 = tpu.memref_slice %arg2[%mul3A_168] : memref<6400000xi32, #tpu.memory_space<hbm>> -> memref<4096xi32, #tpu.memory_space<hbm>>
      tpu.wait_dma2 semaphore(%arg16 : memref<!tpu.dma_semaphore, #tpu.memory_space<semaphore_mem>>) src(%dma_wait3A_170 : memref<4096xi32, #tpu.memory_space<hbm>>) dst(%arg7 : memref<4096xi32, #tpu.memory_space<vmem>>)
      %ge3A_171 = arith.constant 1 : i32
      %ge3A_172 = arith.cmpi sge, %scan3A_107, %ge3A_171 : i32
      %convert_element_type3A_173 = arith.extui %ge3A_172 : i1 to i32
      %cond3A_174 = arith.constant 0 : i32
      %cond3A_175 = arith.cmpi ne, %convert_element_type3A_173, %cond3A_174 : i32
      scf.if %cond3A_175 {
        %sub3A_263 = arith.constant 3 : i32
        %sub3A_264 = arith.subi %add3A_160, %sub3A_263 : i32
        %mul3A_265 = arith.constant 16 : i32
        %mul3A_266 = arith.muli %sub3A_264, %mul3A_265 : i32
        %sub3A_267 = arith.constant 16 : i32
        %sub3A_268 = arith.subi %add3A_4, %sub3A_267 : i32
        %min3A_269 = arith.minsi %mul3A_266, %sub3A_268 : i32
        %add3A_270 = arith.addi %add3A_8, %min3A_269 : i32
        %mul3A_271 = arith.constant 1024 : i32
        %mul3A_272 = arith.muli %add3A_270, %mul3A_271 : i32
        %add3A_273 = arith.constant 0 : i32
        %add3A_274 = arith.addi %add3A_273, %mul3A_272 : i32
        %dma_wait3A_275 = tpu.memref_slice %arg4[%add3A_274] : memref<51200000xf32, #tpu.memory_space<hbm>> -> memref<16384xf32, #tpu.memory_space<hbm>>
        %dma_wait3A_276 = tpu.memref_slice %arg4[%add3A_274] : memref<51200000xf32, #tpu.memory_space<hbm>> -> memref<16384xf32, #tpu.memory_space<hbm>>
        tpu.wait_dma2 semaphore(%arg19 : memref<!tpu.dma_semaphore, #tpu.memory_space<semaphore_mem>>) src(%arg11 : memref<16384xf32, #tpu.memory_space<vmem>>) dst(%dma_wait3A_276 : memref<16384xf32, #tpu.memory_space<hbm>>)
        %sub3A_277 = arith.constant 3 : i32
        %sub3A_278 = arith.subi %add3A_160, %sub3A_277 : i32
        %mul3A_279 = arith.constant 16 : i32
        %mul3A_280 = arith.muli %sub3A_278, %mul3A_279 : i32
        %sub3A_281 = arith.constant 16 : i32
        %sub3A_282 = arith.subi %add3A_4, %sub3A_281 : i32
        %min3A_283 = arith.minsi %mul3A_280, %sub3A_282 : i32
        %add3A_284 = arith.addi %add3A_8, %min3A_283 : i32
        %mul3A_285 = arith.constant 1024 : i32
        %mul3A_286 = arith.muli %add3A_284, %mul3A_285 : i32
        %add3A_287 = arith.constant 25600000 : i32
        %add3A_288 = arith.addi %add3A_287, %mul3A_286 : i32
        %dma_wait3A_289 = tpu.memref_slice %arg4[%add3A_288] : memref<51200000xf32, #tpu.memory_space<hbm>> -> memref<16384xf32, #tpu.memory_space<hbm>>
        %dma_wait3A_290 = tpu.memref_slice %arg4[%add3A_288] : memref<51200000xf32, #tpu.memory_space<hbm>> -> memref<16384xf32, #tpu.memory_space<hbm>>
        tpu.wait_dma2 semaphore(%arg19 : memref<!tpu.dma_semaphore, #tpu.memory_space<semaphore_mem>>) src(%arg12 : memref<16384xf32, #tpu.memory_space<vmem>>) dst(%dma_wait3A_290 : memref<16384xf32, #tpu.memory_space<hbm>>)
      } else {
      }
      %parallel_loop3A_176 = arith.constant 0 : i32
      %parallel_loop3A_177 = arith.constant 128 : i32
      %parallel_loop3A_178 = arith.constant 1 : i32
      scf.for %parallel_loop3A_263 = %parallel_loop3A_176 to %parallel_loop3A_177 step %parallel_loop3A_178  : i32 {
        %parallel_loop3A_264 = arith.constant 3 : i32
        %parallel_loop3A_265 = arith.shrsi %parallel_loop3A_263, %parallel_loop3A_264 : i32
        %parallel_loop3A_266 = arith.constant 7 : i32
        %parallel_loop3A_267 = arith.andi %parallel_loop3A_263, %parallel_loop3A_266 : i32
        %parallel_loop3A_268 = arith.constant 256 : i32
        %parallel_loop3A_269 = arith.muli %parallel_loop3A_265, %parallel_loop3A_268 : i32
        %parallel_loop3A_270 = arith.constant 16 : i32
        %parallel_loop3A_271 = arith.muli %parallel_loop3A_267, %parallel_loop3A_270 : i32
        %parallel_loop3A_272 = arith.addi %parallel_loop3A_269, %parallel_loop3A_271 : i32
        %parallel_loop3A_273 = arith.index_cast %parallel_loop3A_272 : i32 to index
        %parallel_loop3A_274 = tpu.vector_load %arg7[%parallel_loop3A_273] {strides = array<i32>} : memref<4096xi32, #tpu.memory_space<vmem>>, vector<16xi32>,
        %parallel_loop3A_275 = arith.constant 128 : i32
        %parallel_loop3A_276 = arith.addi %parallel_loop3A_272, %parallel_loop3A_275 : i32
        %parallel_loop3A_277 = arith.index_cast %parallel_loop3A_276 : i32 to index
        %parallel_loop3A_278 = tpu.vector_load %arg7[%parallel_loop3A_277] {strides = array<i32>} : memref<4096xi32, #tpu.memory_space<vmem>>, vector<16xi32>,
        %parallel_loop3A_279 = arith.constant 5 : i32
        %parallel_loop3A_280 = vector.broadcast %parallel_loop3A_279 : i32 to vector<16xi32>
        %parallel_loop3A_281 = arith.shli %parallel_loop3A_274, %parallel_loop3A_280 : vector<16xi32>
        %parallel_loop3A_282 = arith.constant 4 : i32
        %parallel_loop3A_283 = vector.broadcast %parallel_loop3A_282 : i32 to vector<16xi32>
        %parallel_loop3A_284 = arith.shli %parallel_loop3A_278, %parallel_loop3A_283 : vector<16xi32>
        %parallel_loop3A_285 = arith.addi %parallel_loop3A_281, %parallel_loop3A_284 : vector<16xi32>
        %parallel_loop3A_286 = arith.addi %parallel_loop3A_285, %mul3A_11 : vector<16xi32>
        %parallel_loop3A_287 = arith.constant 1024 : i32
        %parallel_loop3A_288 = arith.muli %parallel_loop3A_265, %parallel_loop3A_287 : i32
        %parallel_loop3A_289 = arith.constant 16 : i32
        %parallel_loop3A_290 = arith.muli %parallel_loop3A_267, %parallel_loop3A_289 : i32
        %parallel_loop3A_291 = arith.addi %parallel_loop3A_288, %parallel_loop3A_290 : i32
        %parallel_loop3A_292 = arith.constant 0 : i32
        %parallel_loop3A_293 = vector.broadcast %parallel_loop3A_292 : i32 to vector<16xi32>
        %parallel_loop3A_294 = arith.addi %parallel_loop3A_286, %parallel_loop3A_293 : vector<16xi32>
        %parallel_loop3A_295 = tpu.vector_load_idx %arg5[%parallel_loop3A_294] : memref<1040xf32, #tpu.memory_space<vmem>>[vector<16xi32>], vector<16xf32>,
        %parallel_loop3A_296 = arith.constant 1 : i32
        %parallel_loop3A_297 = vector.broadcast %parallel_loop3A_296 : i32 to vector<16xi32>
        %parallel_loop3A_298 = arith.addi %parallel_loop3A_286, %parallel_loop3A_297 : vector<16xi32>
        %parallel_loop3A_299 = tpu.vector_load_idx %arg5[%parallel_loop3A_298] : memref<1040xf32, #tpu.memory_space<vmem>>[vector<16xi32>], vector<16xf32>,
        %parallel_loop3A_300 = arith.constant 2 : i32
        %parallel_loop3A_301 = vector.broadcast %parallel_loop3A_300 : i32 to vector<16xi32>
        %parallel_loop3A_302 = arith.addi %parallel_loop3A_286, %parallel_loop3A_301 : vector<16xi32>
        %parallel_loop3A_303 = tpu.vector_load_idx %arg5[%parallel_loop3A_302] : memref<1040xf32, #tpu.memory_space<vmem>>[vector<16xi32>], vector<16xf32>,
        %parallel_loop3A_304 = arith.constant 3 : i32
        %parallel_loop3A_305 = vector.broadcast %parallel_loop3A_304 : i32 to vector<16xi32>
        %parallel_loop3A_306 = arith.addi %parallel_loop3A_286, %parallel_loop3A_305 : vector<16xi32>
        %parallel_loop3A_307 = tpu.vector_load_idx %arg5[%parallel_loop3A_306] : memref<1040xf32, #tpu.memory_space<vmem>>[vector<16xi32>], vector<16xf32>,
        %parallel_loop3A_308 = arith.constant 4 : i32
        %parallel_loop3A_309 = vector.broadcast %parallel_loop3A_308 : i32 to vector<16xi32>
        %parallel_loop3A_310 = arith.addi %parallel_loop3A_286, %parallel_loop3A_309 : vector<16xi32>
        %parallel_loop3A_311 = tpu.vector_load_idx %arg5[%parallel_loop3A_310] : memref<1040xf32, #tpu.memory_space<vmem>>[vector<16xi32>], vector<16xf32>,
        %parallel_loop3A_312 = arith.constant 5 : i32
        %parallel_loop3A_313 = vector.broadcast %parallel_loop3A_312 : i32 to vector<16xi32>
        %parallel_loop3A_314 = arith.addi %parallel_loop3A_286, %parallel_loop3A_313 : vector<16xi32>
        %parallel_loop3A_315 = tpu.vector_load_idx %arg5[%parallel_loop3A_314] : memref<1040xf32, #tpu.memory_space<vmem>>[vector<16xi32>], vector<16xf32>,
        %parallel_loop3A_316 = arith.constant 6 : i32
        %parallel_loop3A_317 = vector.broadcast %parallel_loop3A_316 : i32 to vector<16xi32>
        %parallel_loop3A_318 = arith.addi %parallel_loop3A_286, %parallel_loop3A_317 : vector<16xi32>
        %parallel_loop3A_319 = tpu.vector_load_idx %arg5[%parallel_loop3A_318] : memref<1040xf32, #tpu.memory_space<vmem>>[vector<16xi32>], vector<16xf32>,
        %parallel_loop3A_320 = arith.constant 7 : i32
        %parallel_loop3A_321 = vector.broadcast %parallel_loop3A_320 : i32 to vector<16xi32>
        %parallel_loop3A_322 = arith.addi %parallel_loop3A_286, %parallel_loop3A_321 : vector<16xi32>
        %parallel_loop3A_323 = tpu.vector_load_idx %arg5[%parallel_loop3A_322] : memref<1040xf32, #tpu.memory_space<vmem>>[vector<16xi32>], vector<16xf32>,
        %parallel_loop3A_324 = arith.constant 0 : i32
        %parallel_loop3A_325 = arith.addi %parallel_loop3A_291, %parallel_loop3A_324 : i32
        %parallel_loop3A_326 = arith.index_cast %parallel_loop3A_325 : i32 to index
        %parallel_loop3A_327 = tpu.vector_load %arg11[%parallel_loop3A_326] {strides = array<i32>} : memref<16384xf32, #tpu.memory_space<vmem>>, vector<16xf32>,
        tpu.vector_store %arg11[%parallel_loop3A_326], %parallel_loop3A_295 {strides = array<i32>} : memref<16384xf32, #tpu.memory_space<vmem>>, vector<16xf32>,
        %parallel_loop3A_328 = arith.constant 128 : i32
        %parallel_loop3A_329 = arith.addi %parallel_loop3A_291, %parallel_loop3A_328 : i32
        %parallel_loop3A_330 = arith.index_cast %parallel_loop3A_329 : i32 to index
        %parallel_loop3A_331 = tpu.vector_load %arg11[%parallel_loop3A_330] {strides = array<i32>} : memref<16384xf32, #tpu.memory_space<vmem>>, vector<16xf32>,
        tpu.vector_store %arg11[%parallel_loop3A_330], %parallel_loop3A_299 {strides = array<i32>} : memref<16384xf32, #tpu.memory_space<vmem>>, vector<16xf32>,
        %parallel_loop3A_332 = arith.constant 256 : i32
        %parallel_loop3A_333 = arith.addi %parallel_loop3A_291, %parallel_loop3A_332 : i32
        %parallel_loop3A_334 = arith.index_cast %parallel_loop3A_333 : i32 to index
        %parallel_loop3A_335 = tpu.vector_load %arg11[%parallel_loop3A_334] {strides = array<i32>} : memref<16384xf32, #tpu.memory_space<vmem>>, vector<16xf32>,
        tpu.vector_store %arg11[%parallel_loop3A_334], %parallel_loop3A_303 {strides = array<i32>} : memref<16384xf32, #tpu.memory_space<vmem>>, vector<16xf32>,
        %parallel_loop3A_336 = arith.constant 384 : i32
        %parallel_loop3A_337 = arith.addi %parallel_loop3A_291, %parallel_loop3A_336 : i32
        %parallel_loop3A_338 = arith.index_cast %parallel_loop3A_337 : i32 to index
        %parallel_loop3A_339 = tpu.vector_load %arg11[%parallel_loop3A_338] {strides = array<i32>} : memref<16384xf32, #tpu.memory_space<vmem>>, vector<16xf32>,
        tpu.vector_store %arg11[%parallel_loop3A_338], %parallel_loop3A_307 {strides = array<i32>} : memref<16384xf32, #tpu.memory_space<vmem>>, vector<16xf32>,
        %parallel_loop3A_340 = arith.constant 512 : i32
        %parallel_loop3A_341 = arith.addi %parallel_loop3A_291, %parallel_loop3A_340 : i32
        %parallel_loop3A_342 = arith.index_cast %parallel_loop3A_341 : i32 to index
        %parallel_loop3A_343 = tpu.vector_load %arg11[%parallel_loop3A_342] {strides = array<i32>} : memref<16384xf32, #tpu.memory_space<vmem>>, vector<16xf32>,
        tpu.vector_store %arg11[%parallel_loop3A_342], %parallel_loop3A_311 {strides = array<i32>} : memref<16384xf32, #tpu.memory_space<vmem>>, vector<16xf32>,
        %parallel_loop3A_344 = arith.constant 640 : i32
        %parallel_loop3A_345 = arith.addi %parallel_loop3A_291, %parallel_loop3A_344 : i32
        %parallel_loop3A_346 = arith.index_cast %parallel_loop3A_345 : i32 to index
        %parallel_loop3A_347 = tpu.vector_load %arg11[%parallel_loop3A_346] {strides = array<i32>} : memref<16384xf32, #tpu.memory_space<vmem>>, vector<16xf32>,
        tpu.vector_store %arg11[%parallel_loop3A_346], %parallel_loop3A_315 {strides = array<i32>} : memref<16384xf32, #tpu.memory_space<vmem>>, vector<16xf32>,
        %parallel_loop3A_348 = arith.constant 768 : i32
        %parallel_loop3A_349 = arith.addi %parallel_loop3A_291, %parallel_loop3A_348 : i32
        %parallel_loop3A_350 = arith.index_cast %parallel_loop3A_349 : i32 to index
        %parallel_loop3A_351 = tpu.vector_load %arg11[%parallel_loop3A_350] {strides = array<i32>} : memref<16384xf32, #tpu.memory_space<vmem>>, vector<16xf32>,
        tpu.vector_store %arg11[%parallel_loop3A_350], %parallel_loop3A_319 {strides = array<i32>} : memref<16384xf32, #tpu.memory_space<vmem>>, vector<16xf32>,
        %parallel_loop3A_352 = arith.constant 896 : i32
        %parallel_loop3A_353 = arith.addi %parallel_loop3A_291, %parallel_loop3A_352 : i32
        %parallel_loop3A_354 = arith.index_cast %parallel_loop3A_353 : i32 to index
        %parallel_loop3A_355 = tpu.vector_load %arg11[%parallel_loop3A_354] {strides = array<i32>} : memref<16384xf32, #tpu.memory_space<vmem>>, vector<16xf32>,
        tpu.vector_store %arg11[%parallel_loop3A_354], %parallel_loop3A_323 {strides = array<i32>} : memref<16384xf32, #tpu.memory_space<vmem>>, vector<16xf32>,
        %parallel_loop3A_356 = arith.constant 8 : i32
        %parallel_loop3A_357 = vector.broadcast %parallel_loop3A_356 : i32 to vector<16xi32>
        %parallel_loop3A_358 = arith.addi %parallel_loop3A_286, %parallel_loop3A_357 : vector<16xi32>
        %parallel_loop3A_359 = tpu.vector_load_idx %arg5[%parallel_loop3A_358] : memref<1040xf32, #tpu.memory_space<vmem>>[vector<16xi32>], vector<16xf32>,
        %parallel_loop3A_360 = arith.constant 9 : i32
        %parallel_loop3A_361 = vector.broadcast %parallel_loop3A_360 : i32 to vector<16xi32>
        %parallel_loop3A_362 = arith.addi %parallel_loop3A_286, %parallel_loop3A_361 : vector<16xi32>
        %parallel_loop3A_363 = tpu.vector_load_idx %arg5[%parallel_loop3A_362] : memref<1040xf32, #tpu.memory_space<vmem>>[vector<16xi32>], vector<16xf32>,
        %parallel_loop3A_364 = arith.constant 10 : i32
        %parallel_loop3A_365 = vector.broadcast %parallel_loop3A_364 : i32 to vector<16xi32>
        %parallel_loop3A_366 = arith.addi %parallel_loop3A_286, %parallel_loop3A_365 : vector<16xi32>
        %parallel_loop3A_367 = tpu.vector_load_idx %arg5[%parallel_loop3A_366] : memref<1040xf32, #tpu.memory_space<vmem>>[vector<16xi32>], vector<16xf32>,
        %parallel_loop3A_368 = arith.constant 11 : i32
        %parallel_loop3A_369 = vector.broadcast %parallel_loop3A_368 : i32 to vector<16xi32>
        %parallel_loop3A_370 = arith.addi %parallel_loop3A_286, %parallel_loop3A_369 : vector<16xi32>
        %parallel_loop3A_371 = tpu.vector_load_idx %arg5[%parallel_loop3A_370] : memref<1040xf32, #tpu.memory_space<vmem>>[vector<16xi32>], vector<16xf32>,
        %parallel_loop3A_372 = arith.constant 12 : i32
        %parallel_loop3A_373 = vector.broadcast %parallel_loop3A_372 : i32 to vector<16xi32>
        %parallel_loop3A_374 = arith.addi %parallel_loop3A_286, %parallel_loop3A_373 : vector<16xi32>
        %parallel_loop3A_375 = tpu.vector_load_idx %arg5[%parallel_loop3A_374] : memref<1040xf32, #tpu.memory_space<vmem>>[vector<16xi32>], vector<16xf32>,
        %parallel_loop3A_376 = arith.constant 13 : i32
        %parallel_loop3A_377 = vector.broadcast %parallel_loop3A_376 : i32 to vector<16xi32>
        %parallel_loop3A_378 = arith.addi %parallel_loop3A_286, %parallel_loop3A_377 : vector<16xi32>
        %parallel_loop3A_379 = tpu.vector_load_idx %arg5[%parallel_loop3A_378] : memref<1040xf32, #tpu.memory_space<vmem>>[vector<16xi32>], vector<16xf32>,
        %parallel_loop3A_380 = arith.constant 14 : i32
        %parallel_loop3A_381 = vector.broadcast %parallel_loop3A_380 : i32 to vector<16xi32>
        %parallel_loop3A_382 = arith.addi %parallel_loop3A_286, %parallel_loop3A_381 : vector<16xi32>
        %parallel_loop3A_383 = tpu.vector_load_idx %arg5[%parallel_loop3A_382] : memref<1040xf32, #tpu.memory_space<vmem>>[vector<16xi32>], vector<16xf32>,
        %parallel_loop3A_384 = arith.constant 15 : i32
        %parallel_loop3A_385 = vector.broadcast %parallel_loop3A_384 : i32 to vector<16xi32>
        %parallel_loop3A_386 = arith.addi %parallel_loop3A_286, %parallel_loop3A_385 : vector<16xi32>
        %parallel_loop3A_387 = tpu.vector_load_idx %arg5[%parallel_loop3A_386] : memref<1040xf32, #tpu.memory_space<vmem>>[vector<16xi32>], vector<16xf32>,
        %parallel_loop3A_388 = arith.constant 0 : i32
        %parallel_loop3A_389 = arith.addi %parallel_loop3A_291, %parallel_loop3A_388 : i32
        %parallel_loop3A_390 = arith.index_cast %parallel_loop3A_389 : i32 to index
        %parallel_loop3A_391 = tpu.vector_load %arg12[%parallel_loop3A_390] {strides = array<i32>} : memref<16384xf32, #tpu.memory_space<vmem>>, vector<16xf32>,
        tpu.vector_store %arg12[%parallel_loop3A_390], %parallel_loop3A_359 {strides = array<i32>} : memref<16384xf32, #tpu.memory_space<vmem>>, vector<16xf32>,
        %parallel_loop3A_392 = arith.constant 128 : i32
        %parallel_loop3A_393 = arith.addi %parallel_loop3A_291, %parallel_loop3A_392 : i32
        %parallel_loop3A_394 = arith.index_cast %parallel_loop3A_393 : i32 to index
        %parallel_loop3A_395 = tpu.vector_load %arg12[%parallel_loop3A_394] {strides = array<i32>} : memref<16384xf32, #tpu.memory_space<vmem>>, vector<16xf32>,
        tpu.vector_store %arg12[%parallel_loop3A_394], %parallel_loop3A_363 {strides = array<i32>} : memref<16384xf32, #tpu.memory_space<vmem>>, vector<16xf32>,
        %parallel_loop3A_396 = arith.constant 256 : i32
        %parallel_loop3A_397 = arith.addi %parallel_loop3A_291, %parallel_loop3A_396 : i32
        %parallel_loop3A_398 = arith.index_cast %parallel_loop3A_397 : i32 to index
        %parallel_loop3A_399 = tpu.vector_load %arg12[%parallel_loop3A_398] {strides = array<i32>} : memref<16384xf32, #tpu.memory_space<vmem>>, vector<16xf32>,
        tpu.vector_store %arg12[%parallel_loop3A_398], %parallel_loop3A_367 {strides = array<i32>} : memref<16384xf32, #tpu.memory_space<vmem>>, vector<16xf32>,
        %parallel_loop3A_400 = arith.constant 384 : i32
        %parallel_loop3A_401 = arith.addi %parallel_loop3A_291, %parallel_loop3A_400 : i32
        %parallel_loop3A_402 = arith.index_cast %parallel_loop3A_401 : i32 to index
        %parallel_loop3A_403 = tpu.vector_load %arg12[%parallel_loop3A_402] {strides = array<i32>} : memref<16384xf32, #tpu.memory_space<vmem>>, vector<16xf32>,
        tpu.vector_store %arg12[%parallel_loop3A_402], %parallel_loop3A_371 {strides = array<i32>} : memref<16384xf32, #tpu.memory_space<vmem>>, vector<16xf32>,
        %parallel_loop3A_404 = arith.constant 512 : i32
        %parallel_loop3A_405 = arith.addi %parallel_loop3A_291, %parallel_loop3A_404 : i32
        %parallel_loop3A_406 = arith.index_cast %parallel_loop3A_405 : i32 to index
        %parallel_loop3A_407 = tpu.vector_load %arg12[%parallel_loop3A_406] {strides = array<i32>} : memref<16384xf32, #tpu.memory_space<vmem>>, vector<16xf32>,
        tpu.vector_store %arg12[%parallel_loop3A_406], %parallel_loop3A_375 {strides = array<i32>} : memref<16384xf32, #tpu.memory_space<vmem>>, vector<16xf32>,
        %parallel_loop3A_408 = arith.constant 640 : i32
        %parallel_loop3A_409 = arith.addi %parallel_loop3A_291, %parallel_loop3A_408 : i32
        %parallel_loop3A_410 = arith.index_cast %parallel_loop3A_409 : i32 to index
        %parallel_loop3A_411 = tpu.vector_load %arg12[%parallel_loop3A_410] {strides = array<i32>} : memref<16384xf32, #tpu.memory_space<vmem>>, vector<16xf32>,
        tpu.vector_store %arg12[%parallel_loop3A_410], %parallel_loop3A_379 {strides = array<i32>} : memref<16384xf32, #tpu.memory_space<vmem>>, vector<16xf32>,
        %parallel_loop3A_412 = arith.constant 768 : i32
        %parallel_loop3A_413 = arith.addi %parallel_loop3A_291, %parallel_loop3A_412 : i32
        %parallel_loop3A_414 = arith.index_cast %parallel_loop3A_413 : i32 to index
        %parallel_loop3A_415 = tpu.vector_load %arg12[%parallel_loop3A_414] {strides = array<i32>} : memref<16384xf32, #tpu.memory_space<vmem>>, vector<16xf32>,
        tpu.vector_store %arg12[%parallel_loop3A_414], %parallel_loop3A_383 {strides = array<i32>} : memref<16384xf32, #tpu.memory_space<vmem>>, vector<16xf32>,
        %parallel_loop3A_416 = arith.constant 896 : i32
        %parallel_loop3A_417 = arith.addi %parallel_loop3A_291, %parallel_loop3A_416 : i32
        %parallel_loop3A_418 = arith.index_cast %parallel_loop3A_417 : i32 to index
        %parallel_loop3A_419 = tpu.vector_load %arg12[%parallel_loop3A_418] {strides = array<i32>} : memref<16384xf32, #tpu.memory_space<vmem>>, vector<16xf32>,
        tpu.vector_store %arg12[%parallel_loop3A_418], %parallel_loop3A_387 {strides = array<i32>} : memref<16384xf32, #tpu.memory_space<vmem>>, vector<16xf32>,
      } {sc.loop_unroll_factor = 2 : i64, sc.parallel_access}
      %mul3A_179 = arith.constant 16 : i32
      %mul3A_180 = arith.muli %add3A_160, %mul3A_179 : i32
      %sub3A_181 = arith.constant 16 : i32
      %sub3A_182 = arith.subi %add3A_4, %sub3A_181 : i32
      %min3A_183 = arith.minsi %mul3A_180, %sub3A_182 : i32
      %add3A_184 = arith.addi %add3A_8, %min3A_183 : i32
      %mul3A_185 = arith.constant 1024 : i32
      %mul3A_186 = arith.muli %add3A_184, %mul3A_185 : i32
      %add3A_187 = arith.constant 0 : i32
      %add3A_188 = arith.addi %add3A_187, %mul3A_186 : i32
      %dma_start3A_189 = tpu.memref_slice %arg4[%add3A_188] : memref<51200000xf32, #tpu.memory_space<hbm>> -> memref<16384xf32, #tpu.memory_space<hbm>>
      %dma_start3A_190 = tpu.memref_slice %arg4[%add3A_188] : memref<51200000xf32, #tpu.memory_space<hbm>> -> memref<16384xf32, #tpu.memory_space<hbm>>
      tpu.enqueue_dma source(%arg11 : memref<16384xf32, #tpu.memory_space<vmem>>) target(%dma_start3A_190 : memref<16384xf32, #tpu.memory_space<hbm>>) target_semaphore(%arg19 : memref<!tpu.dma_semaphore, #tpu.memory_space<semaphore_mem>>)
      %mul3A_191 = arith.constant 16 : i32
      %mul3A_192 = arith.muli %add3A_160, %mul3A_191 : i32
      %sub3A_193 = arith.constant 16 : i32
      %sub3A_194 = arith.subi %add3A_4, %sub3A_193 : i32
      %min3A_195 = arith.minsi %mul3A_192, %sub3A_194 : i32
      %add3A_196 = arith.addi %add3A_8, %min3A_195 : i32
      %mul3A_197 = arith.constant 1024 : i32
      %mul3A_198 = arith.muli %add3A_196, %mul3A_197 : i32
      %add3A_199 = arith.constant 25600000 : i32
      %add3A_200 = arith.addi %add3A_199, %mul3A_198 : i32
      %dma_start3A_201 = tpu.memref_slice %arg4[%add3A_200] : memref<51200000xf32, #tpu.memory_space<hbm>> -> memref<16384xf32, #tpu.memory_space<hbm>>
      %dma_start3A_202 = tpu.memref_slice %arg4[%add3A_200] : memref<51200000xf32, #tpu.memory_space<hbm>> -> memref<16384xf32, #tpu.memory_space<hbm>>
      tpu.enqueue_dma source(%arg12 : memref<16384xf32, #tpu.memory_space<vmem>>) target(%dma_start3A_202 : memref<16384xf32, #tpu.memory_space<hbm>>) target_semaphore(%arg19 : memref<!tpu.dma_semaphore, #tpu.memory_space<semaphore_mem>>)
      %add3A_203 = arith.constant 3 : i32
      %add3A_204 = arith.addi %add3A_160, %add3A_203 : i32
      %lt3A_205 = arith.constant 51 : i32
      %lt3A_206 = arith.cmpi slt, %add3A_204, %lt3A_205 : i32
      %convert_element_type3A_207 = arith.extui %lt3A_206 : i1 to i32
      %cond3A_208 = arith.constant 0 : i32
      %cond3A_209 = arith.cmpi ne, %convert_element_type3A_207, %cond3A_208 : i32
      scf.if %cond3A_209 {
        %add3A_263 = arith.constant 3 : i32
        %add3A_264 = arith.addi %add3A_160, %add3A_263 : i32
        %mul3A_265 = arith.constant 16 : i32
        %mul3A_266 = arith.muli %add3A_264, %mul3A_265 : i32
        %sub3A_267 = arith.constant 16 : i32
        %sub3A_268 = arith.subi %add3A_4, %sub3A_267 : i32
        %min3A_269 = arith.minsi %mul3A_266, %sub3A_268 : i32
        %add3A_270 = arith.addi %add3A_8, %min3A_269 : i32
        %mul3A_271 = arith.constant 256 : i32
        %mul3A_272 = arith.muli %add3A_270, %mul3A_271 : i32
        %dma_start3A_273 = tpu.memref_slice %arg2[%mul3A_272] : memref<6400000xi32, #tpu.memory_space<hbm>> -> memref<4096xi32, #tpu.memory_space<hbm>>
        %dma_start3A_274 = tpu.memref_slice %arg2[%mul3A_272] : memref<6400000xi32, #tpu.memory_space<hbm>> -> memref<4096xi32, #tpu.memory_space<hbm>>
        tpu.enqueue_dma source(%dma_start3A_274 : memref<4096xi32, #tpu.memory_space<hbm>>) target(%arg7 : memref<4096xi32, #tpu.memory_space<vmem>>) target_semaphore(%arg16 : memref<!tpu.dma_semaphore, #tpu.memory_space<semaphore_mem>>)
      } else {
      }
      %mul3A_210 = arith.constant 3 : i32
      %mul3A_211 = arith.muli %scan3A_107, %mul3A_210 : i32
      %add3A_212 = arith.constant 2 : i32
      %add3A_213 = arith.addi %mul3A_211, %add3A_212 : i32
      %mul3A_214 = arith.constant 16 : i32
      %mul3A_215 = arith.muli %add3A_213, %mul3A_214 : i32
      %sub3A_216 = arith.constant 16 : i32
      %sub3A_217 = arith.subi %add3A_4, %sub3A_216 : i32
      %min3A_218 = arith.minsi %mul3A_215, %sub3A_217 : i32
      %add3A_219 = arith.addi %add3A_8, %min3A_218 : i32
      %mul3A_220 = arith.constant 256 : i32
      %mul3A_221 = arith.muli %add3A_219, %mul3A_220 : i32
      %dma_wait3A_222 = tpu.memref_slice %arg2[%mul3A_221] : memref<6400000xi32, #tpu.memory_space<hbm>> -> memref<4096xi32, #tpu.memory_space<hbm>>
      %dma_wait3A_223 = tpu.memref_slice %arg2[%mul3A_221] : memref<6400000xi32, #tpu.memory_space<hbm>> -> memref<4096xi32, #tpu.memory_space<hbm>>
      tpu.wait_dma2 semaphore(%arg17 : memref<!tpu.dma_semaphore, #tpu.memory_space<semaphore_mem>>) src(%dma_wait3A_223 : memref<4096xi32, #tpu.memory_space<hbm>>) dst(%arg8 : memref<4096xi32, #tpu.memory_space<vmem>>)
      %ge3A_224 = arith.constant 1 : i32
      %ge3A_225 = arith.cmpi sge, %scan3A_107, %ge3A_224 : i32
      %convert_element_type3A_226 = arith.extui %ge3A_225 : i1 to i32
      %cond3A_227 = arith.constant 0 : i32
      %cond3A_228 = arith.cmpi ne, %convert_element_type3A_226, %cond3A_227 : i32
      scf.if %cond3A_228 {
        %sub3A_263 = arith.constant 3 : i32
        %sub3A_264 = arith.subi %add3A_213, %sub3A_263 : i32
        %mul3A_265 = arith.constant 16 : i32
        %mul3A_266 = arith.muli %sub3A_264, %mul3A_265 : i32
        %sub3A_267 = arith.constant 16 : i32
        %sub3A_268 = arith.subi %add3A_4, %sub3A_267 : i32
        %min3A_269 = arith.minsi %mul3A_266, %sub3A_268 : i32
        %add3A_270 = arith.addi %add3A_8, %min3A_269 : i32
        %mul3A_271 = arith.constant 1024 : i32
        %mul3A_272 = arith.muli %add3A_270, %mul3A_271 : i32
        %add3A_273 = arith.constant 0 : i32
        %add3A_274 = arith.addi %add3A_273, %mul3A_272 : i32
        %dma_wait3A_275 = tpu.memref_slice %arg4[%add3A_274] : memref<51200000xf32, #tpu.memory_space<hbm>> -> memref<16384xf32, #tpu.memory_space<hbm>>
        %dma_wait3A_276 = tpu.memref_slice %arg4[%add3A_274] : memref<51200000xf32, #tpu.memory_space<hbm>> -> memref<16384xf32, #tpu.memory_space<hbm>>
        tpu.wait_dma2 semaphore(%arg20 : memref<!tpu.dma_semaphore, #tpu.memory_space<semaphore_mem>>) src(%arg13 : memref<16384xf32, #tpu.memory_space<vmem>>) dst(%dma_wait3A_276 : memref<16384xf32, #tpu.memory_space<hbm>>)
        %sub3A_277 = arith.constant 3 : i32
        %sub3A_278 = arith.subi %add3A_213, %sub3A_277 : i32
        %mul3A_279 = arith.constant 16 : i32
        %mul3A_280 = arith.muli %sub3A_278, %mul3A_279 : i32
        %sub3A_281 = arith.constant 16 : i32
        %sub3A_282 = arith.subi %add3A_4, %sub3A_281 : i32
        %min3A_283 = arith.minsi %mul3A_280, %sub3A_282 : i32
        %add3A_284 = arith.addi %add3A_8, %min3A_283 : i32
        %mul3A_285 = arith.constant 1024 : i32
        %mul3A_286 = arith.muli %add3A_284, %mul3A_285 : i32
        %add3A_287 = arith.constant 25600000 : i32
        %add3A_288 = arith.addi %add3A_287, %mul3A_286 : i32
        %dma_wait3A_289 = tpu.memref_slice %arg4[%add3A_288] : memref<51200000xf32, #tpu.memory_space<hbm>> -> memref<16384xf32, #tpu.memory_space<hbm>>
        %dma_wait3A_290 = tpu.memref_slice %arg4[%add3A_288] : memref<51200000xf32, #tpu.memory_space<hbm>> -> memref<16384xf32, #tpu.memory_space<hbm>>
        tpu.wait_dma2 semaphore(%arg20 : memref<!tpu.dma_semaphore, #tpu.memory_space<semaphore_mem>>) src(%arg14 : memref<16384xf32, #tpu.memory_space<vmem>>) dst(%dma_wait3A_290 : memref<16384xf32, #tpu.memory_space<hbm>>)
      } else {
      }
      %parallel_loop3A_229 = arith.constant 0 : i32
      %parallel_loop3A_230 = arith.constant 128 : i32
      %parallel_loop3A_231 = arith.constant 1 : i32
      scf.for %parallel_loop3A_263 = %parallel_loop3A_229 to %parallel_loop3A_230 step %parallel_loop3A_231  : i32 {
        %parallel_loop3A_264 = arith.constant 3 : i32
        %parallel_loop3A_265 = arith.shrsi %parallel_loop3A_263, %parallel_loop3A_264 : i32
        %parallel_loop3A_266 = arith.constant 7 : i32
        %parallel_loop3A_267 = arith.andi %parallel_loop3A_263, %parallel_loop3A_266 : i32
        %parallel_loop3A_268 = arith.constant 256 : i32
        %parallel_loop3A_269 = arith.muli %parallel_loop3A_265, %parallel_loop3A_268 : i32
        %parallel_loop3A_270 = arith.constant 16 : i32
        %parallel_loop3A_271 = arith.muli %parallel_loop3A_267, %parallel_loop3A_270 : i32
        %parallel_loop3A_272 = arith.addi %parallel_loop3A_269, %parallel_loop3A_271 : i32
        %parallel_loop3A_273 = arith.index_cast %parallel_loop3A_272 : i32 to index
        %parallel_loop3A_274 = tpu.vector_load %arg8[%parallel_loop3A_273] {strides = array<i32>} : memref<4096xi32, #tpu.memory_space<vmem>>, vector<16xi32>,
        %parallel_loop3A_275 = arith.constant 128 : i32
        %parallel_loop3A_276 = arith.addi %parallel_loop3A_272, %parallel_loop3A_275 : i32
        %parallel_loop3A_277 = arith.index_cast %parallel_loop3A_276 : i32 to index
        %parallel_loop3A_278 = tpu.vector_load %arg8[%parallel_loop3A_277] {strides = array<i32>} : memref<4096xi32, #tpu.memory_space<vmem>>, vector<16xi32>,
        %parallel_loop3A_279 = arith.constant 5 : i32
        %parallel_loop3A_280 = vector.broadcast %parallel_loop3A_279 : i32 to vector<16xi32>
        %parallel_loop3A_281 = arith.shli %parallel_loop3A_274, %parallel_loop3A_280 : vector<16xi32>
        %parallel_loop3A_282 = arith.constant 4 : i32
        %parallel_loop3A_283 = vector.broadcast %parallel_loop3A_282 : i32 to vector<16xi32>
        %parallel_loop3A_284 = arith.shli %parallel_loop3A_278, %parallel_loop3A_283 : vector<16xi32>
        %parallel_loop3A_285 = arith.addi %parallel_loop3A_281, %parallel_loop3A_284 : vector<16xi32>
        %parallel_loop3A_286 = arith.addi %parallel_loop3A_285, %mul3A_11 : vector<16xi32>
        %parallel_loop3A_287 = arith.constant 1024 : i32
        %parallel_loop3A_288 = arith.muli %parallel_loop3A_265, %parallel_loop3A_287 : i32
        %parallel_loop3A_289 = arith.constant 16 : i32
        %parallel_loop3A_290 = arith.muli %parallel_loop3A_267, %parallel_loop3A_289 : i32
        %parallel_loop3A_291 = arith.addi %parallel_loop3A_288, %parallel_loop3A_290 : i32
        %parallel_loop3A_292 = arith.constant 0 : i32
        %parallel_loop3A_293 = vector.broadcast %parallel_loop3A_292 : i32 to vector<16xi32>
        %parallel_loop3A_294 = arith.addi %parallel_loop3A_286, %parallel_loop3A_293 : vector<16xi32>
        %parallel_loop3A_295 = tpu.vector_load_idx %arg5[%parallel_loop3A_294] : memref<1040xf32, #tpu.memory_space<vmem>>[vector<16xi32>], vector<16xf32>,
        %parallel_loop3A_296 = arith.constant 1 : i32
        %parallel_loop3A_297 = vector.broadcast %parallel_loop3A_296 : i32 to vector<16xi32>
        %parallel_loop3A_298 = arith.addi %parallel_loop3A_286, %parallel_loop3A_297 : vector<16xi32>
        %parallel_loop3A_299 = tpu.vector_load_idx %arg5[%parallel_loop3A_298] : memref<1040xf32, #tpu.memory_space<vmem>>[vector<16xi32>], vector<16xf32>,
        %parallel_loop3A_300 = arith.constant 2 : i32
        %parallel_loop3A_301 = vector.broadcast %parallel_loop3A_300 : i32 to vector<16xi32>
        %parallel_loop3A_302 = arith.addi %parallel_loop3A_286, %parallel_loop3A_301 : vector<16xi32>
        %parallel_loop3A_303 = tpu.vector_load_idx %arg5[%parallel_loop3A_302] : memref<1040xf32, #tpu.memory_space<vmem>>[vector<16xi32>], vector<16xf32>,
        %parallel_loop3A_304 = arith.constant 3 : i32
        %parallel_loop3A_305 = vector.broadcast %parallel_loop3A_304 : i32 to vector<16xi32>
        %parallel_loop3A_306 = arith.addi %parallel_loop3A_286, %parallel_loop3A_305 : vector<16xi32>
        %parallel_loop3A_307 = tpu.vector_load_idx %arg5[%parallel_loop3A_306] : memref<1040xf32, #tpu.memory_space<vmem>>[vector<16xi32>], vector<16xf32>,
        %parallel_loop3A_308 = arith.constant 4 : i32
        %parallel_loop3A_309 = vector.broadcast %parallel_loop3A_308 : i32 to vector<16xi32>
        %parallel_loop3A_310 = arith.addi %parallel_loop3A_286, %parallel_loop3A_309 : vector<16xi32>
        %parallel_loop3A_311 = tpu.vector_load_idx %arg5[%parallel_loop3A_310] : memref<1040xf32, #tpu.memory_space<vmem>>[vector<16xi32>], vector<16xf32>,
        %parallel_loop3A_312 = arith.constant 5 : i32
        %parallel_loop3A_313 = vector.broadcast %parallel_loop3A_312 : i32 to vector<16xi32>
        %parallel_loop3A_314 = arith.addi %parallel_loop3A_286, %parallel_loop3A_313 : vector<16xi32>
        %parallel_loop3A_315 = tpu.vector_load_idx %arg5[%parallel_loop3A_314] : memref<1040xf32, #tpu.memory_space<vmem>>[vector<16xi32>], vector<16xf32>,
        %parallel_loop3A_316 = arith.constant 6 : i32
        %parallel_loop3A_317 = vector.broadcast %parallel_loop3A_316 : i32 to vector<16xi32>
        %parallel_loop3A_318 = arith.addi %parallel_loop3A_286, %parallel_loop3A_317 : vector<16xi32>
        %parallel_loop3A_319 = tpu.vector_load_idx %arg5[%parallel_loop3A_318] : memref<1040xf32, #tpu.memory_space<vmem>>[vector<16xi32>], vector<16xf32>,
        %parallel_loop3A_320 = arith.constant 7 : i32
        %parallel_loop3A_321 = vector.broadcast %parallel_loop3A_320 : i32 to vector<16xi32>
        %parallel_loop3A_322 = arith.addi %parallel_loop3A_286, %parallel_loop3A_321 : vector<16xi32>
        %parallel_loop3A_323 = tpu.vector_load_idx %arg5[%parallel_loop3A_322] : memref<1040xf32, #tpu.memory_space<vmem>>[vector<16xi32>], vector<16xf32>,
        %parallel_loop3A_324 = arith.constant 0 : i32
        %parallel_loop3A_325 = arith.addi %parallel_loop3A_291, %parallel_loop3A_324 : i32
        %parallel_loop3A_326 = arith.index_cast %parallel_loop3A_325 : i32 to index
        %parallel_loop3A_327 = tpu.vector_load %arg13[%parallel_loop3A_326] {strides = array<i32>} : memref<16384xf32, #tpu.memory_space<vmem>>, vector<16xf32>,
        tpu.vector_store %arg13[%parallel_loop3A_326], %parallel_loop3A_295 {strides = array<i32>} : memref<16384xf32, #tpu.memory_space<vmem>>, vector<16xf32>,
        %parallel_loop3A_328 = arith.constant 128 : i32
        %parallel_loop3A_329 = arith.addi %parallel_loop3A_291, %parallel_loop3A_328 : i32
        %parallel_loop3A_330 = arith.index_cast %parallel_loop3A_329 : i32 to index
        %parallel_loop3A_331 = tpu.vector_load %arg13[%parallel_loop3A_330] {strides = array<i32>} : memref<16384xf32, #tpu.memory_space<vmem>>, vector<16xf32>,
        tpu.vector_store %arg13[%parallel_loop3A_330], %parallel_loop3A_299 {strides = array<i32>} : memref<16384xf32, #tpu.memory_space<vmem>>, vector<16xf32>,
        %parallel_loop3A_332 = arith.constant 256 : i32
        %parallel_loop3A_333 = arith.addi %parallel_loop3A_291, %parallel_loop3A_332 : i32
        %parallel_loop3A_334 = arith.index_cast %parallel_loop3A_333 : i32 to index
        %parallel_loop3A_335 = tpu.vector_load %arg13[%parallel_loop3A_334] {strides = array<i32>} : memref<16384xf32, #tpu.memory_space<vmem>>, vector<16xf32>,
        tpu.vector_store %arg13[%parallel_loop3A_334], %parallel_loop3A_303 {strides = array<i32>} : memref<16384xf32, #tpu.memory_space<vmem>>, vector<16xf32>,
        %parallel_loop3A_336 = arith.constant 384 : i32
        %parallel_loop3A_337 = arith.addi %parallel_loop3A_291, %parallel_loop3A_336 : i32
        %parallel_loop3A_338 = arith.index_cast %parallel_loop3A_337 : i32 to index
        %parallel_loop3A_339 = tpu.vector_load %arg13[%parallel_loop3A_338] {strides = array<i32>} : memref<16384xf32, #tpu.memory_space<vmem>>, vector<16xf32>,
        tpu.vector_store %arg13[%parallel_loop3A_338], %parallel_loop3A_307 {strides = array<i32>} : memref<16384xf32, #tpu.memory_space<vmem>>, vector<16xf32>,
        %parallel_loop3A_340 = arith.constant 512 : i32
        %parallel_loop3A_341 = arith.addi %parallel_loop3A_291, %parallel_loop3A_340 : i32
        %parallel_loop3A_342 = arith.index_cast %parallel_loop3A_341 : i32 to index
        %parallel_loop3A_343 = tpu.vector_load %arg13[%parallel_loop3A_342] {strides = array<i32>} : memref<16384xf32, #tpu.memory_space<vmem>>, vector<16xf32>,
        tpu.vector_store %arg13[%parallel_loop3A_342], %parallel_loop3A_311 {strides = array<i32>} : memref<16384xf32, #tpu.memory_space<vmem>>, vector<16xf32>,
        %parallel_loop3A_344 = arith.constant 640 : i32
        %parallel_loop3A_345 = arith.addi %parallel_loop3A_291, %parallel_loop3A_344 : i32
        %parallel_loop3A_346 = arith.index_cast %parallel_loop3A_345 : i32 to index
        %parallel_loop3A_347 = tpu.vector_load %arg13[%parallel_loop3A_346] {strides = array<i32>} : memref<16384xf32, #tpu.memory_space<vmem>>, vector<16xf32>,
        tpu.vector_store %arg13[%parallel_loop3A_346], %parallel_loop3A_315 {strides = array<i32>} : memref<16384xf32, #tpu.memory_space<vmem>>, vector<16xf32>,
        %parallel_loop3A_348 = arith.constant 768 : i32
        %parallel_loop3A_349 = arith.addi %parallel_loop3A_291, %parallel_loop3A_348 : i32
        %parallel_loop3A_350 = arith.index_cast %parallel_loop3A_349 : i32 to index
        %parallel_loop3A_351 = tpu.vector_load %arg13[%parallel_loop3A_350] {strides = array<i32>} : memref<16384xf32, #tpu.memory_space<vmem>>, vector<16xf32>,
        tpu.vector_store %arg13[%parallel_loop3A_350], %parallel_loop3A_319 {strides = array<i32>} : memref<16384xf32, #tpu.memory_space<vmem>>, vector<16xf32>,
        %parallel_loop3A_352 = arith.constant 896 : i32
        %parallel_loop3A_353 = arith.addi %parallel_loop3A_291, %parallel_loop3A_352 : i32
        %parallel_loop3A_354 = arith.index_cast %parallel_loop3A_353 : i32 to index
        %parallel_loop3A_355 = tpu.vector_load %arg13[%parallel_loop3A_354] {strides = array<i32>} : memref<16384xf32, #tpu.memory_space<vmem>>, vector<16xf32>,
        tpu.vector_store %arg13[%parallel_loop3A_354], %parallel_loop3A_323 {strides = array<i32>} : memref<16384xf32, #tpu.memory_space<vmem>>, vector<16xf32>,
        %parallel_loop3A_356 = arith.constant 8 : i32
        %parallel_loop3A_357 = vector.broadcast %parallel_loop3A_356 : i32 to vector<16xi32>
        %parallel_loop3A_358 = arith.addi %parallel_loop3A_286, %parallel_loop3A_357 : vector<16xi32>
        %parallel_loop3A_359 = tpu.vector_load_idx %arg5[%parallel_loop3A_358] : memref<1040xf32, #tpu.memory_space<vmem>>[vector<16xi32>], vector<16xf32>,
        %parallel_loop3A_360 = arith.constant 9 : i32
        %parallel_loop3A_361 = vector.broadcast %parallel_loop3A_360 : i32 to vector<16xi32>
        %parallel_loop3A_362 = arith.addi %parallel_loop3A_286, %parallel_loop3A_361 : vector<16xi32>
        %parallel_loop3A_363 = tpu.vector_load_idx %arg5[%parallel_loop3A_362] : memref<1040xf32, #tpu.memory_space<vmem>>[vector<16xi32>], vector<16xf32>,
        %parallel_loop3A_364 = arith.constant 10 : i32
        %parallel_loop3A_365 = vector.broadcast %parallel_loop3A_364 : i32 to vector<16xi32>
        %parallel_loop3A_366 = arith.addi %parallel_loop3A_286, %parallel_loop3A_365 : vector<16xi32>
        %parallel_loop3A_367 = tpu.vector_load_idx %arg5[%parallel_loop3A_366] : memref<1040xf32, #tpu.memory_space<vmem>>[vector<16xi32>], vector<16xf32>,
        %parallel_loop3A_368 = arith.constant 11 : i32
        %parallel_loop3A_369 = vector.broadcast %parallel_loop3A_368 : i32 to vector<16xi32>
        %parallel_loop3A_370 = arith.addi %parallel_loop3A_286, %parallel_loop3A_369 : vector<16xi32>
        %parallel_loop3A_371 = tpu.vector_load_idx %arg5[%parallel_loop3A_370] : memref<1040xf32, #tpu.memory_space<vmem>>[vector<16xi32>], vector<16xf32>,
        %parallel_loop3A_372 = arith.constant 12 : i32
        %parallel_loop3A_373 = vector.broadcast %parallel_loop3A_372 : i32 to vector<16xi32>
        %parallel_loop3A_374 = arith.addi %parallel_loop3A_286, %parallel_loop3A_373 : vector<16xi32>
        %parallel_loop3A_375 = tpu.vector_load_idx %arg5[%parallel_loop3A_374] : memref<1040xf32, #tpu.memory_space<vmem>>[vector<16xi32>], vector<16xf32>,
        %parallel_loop3A_376 = arith.constant 13 : i32
        %parallel_loop3A_377 = vector.broadcast %parallel_loop3A_376 : i32 to vector<16xi32>
        %parallel_loop3A_378 = arith.addi %parallel_loop3A_286, %parallel_loop3A_377 : vector<16xi32>
        %parallel_loop3A_379 = tpu.vector_load_idx %arg5[%parallel_loop3A_378] : memref<1040xf32, #tpu.memory_space<vmem>>[vector<16xi32>], vector<16xf32>,
        %parallel_loop3A_380 = arith.constant 14 : i32
        %parallel_loop3A_381 = vector.broadcast %parallel_loop3A_380 : i32 to vector<16xi32>
        %parallel_loop3A_382 = arith.addi %parallel_loop3A_286, %parallel_loop3A_381 : vector<16xi32>
        %parallel_loop3A_383 = tpu.vector_load_idx %arg5[%parallel_loop3A_382] : memref<1040xf32, #tpu.memory_space<vmem>>[vector<16xi32>], vector<16xf32>,
        %parallel_loop3A_384 = arith.constant 15 : i32
        %parallel_loop3A_385 = vector.broadcast %parallel_loop3A_384 : i32 to vector<16xi32>
        %parallel_loop3A_386 = arith.addi %parallel_loop3A_286, %parallel_loop3A_385 : vector<16xi32>
        %parallel_loop3A_387 = tpu.vector_load_idx %arg5[%parallel_loop3A_386] : memref<1040xf32, #tpu.memory_space<vmem>>[vector<16xi32>], vector<16xf32>,
        %parallel_loop3A_388 = arith.constant 0 : i32
        %parallel_loop3A_389 = arith.addi %parallel_loop3A_291, %parallel_loop3A_388 : i32
        %parallel_loop3A_390 = arith.index_cast %parallel_loop3A_389 : i32 to index
        %parallel_loop3A_391 = tpu.vector_load %arg14[%parallel_loop3A_390] {strides = array<i32>} : memref<16384xf32, #tpu.memory_space<vmem>>, vector<16xf32>,
        tpu.vector_store %arg14[%parallel_loop3A_390], %parallel_loop3A_359 {strides = array<i32>} : memref<16384xf32, #tpu.memory_space<vmem>>, vector<16xf32>,
        %parallel_loop3A_392 = arith.constant 128 : i32
        %parallel_loop3A_393 = arith.addi %parallel_loop3A_291, %parallel_loop3A_392 : i32
        %parallel_loop3A_394 = arith.index_cast %parallel_loop3A_393 : i32 to index
        %parallel_loop3A_395 = tpu.vector_load %arg14[%parallel_loop3A_394] {strides = array<i32>} : memref<16384xf32, #tpu.memory_space<vmem>>, vector<16xf32>,
        tpu.vector_store %arg14[%parallel_loop3A_394], %parallel_loop3A_363 {strides = array<i32>} : memref<16384xf32, #tpu.memory_space<vmem>>, vector<16xf32>,
        %parallel_loop3A_396 = arith.constant 256 : i32
        %parallel_loop3A_397 = arith.addi %parallel_loop3A_291, %parallel_loop3A_396 : i32
        %parallel_loop3A_398 = arith.index_cast %parallel_loop3A_397 : i32 to index
        %parallel_loop3A_399 = tpu.vector_load %arg14[%parallel_loop3A_398] {strides = array<i32>} : memref<16384xf32, #tpu.memory_space<vmem>>, vector<16xf32>,
        tpu.vector_store %arg14[%parallel_loop3A_398], %parallel_loop3A_367 {strides = array<i32>} : memref<16384xf32, #tpu.memory_space<vmem>>, vector<16xf32>,
        %parallel_loop3A_400 = arith.constant 384 : i32
        %parallel_loop3A_401 = arith.addi %parallel_loop3A_291, %parallel_loop3A_400 : i32
        %parallel_loop3A_402 = arith.index_cast %parallel_loop3A_401 : i32 to index
        %parallel_loop3A_403 = tpu.vector_load %arg14[%parallel_loop3A_402] {strides = array<i32>} : memref<16384xf32, #tpu.memory_space<vmem>>, vector<16xf32>,
        tpu.vector_store %arg14[%parallel_loop3A_402], %parallel_loop3A_371 {strides = array<i32>} : memref<16384xf32, #tpu.memory_space<vmem>>, vector<16xf32>,
        %parallel_loop3A_404 = arith.constant 512 : i32
        %parallel_loop3A_405 = arith.addi %parallel_loop3A_291, %parallel_loop3A_404 : i32
        %parallel_loop3A_406 = arith.index_cast %parallel_loop3A_405 : i32 to index
        %parallel_loop3A_407 = tpu.vector_load %arg14[%parallel_loop3A_406] {strides = array<i32>} : memref<16384xf32, #tpu.memory_space<vmem>>, vector<16xf32>,
        tpu.vector_store %arg14[%parallel_loop3A_406], %parallel_loop3A_375 {strides = array<i32>} : memref<16384xf32, #tpu.memory_space<vmem>>, vector<16xf32>,
        %parallel_loop3A_408 = arith.constant 640 : i32
        %parallel_loop3A_409 = arith.addi %parallel_loop3A_291, %parallel_loop3A_408 : i32
        %parallel_loop3A_410 = arith.index_cast %parallel_loop3A_409 : i32 to index
        %parallel_loop3A_411 = tpu.vector_load %arg14[%parallel_loop3A_410] {strides = array<i32>} : memref<16384xf32, #tpu.memory_space<vmem>>, vector<16xf32>,
        tpu.vector_store %arg14[%parallel_loop3A_410], %parallel_loop3A_379 {strides = array<i32>} : memref<16384xf32, #tpu.memory_space<vmem>>, vector<16xf32>,
        %parallel_loop3A_412 = arith.constant 768 : i32
        %parallel_loop3A_413 = arith.addi %parallel_loop3A_291, %parallel_loop3A_412 : i32
        %parallel_loop3A_414 = arith.index_cast %parallel_loop3A_413 : i32 to index
        %parallel_loop3A_415 = tpu.vector_load %arg14[%parallel_loop3A_414] {strides = array<i32>} : memref<16384xf32, #tpu.memory_space<vmem>>, vector<16xf32>,
        tpu.vector_store %arg14[%parallel_loop3A_414], %parallel_loop3A_383 {strides = array<i32>} : memref<16384xf32, #tpu.memory_space<vmem>>, vector<16xf32>,
        %parallel_loop3A_416 = arith.constant 896 : i32
        %parallel_loop3A_417 = arith.addi %parallel_loop3A_291, %parallel_loop3A_416 : i32
        %parallel_loop3A_418 = arith.index_cast %parallel_loop3A_417 : i32 to index
        %parallel_loop3A_419 = tpu.vector_load %arg14[%parallel_loop3A_418] {strides = array<i32>} : memref<16384xf32, #tpu.memory_space<vmem>>, vector<16xf32>,
        tpu.vector_store %arg14[%parallel_loop3A_418], %parallel_loop3A_387 {strides = array<i32>} : memref<16384xf32, #tpu.memory_space<vmem>>, vector<16xf32>,
      } {sc.loop_unroll_factor = 2 : i64, sc.parallel_access}
      %mul3A_232 = arith.constant 16 : i32
      %mul3A_233 = arith.muli %add3A_213, %mul3A_232 : i32
      %sub3A_234 = arith.constant 16 : i32
      %sub3A_235 = arith.subi %add3A_4, %sub3A_234 : i32
      %min3A_236 = arith.minsi %mul3A_233, %sub3A_235 : i32
      %add3A_237 = arith.addi %add3A_8, %min3A_236 : i32
      %mul3A_238 = arith.constant 1024 : i32
      %mul3A_239 = arith.muli %add3A_237, %mul3A_238 : i32
      %add3A_240 = arith.constant 0 : i32
      %add3A_241 = arith.addi %add3A_240, %mul3A_239 : i32
      %dma_start3A_242 = tpu.memref_slice %arg4[%add3A_241] : memref<51200000xf32, #tpu.memory_space<hbm>> -> memref<16384xf32, #tpu.memory_space<hbm>>
      %dma_start3A_243 = tpu.memref_slice %arg4[%add3A_241] : memref<51200000xf32, #tpu.memory_space<hbm>> -> memref<16384xf32, #tpu.memory_space<hbm>>
      tpu.enqueue_dma source(%arg13 : memref<16384xf32, #tpu.memory_space<vmem>>) target(%dma_start3A_243 : memref<16384xf32, #tpu.memory_space<hbm>>) target_semaphore(%arg20 : memref<!tpu.dma_semaphore, #tpu.memory_space<semaphore_mem>>)
      %mul3A_244 = arith.constant 16 : i32
      %mul3A_245 = arith.muli %add3A_213, %mul3A_244 : i32
      %sub3A_246 = arith.constant 16 : i32
      %sub3A_247 = arith.subi %add3A_4, %sub3A_246 : i32
      %min3A_248 = arith.minsi %mul3A_245, %sub3A_247 : i32
      %add3A_249 = arith.addi %add3A_8, %min3A_248 : i32
      %mul3A_250 = arith.constant 1024 : i32
      %mul3A_251 = arith.muli %add3A_249, %mul3A_250 : i32
      %add3A_252 = arith.constant 25600000 : i32
      %add3A_253 = arith.addi %add3A_252, %mul3A_251 : i32
      %dma_start3A_254 = tpu.memref_slice %arg4[%add3A_253] : memref<51200000xf32, #tpu.memory_space<hbm>> -> memref<16384xf32, #tpu.memory_space<hbm>>
      %dma_start3A_255 = tpu.memref_slice %arg4[%add3A_253] : memref<51200000xf32, #tpu.memory_space<hbm>> -> memref<16384xf32, #tpu.memory_space<hbm>>
      tpu.enqueue_dma source(%arg14 : memref<16384xf32, #tpu.memory_space<vmem>>) target(%dma_start3A_255 : memref<16384xf32, #tpu.memory_space<hbm>>) target_semaphore(%arg20 : memref<!tpu.dma_semaphore, #tpu.memory_space<semaphore_mem>>)
      %add3A_256 = arith.constant 3 : i32
      %add3A_257 = arith.addi %add3A_213, %add3A_256 : i32
      %lt3A_258 = arith.constant 51 : i32
      %lt3A_259 = arith.cmpi slt, %add3A_257, %lt3A_258 : i32
      %convert_element_type3A_260 = arith.extui %lt3A_259 : i1 to i32
      %cond3A_261 = arith.constant 0 : i32
      %cond3A_262 = arith.cmpi ne, %convert_element_type3A_260, %cond3A_261 : i32
      scf.if %cond3A_262 {
        %add3A_263 = arith.constant 3 : i32
        %add3A_264 = arith.addi %add3A_213, %add3A_263 : i32
        %mul3A_265 = arith.constant 16 : i32
        %mul3A_266 = arith.muli %add3A_264, %mul3A_265 : i32
        %sub3A_267 = arith.constant 16 : i32
        %sub3A_268 = arith.subi %add3A_4, %sub3A_267 : i32
        %min3A_269 = arith.minsi %mul3A_266, %sub3A_268 : i32
        %add3A_270 = arith.addi %add3A_8, %min3A_269 : i32
        %mul3A_271 = arith.constant 256 : i32
        %mul3A_272 = arith.muli %add3A_270, %mul3A_271 : i32
        %dma_start3A_273 = tpu.memref_slice %arg2[%mul3A_272] : memref<6400000xi32, #tpu.memory_space<hbm>> -> memref<4096xi32, #tpu.memory_space<hbm>>
        %dma_start3A_274 = tpu.memref_slice %arg2[%mul3A_272] : memref<6400000xi32, #tpu.memory_space<hbm>> -> memref<4096xi32, #tpu.memory_space<hbm>>
        tpu.enqueue_dma source(%dma_start3A_274 : memref<4096xi32, #tpu.memory_space<hbm>>) target(%arg8 : memref<4096xi32, #tpu.memory_space<vmem>>) target_semaphore(%arg17 : memref<!tpu.dma_semaphore, #tpu.memory_space<semaphore_mem>>)
      } else {
      }
    }
    %scan3A_41 = arith.constant 17 : i32
    %sub3A_42 = arith.constant 16 : i32
    %sub3A_43 = arith.subi %add3A_4, %sub3A_42 : i32
    %min3A_44 = arith.constant 768 : i32
    %min3A_45 = arith.minsi %min3A_44, %sub3A_43 : i32
    %add3A_46 = arith.addi %add3A_8, %min3A_45 : i32
    %mul3A_47 = arith.constant 1024 : i32
    %mul3A_48 = arith.muli %add3A_46, %mul3A_47 : i32
    %add3A_49 = arith.constant 0 : i32
    %add3A_50 = arith.addi %add3A_49, %mul3A_48 : i32
    %dma_wait3A = tpu.memref_slice %arg4[%add3A_50] : memref<51200000xf32, #tpu.memory_space<hbm>> -> memref<16384xf32, #tpu.memory_space<hbm>>
    %dma_wait3A_51 = tpu.memref_slice %arg4[%add3A_50] : memref<51200000xf32, #tpu.memory_space<hbm>> -> memref<16384xf32, #tpu.memory_space<hbm>>
    tpu.wait_dma2 semaphore(%arg18 : memref<!tpu.dma_semaphore, #tpu.memory_space<semaphore_mem>>) src(%arg9 : memref<16384xf32, #tpu.memory_space<vmem>>) dst(%dma_wait3A_51 : memref<16384xf32, #tpu.memory_space<hbm>>)
    %sub3A_52 = arith.constant 16 : i32
    %sub3A_53 = arith.subi %add3A_4, %sub3A_52 : i32
    %min3A_54 = arith.constant 768 : i32
    %min3A_55 = arith.minsi %min3A_54, %sub3A_53 : i32
    %add3A_56 = arith.addi %add3A_8, %min3A_55 : i32
    %mul3A_57 = arith.constant 1024 : i32
    %mul3A_58 = arith.muli %add3A_56, %mul3A_57 : i32
    %add3A_59 = arith.constant 25600000 : i32
    %add3A_60 = arith.addi %add3A_59, %mul3A_58 : i32
    %dma_wait3A_61 = tpu.memref_slice %arg4[%add3A_60] : memref<51200000xf32, #tpu.memory_space<hbm>> -> memref<16384xf32, #tpu.memory_space<hbm>>
    %dma_wait3A_62 = tpu.memref_slice %arg4[%add3A_60] : memref<51200000xf32, #tpu.memory_space<hbm>> -> memref<16384xf32, #tpu.memory_space<hbm>>
    tpu.wait_dma2 semaphore(%arg18 : memref<!tpu.dma_semaphore, #tpu.memory_space<semaphore_mem>>) src(%arg10 : memref<16384xf32, #tpu.memory_space<vmem>>) dst(%dma_wait3A_62 : memref<16384xf32, #tpu.memory_space<hbm>>)
    %sub3A_63 = arith.constant 16 : i32
    %sub3A_64 = arith.subi %add3A_4, %sub3A_63 : i32
    %min3A_65 = arith.constant 784 : i32
    %min3A_66 = arith.minsi %min3A_65, %sub3A_64 : i32
    %add3A_67 = arith.addi %add3A_8, %min3A_66 : i32
    %mul3A_68 = arith.constant 1024 : i32
    %mul3A_69 = arith.muli %add3A_67, %mul3A_68 : i32
    %add3A_70 = arith.constant 0 : i32
    %add3A_71 = arith.addi %add3A_70, %mul3A_69 : i32
    %dma_wait3A_72 = tpu.memref_slice %arg4[%add3A_71] : memref<51200000xf32, #tpu.memory_space<hbm>> -> memref<16384xf32, #tpu.memory_space<hbm>>
    %dma_wait3A_73 = tpu.memref_slice %arg4[%add3A_71] : memref<51200000xf32, #tpu.memory_space<hbm>> -> memref<16384xf32, #tpu.memory_space<hbm>>
    tpu.wait_dma2 semaphore(%arg19 : memref<!tpu.dma_semaphore, #tpu.memory_space<semaphore_mem>>) src(%arg11 : memref<16384xf32, #tpu.memory_space<vmem>>) dst(%dma_wait3A_73 : memref<16384xf32, #tpu.memory_space<hbm>>)
    %sub3A_74 = arith.constant 16 : i32
    %sub3A_75 = arith.subi %add3A_4, %sub3A_74 : i32
    %min3A_76 = arith.constant 784 : i32
    %min3A_77 = arith.minsi %min3A_76, %sub3A_75 : i32
    %add3A_78 = arith.addi %add3A_8, %min3A_77 : i32
    %mul3A_79 = arith.constant 1024 : i32
    %mul3A_80 = arith.muli %add3A_78, %mul3A_79 : i32
    %add3A_81 = arith.constant 25600000 : i32
    %add3A_82 = arith.addi %add3A_81, %mul3A_80 : i32
    %dma_wait3A_83 = tpu.memref_slice %arg4[%add3A_82] : memref<51200000xf32, #tpu.memory_space<hbm>> -> memref<16384xf32, #tpu.memory_space<hbm>>
    %dma_wait3A_84 = tpu.memref_slice %arg4[%add3A_82] : memref<51200000xf32, #tpu.memory_space<hbm>> -> memref<16384xf32, #tpu.memory_space<hbm>>
    tpu.wait_dma2 semaphore(%arg19 : memref<!tpu.dma_semaphore, #tpu.memory_space<semaphore_mem>>) src(%arg12 : memref<16384xf32, #tpu.memory_space<vmem>>) dst(%dma_wait3A_84 : memref<16384xf32, #tpu.memory_space<hbm>>)
    %sub3A_85 = arith.constant 16 : i32
    %sub3A_86 = arith.subi %add3A_4, %sub3A_85 : i32
    %min3A_87 = arith.constant 800 : i32
    %min3A_88 = arith.minsi %min3A_87, %sub3A_86 : i32
    %add3A_89 = arith.addi %add3A_8, %min3A_88 : i32
    %mul3A_90 = arith.constant 1024 : i32
    %mul3A_91 = arith.muli %add3A_89, %mul3A_90 : i32
    %add3A_92 = arith.constant 0 : i32
    %add3A_93 = arith.addi %add3A_92, %mul3A_91 : i32
    %dma_wait3A_94 = tpu.memref_slice %arg4[%add3A_93] : memref<51200000xf32, #tpu.memory_space<hbm>> -> memref<16384xf32, #tpu.memory_space<hbm>>
    %dma_wait3A_95 = tpu.memref_slice %arg4[%add3A_93] : memref<51200000xf32, #tpu.memory_space<hbm>> -> memref<16384xf32, #tpu.memory_space<hbm>>
    tpu.wait_dma2 semaphore(%arg20 : memref<!tpu.dma_semaphore, #tpu.memory_space<semaphore_mem>>) src(%arg13 : memref<16384xf32, #tpu.memory_space<vmem>>) dst(%dma_wait3A_95 : memref<16384xf32, #tpu.memory_space<hbm>>)
    %sub3A_96 = arith.constant 16 : i32
    %sub3A_97 = arith.subi %add3A_4, %sub3A_96 : i32
    %min3A_98 = arith.constant 800 : i32
    %min3A_99 = arith.minsi %min3A_98, %sub3A_97 : i32
    %add3A_100 = arith.addi %add3A_8, %min3A_99 : i32
    %mul3A_101 = arith.constant 1024 : i32
    %mul3A_102 = arith.muli %add3A_100, %mul3A_101 : i32
    %add3A_103 = arith.constant 25600000 : i32
    %add3A_104 = arith.addi %add3A_103, %mul3A_102 : i32
    %dma_wait3A_105 = tpu.memref_slice %arg4[%add3A_104] : memref<51200000xf32, #tpu.memory_space<hbm>> -> memref<16384xf32, #tpu.memory_space<hbm>>
    %dma_wait3A_106 = tpu.memref_slice %arg4[%add3A_104] : memref<51200000xf32, #tpu.memory_space<hbm>> -> memref<16384xf32, #tpu.memory_space<hbm>>
    tpu.wait_dma2 semaphore(%arg20 : memref<!tpu.dma_semaphore, #tpu.memory_space<semaphore_mem>>) src(%arg14 : memref<16384xf32, #tpu.memory_space<vmem>>) dst(%dma_wait3A_106 : memref<16384xf32, #tpu.memory_space<hbm>>)
    return
  }
}

</mosaic_0001>

<sc_bundles>
// kernel: kernel.3.cloned.1.call-start
scs
__scs_entry_jumppad:
0x0: {  	(pc) =	sbr.rel $0x88, $3  }
0x1: {  	(tag) =	ssettag $0x0;
	lr =	simm.s32 $0x1  }
0x2: {  	[smem:$0x3F9F] =	sst lr;
	_ =	strace $0xD0000000  }
0x3: {  	_ = 	snop  }
0x4: {  	_ = 	snop  }
0x5: {  	_ = 	snop  }
0x6: {  	_ = 	snop  }
0x7: {  	_ = 	snop  }
__scs_overlays_trampoline_lowered:
0x8: {  	[smem:$0x3FAE] =	sst s0  }
0x9: {  	[smem:$0x3FAF] =	sst s1  }
0xa: {  	[smem:$0x3FB0] =	sst s2  }
0xb: {  	[smem:$0x3FB1] =	sst s3  }
0xc: {  	[smem:$0x3FB2] =	sst s4  }
0xd: {  	[smem:$0x3FB3] =	sst s5  }
0xe: {  	[smem:$0x3FB4] =	sst s6  }
0xf: {  	[smem:$0x3FB5] =	sst s7  }
0x10: {  	[smem:$0x3FB6] =	sst s8  }
0x11: {  	[smem:$0x3FB7] =	sst s9;
	s0 =	simm.s32 @!p0 $0x0  }
0x12: {  	s1 =	sld [smem:$0x3F9D];
	s0 =	simm.s32 @p0 $0x1  }
0x13: {  	[smem:$0x3FB8] =	sst s0;
	s0 =	simm.s32 @!p1 $0x0  }
0x14: {  	s2 =	sld [smem:$0x3F9C];
	s0 =	simm.s32 @p1 $0x1  }
0x15: {  	[smem:$0x3FB9] =	sst s0;
	s0 =	simm.s32 @!p2 $0x0  }
0x16: {  	s3 =	sld [smem:$0x3FDB];
	s0 =	simm.s32 @p2 $0x1  }
0x17: {  	s4 =	simm.s32 $0x1BF5;
	[smem:$0x3FBB] =	sst s0  }
0x18: {  	s0 =	sld [smem:$0x3F9E];
	_ =	swait.ge [sflag:s4], $0x0  }
0x19: {  	s7 =	sld [smem:$0x3F9F]  }
0x1a: {  	s8 =	sadd.s32 $0xFFFFE003, lr  }
0x1b: {  	s9 =	sadd.s32 $0xFFFFFEF7, lr;
	s5 =	simm.s32 $0xFFFFFFFF;
	p2 =	slt.u32 s8, $0xFFFFF086  }
0x1c: {  	p1 =	slt.u32 s9, $0xF7A;
	s5 =	simm.s32 @!p2 $0x0  }
0x1d: {  	s5 =	simm.s32 @p1 $0x1;
	p0 =	seq.s32 s7, s2  }
0x1e: {  	s7 =	smul.u32 @!p0 $0xF7A, s2;
	p2 =	seq.s32 @!p0 s5, $0x0  }
0x1f: {  	s9 =	smul.u32 $0xF7A, s1;
	s8 =	simm.s32 @!p0 $0x1BF5;
	p2 =	por !p2, p0  }
0x20: {  	[sflag:s8] =	ssyncset.s32 @!p0 $0xFFFFF086;
	s6 =	sadd.s32 @!p0 s3, s7;
	s7 =	simm.s32 @!p0 $0x108  }
0x21: {  	s3 =	sadd.s32 s3, s9;
	s6 =	sadd.s32 @!p0 $0x88, s6;
	s7 =	simm.s32 @p2 $0x1082  }
0x22: {  	[simem:s7], [sflag:s8] =	dma.local @!p0 [hbm:s6], $0xF7A  }
0x23: {  	s9 =	sor.u32 $0xD0000000, s2;
	s6 =	simm.s32 $0x108;
	_ =	swait.ge @!p0 [sflag:s8], $0x0  }
0x24: {  	s3 =	sadd.s32 $0x88, s3;
	s6 =	simm.s32 @!p1 $0x1082;
	[sflag:s4] =	ssyncset.s32 $0xFFFFF086  }
0x25: {  	[simem:s6], [sflag:s4] =	dma.local [hbm:s3], $0xF7A  }
0x26: {  	[smem:$0x3F9F] =	sst s1;
	(tag) =	ssettag s2;
	_ =	strace s9  }
0x27: {  	s1 =	sld [smem:$0x3FAF]  }
0x28: {  	s2 =	sld [smem:$0x3FB0]  }
0x29: {  	s4 =	sld [smem:$0x3FB2]  }
0x2a: {  	p0 =	seq.s32 s5, $0x0;
	s5 =	sld [smem:$0x3FB3]  }
0x2b: {  	s6 =	sld [smem:$0x3FB4]  }
0x2c: {  	s7 =	sld [smem:$0x3FB5]  }
0x2d: {  	s3 =	simm.s32 $0x108;
	s8 =	sld [smem:$0x3FB6]  }
0x2e: {  	s3 =	simm.s32 @!p0 $0x1082;
	s9 =	sld [smem:$0x3FB7]  }
0x2f: {  	lr =	sadd.s32 s0, s3;
	s0 =	sld [smem:$0x3FAE]  }
0x30: {  	s3 =	sld [smem:$0x3FB1]  }
0x31: {  	[smem:$0x3FBA] =	sst s10  }
0x32: {  	s10 =	sld [smem:$0x3FB8];
	_ =	sdelay $0x3  }
0x33: {  	p0 =	seq.s32 s10, $0x1;
	s10 =	sld [smem:$0x3FBA];
	_ =	sdelay $0x3  }
0x34: {  	[smem:$0x3FBA] =	sst s10  }
0x35: {  	s10 =	sld [smem:$0x3FB9];
	_ =	sdelay $0x3  }
0x36: {  	p1 =	seq.s32 s10, $0x1;
	s10 =	sld [smem:$0x3FBA];
	_ =	sdelay $0x3  }
0x37: {  	[smem:$0x3FBA] =	sst s10  }
0x38: {  	s10 =	sld [smem:$0x3FBB]  }
0x39: {  	_ = 	snop;
	(pc) =	sbr.ind lr, $3  }
0x3a: {  	_ = 	snop  }
0x3b: {  	_ = 	snop  }
0x3c: {  	p2 =	seq.s32 s10, $0x1;
	s10 =	sld [smem:$0x3FBA]  }
0x3d: {  	_ =	shalt  }
0x3e: {  	_ =	shalt  }
0x3f: {  	_ =	shalt  }
0x40: {  	_ =	shalt  }
0x41: {  	_ =	shalt  }
0x42: {  	_ =	shalt  }
0x43: {  	_ =	shalt  }
0x44: {  	_ =	shalt  }
0x45: {  	_ =	shalt  }
0x46: {  	_ =	shalt  }
0x47: {  	_ =	shalt  }
0x48: {  	_ =	shalt  }
0x49: {  	_ =	shalt  }
0x4a: {  	_ =	shalt  }
0x4b: {  	_ =	shalt  }
0x4c: {  	_ =	shalt  }
0x4d: {  	_ =	shalt  }
0x4e: {  	_ =	shalt  }
0x4f: {  	_ =	shalt  }
0x50: {  	_ =	shalt  }
0x51: {  	_ =	shalt  }
0x52: {  	_ =	shalt  }
0x53: {  	_ =	shalt  }
0x54: {  	_ =	shalt  }
0x55: {  	_ =	shalt  }
0x56: {  	_ =	shalt  }
0x57: {  	_ =	shalt  }
0x58: {  	_ =	shalt  }
0x59: {  	_ =	shalt  }
0x5a: {  	_ =	shalt  }
0x5b: {  	_ =	shalt  }
0x5c: {  	_ =	shalt  }
0x5d: {  	_ =	shalt  }
0x5e: {  	_ =	shalt  }
0x5f: {  	_ =	shalt  }
0x60: {  	_ =	shalt  }
0x61: {  	_ =	shalt  }
0x62: {  	_ =	shalt  }
0x63: {  	_ =	shalt  }
0x64: {  	_ =	shalt  }
0x65: {  	_ =	shalt  }
0x66: {  	_ =	shalt  }
0x67: {  	_ =	shalt  }
0x68: {  	_ =	shalt  }
0x69: {  	_ =	shalt  }
0x6a: {  	_ =	shalt  }
0x6b: {  	_ =	shalt  }
0x6c: {  	_ =	shalt  }
0x6d: {  	_ =	shalt  }
0x6e: {  	_ =	shalt  }
0x6f: {  	_ =	shalt  }
0x70: {  	_ =	shalt  }
0x71: {  	_ =	shalt  }
0x72: {  	_ =	shalt  }
0x73: {  	_ =	shalt  }
0x74: {  	_ =	shalt  }
0x75: {  	_ =	shalt  }
0x76: {  	_ =	shalt  }
0x77: {  	_ =	shalt  }
0x78: {  	_ =	shalt  }
0x79: {  	_ =	shalt  }
0x7a: {  	_ =	shalt  }
0x7b: {  	_ =	shalt  }
0x7c: {  	_ =	shalt  }
0x7d: {  	_ =	shalt  }
0x7e: {  	_ =	shalt  }
0x7f: {  	_ =	shalt  }
0x80: {  	_ =	shalt  }
0x81: {  	_ =	shalt  }
0x82: {  	_ =	shalt  }
0x83: {  	_ =	shalt  }
0x84: {  	_ =	shalt  }
0x85: {  	_ =	shalt  }
0x86: {  	_ =	shalt  }
0x87: {  	_ =	shalt  }
.Lfunc_end0:
.L_simem_size_0:
called_computation_lowered:
.L_overlay_start_0:
0x88: {  	s2 =	sld [smem:$0x3FD9]  }
0x89: {  	s3 =	sld [smem:$0x3FFE];
	_ =	sdelay $0x1  }
0x8a: {  	s1 =	srdreg.scid  }
0x8b: {  	s0 =	sand.u32 $0x1, s1  }
0x8c: {  	s17 =	sshll.u32 s0, $0xA;
	s2 =	sadd.s32 s3, s2  }
0x8d: {  	s2 =	sadd.s32 s2, s17  }
0x8e: {  	[smem:$0x3FC6] =	sst s2  }
0x8f: {  	_ = 	snop  }
0x90: {  	s2 =	sld [smem:$0x3FC9]  }
0x91: {  	s18 =	sld [smem:$0x3FD0];
	(tm) =	ssettm $0x1  }
0x92: {  	s4 =	sld [smem:$0x3FFB];
	_ =	sdelay $0x3  }
0x93: {  	_ =	strace s4  }
0x94: {  	s4 =	sld [smem:$0x3FFC];
	_ =	sdelay $0x3  }
0x95: {  	_ =	strace s4  }
0x96: {  	s4 =	sld [smem:$0x3FFD];
	_ =	sdelay $0x3  }
0x97: {  	_ =	strace s4  }
0x98: {  	_ =	strace $0x8FFFFFFF  }
0x99: {  	s19 =	sld [smem:$0x3FDB];
	_ =	sdelay $0x1  }
0x9a: {  	s5 =	simm.s32 $_scs_section_size  }
0x9b: {  	s6 =	simm.s32 $_size__tile_overlayer_lowered;
	s7 =	simm.s32 $_tile_overlayer_lowered  }
0x9c: {  	s22 =	simm.s32 $0x1BFF;
	s21 =	sshll.u32 s7, $0x1;
	s4 =	sadd.s32 s5, s19  }
0x9d: {  	s8 =	simm.s32 $0x0;
	s20 =	sshll.u32 s6, $0x1;
	s6 =	sadd.s32 s21, s4  }
0x9e: {  	[timem:s8], [sflag:s22] =	dma.local [hbm:s6], s20  }
0x9f: {  	_ =	swait.ge [sflag:s22], s20  }
0xa0: {  	s5 =	ssub.s32 $0x0, s20;
	[sflag:s22] =	ssyncset.done $0x0  }
0xa1: {  	[sflag:s22] =	ssyncadd.s32 s5;
	_ =	sdelay $0x1  }
0xa2: {  	s23 =	simm.s32 $0x1B8B  }
0xa3: {  	_ =	swait.ge [sflag:s23], $0x1  }
0xa4: {  	[sflag:s23] =	ssyncset.done $0x0  }
0xa5: {  	s25 =	simm.s32 $0x1B8E;
	s24 =	sld [smem:$0x3FFE];
	[sflag:s23] =	ssyncadd.s32 $0xFFFFFFFF  }
0xa6: {  	s26 =	simm.s32 $execute0_lowered;
	[smem:$0x3FD2] =	sst s25  }
0xa7: {  	s6 =	sshll.u32 s26, $0x1;
	_ =	strace $0x80000046;
	[dreg:$0x1] =	wrdreg $0xFFFFFFFF  }
0xa8: {  	s28 =	simm.s32 $_size_execute0_lowered;
	s4 =	sadd.s32 s4, s6;
	[dreg:$0x0] =	wrdreg $0x0  }
0xa9: {  	s6 =	sshll.u32 s28, $0x1;
	[dreg:$0x2] =	wrdreg s4  }
0xaa: {  	[dreg:$0x3] =	wrdreg s6  }
0xab: {  	[dreg:$0x4] =	wrdreg $0xC0  }
0xac: {  	_ =	task [dreg:s8], $0x5FFFF  }
0xad: {  	[dreg:$0x1] =	wrdreg $0xFFFFFFFF  }
0xae: {  	[dreg:$0x0] =	wrdreg $0x60  }
0xaf: {  	[dreg:$0x2] =	wrdreg s2  }
0xb0: {  	[dreg:$0x3] =	wrdreg s24  }
0xb1: {  	[dreg:$0x4] =	wrdreg s18  }
0xb2: {  	[dreg:$0x5] =	wrdreg $0x9  }
0xb3: {  	_ =	task.clear_ibuf [dreg:s8], $0x6FFFF;
	_ =	strace $0x90000046  }
0xb4: {  	s29 =	simm.s32 $0x9;
	_ =	strace $0x80000048  }
0xb5: {  	_ =	swait.ge [sflag:s29], $0x1  }
0xb6: {  	[sflag:s29] =	ssyncadd.s32 $0xFFFFFFFF  }
0xb7: {  	_ =	strace $0x90000048  }
0xb8: {  	_ =	sfence  }
0xb9: {  	s30 =	sld [smem:$0x0];
	_ =	sdelay $0x2  }
0xba: {  	s31 =	sshll.u32 s1, $0xD;
	s1 =	sshrl.u32 s1, $0x2  }
0xbb: {  	s3 =	sand.u32 $0x4000, s31;
	s1 =	sadd.s32 s1, s30  }
0xbc: {  	s0 =	sor.u32 s3, s0;
	s1 =	sshll.u32 s1, $0x11  }
0xbd: {  	s0 =	sor.u32 s1, s0  }
0xbe: {  	s0 =	sadd.s32 $0x8F2B, s0  }
0xbf: {  	[sflag:s0] =	ssyncadd.remote.s32 $0x1  }
0xc0: {  	_ =	sfence.sel $0xFFFF  }
0xc1: {  	[dreg:$0x0] =	wrdreg $0xFFFFFFFF;
	(pc) =	sbr.abs _section_cstart, $3  }
0xc2: {  	[dreg:$0x1] =	wrdreg $0xFFFFFFFF  }
0xc3: {  	_ =	task.clear_ibuf [dreg:s8], $0x2FFFF;
	_ =	strace $0x9FFFFFFF  }
0xc4: {  	(tm) =	ssettm $0x7FFFFFFF  }
0xc5: {  	_ =	shalt  }
tec
execute0_lowered:
.L_overlay_start_1:
0x0: {  	(tag) =	ssettag $0x1  }
0x1: {  	s1 =	rddreg [dreg:$0x0]  }
0x2: {  	s0 =	rddreg [dreg:$0x1];
	s2 =	srdreg.scid  }
0x3: {  	s7 =	stileid.u32;
	s3 =	rddreg [dreg:$0x2];
	v2 =	vimm.s32 $0x7654321  }
0x4: {  	s4 =	simm.s32 $0x0;
	v4 =	vimm.s32 $0x10765432;
	v6 =	vimm.s32 $0x21076543;
	s16 =	simm.s32 $0x2410;
	s17 =	simm.s32 $0x1  }
0x5: {  	v1 =	vlaneseq.u32;
	v8 =	vimm.s32 $0x32107654;
	v10 =	vimm.s32 $0x43210765;
	s18 =	simm.s32 $0x3410;
	s19 =	simm.s32 $0x7410;
	s20 =	simm.s32 $0x2  }
0x6: {  	v12 =	vimm.s32 $0x65432107;
	s21 =	simm.s32 $0xB410;
	s22 =	simm.s32 $0xF410;
	s23 =	simm.s32 $0x3;
	v0 =	vmul.u32 $0x41, v1;
	v1 =	vand.u32 $0x7, v1  }
0x7: {  	s24 =	simm.s32 $0x13410;
	s2 =	sand.u32 $0x1, s2;
	s5 =	sshll.u32 s7, $0x1;
	v3 =	vunpack.c.l.s4.s8 v2;
	v5 =	vunpack.c.l.s4.s8 v4;
	v7 =	vunpack.c.l.s4.s8 v6  }
0x8: {  	s25 =	simm.s32 $0x17410;
	[smem:$0x7FF] =	sst s4;
	v9 =	vunpack.c.l.s4.s8 v8;
	v11 =	vunpack.c.l.s4.s8 v10;
	v10 =	vimm.s32 $0x54321076;
	s5 =	sor.u32 s2, s5  }
0x9: {  	s0 =	sadd.s32 $0x400, s0;
	v15 =	vunpack.c.l.s4.s8 v12;
	s2 =	ssub.s32 $0x2, s2;
	v13 =	vunpack.c.l.s4.s8 v10;
	s6 =	smul.u32 $0x30D, s5;
	v2 =	vadd.s32 $0x1, v0  }
0xa: {  	_ =	strace $0x80000047;
	s5 =	smin.u32 s5, $0x8;
	s30 =	sshrl.u32 s2, $0x1;
	v3 =	vunpack.c.0.s8.s32 v3;
	v4 =	vadd.s32 $0x2, v0;
	v5 =	vunpack.c.0.s8.s32 v5  }
0xb: {  	[dreg:$0x4] =	wrdreg s0;
	v6 =	vadd.s32 $0x3, v0;
	v7 =	vunpack.c.0.s8.s32 v7;
	v8 =	vadd.s32 $0x4, v0;
	s0 =	ssub.s32 s2, s30;
	s6 =	sadd.s32 s5, s6  }
.Ltmp0:
0xc: {  	v9 =	vunpack.c.0.s8.s32 v9;
	v10 =	vadd.s32 $0x5, v0;
	v11 =	vunpack.c.0.s8.s32 v11;
	s0 =	smax.u32 s0, $0x1;
	s5 =	sshll.u32 s6, $0x5;
	(pc) =	sbr.rel .LBB2_1-.Ltmp0, $4  }
0xd: {  	p0 =	slt.u32 s7, $0x4;
	v12 =	vadd.s32 $0x6, v0;
	v14 =	vadd.s32 $0x7, v0;
	v15 =	vunpack.c.0.s8.s32 v15;
	[dreg:$0x8] =	wrdreg s0;
	s31 =	sadd.s32 s1, s5  }
0xe: {  	s7 =	simm.s32 $0x2FE;
	v16 =	vadd.s32 $0x8, v0;
	v17 =	vadd.s32 $0x9, v0;
	v18 =	vadd.s32 $0xA, v0;
	s5 =	sadd.s32 $0x200, s31;
	[dreg:$0x5] =	wrdreg s31  }
0xf: {  	s11 =	sadd.s32 $0x30D400, s3;
	v19 =	vadd.s32 $0xB, v0;
	v20 =	vadd.s32 $0xC, v0;
	v21 =	vadd.s32 $0xD, v0;
	s2 =	sadd.s32 $0x400, s31;
	[dreg:$0x6] =	wrdreg s5  }
0x10: {  	s7 =	simm.s32 @!p0 $0x2FD;
	v22 =	vadd.s32 $0xE, v0;
	v23 =	vadd.s32 $0xF, v0;
	v13 =	vunpack.c.0.s8.s32 v13;
	[dreg:$0x7] =	wrdreg s2;
	s5 =	simm.s32 $0x0  }
.LBB2_10:
0x11: {  	s0 =	simm.s32 $0x4  }
0x12: {  	_ =	swait.ge [sflag:s0], $0x4000  }
0x13: {  	[sflag:s0] =	ssyncset.done $0x0  }
0x14: {  	[sflag:s0] =	ssyncadd.s32 $0xFFFFC000  }
0x15: {  	_ =	swait.ge [sflag:s0], $0x4000  }
0x16: {  	[sflag:s0] =	ssyncset.done $0x0  }
0x17: {  	s30 =	simm.s32 $0x5;
	[sflag:s0] =	ssyncadd.s32 $0xFFFFC000  }
0x18: {  	_ =	swait.ge [sflag:s30], $0x4000  }
0x19: {  	[sflag:s30] =	ssyncset.done $0x0  }
0x1a: {  	[sflag:s30] =	ssyncadd.s32 $0xFFFFC000  }
0x1b: {  	_ =	swait.ge [sflag:s30], $0x4000  }
0x1c: {  	[sflag:s30] =	ssyncset.done $0x0  }
0x1d: {  	s2 =	simm.s32 $0x6;
	[sflag:s30] =	ssyncadd.s32 $0xFFFFC000  }
0x1e: {  	_ =	swait.ge [sflag:s2], $0x4000  }
0x1f: {  	[sflag:s2] =	ssyncset.done $0x0  }
0x20: {  	[sflag:s2] =	ssyncadd.s32 $0xFFFFC000  }
0x21: {  	_ =	swait.ge [sflag:s2], $0x4000  }
0x22: {  	s5 =	rddreg [dreg:$0x9]  }
0x23: {  	s31 =	rddreg [dreg:$0x8];
	s5 =	sadd.s32 $0x1, s5  }
0x24: {  	p0 =	sne.s32 s5, s31  }
.Ltmp1:
0x25: {  	_ = 	snop;
	(pc) =	sbr.rel @!p0 .LBB2_11-.Ltmp1, $3  }
0x26: {  	_ =	sdelay $0x1  }
0x27: {  	[sflag:s2] =	ssyncset.done $0x0  }
0x28: {  	[sflag:s2] =	ssyncadd.s32 $0xFFFFC000  }
.LBB2_1:
0x29: {  	[dreg:$0x9] =	wrdreg s5  }
0x2a: {  	s0 =	rddreg [dreg:$0x4];
	s15 =	simm.s32 $0x7  }
0x2b: {  	[tilespmem:s4], [sflag:$0x7] =	stream.linear.gather [hbm4b:s0+s4], $0x410, $0x38;
	[tilespmem:$0x1B410] =	vst v63  }
0x2c: {  	_ =	swait.ge [sflag:s15], $0x410  }
0x2d: {  	[sflag:s15] =	ssyncset.done $0x0  }
0x2e: {  	s2 =	simm.s32 $0x410;
	s26 =	rddreg [dreg:$0x5];
	[sflag:s15] =	ssyncadd.s32 $0xFFFFFBF0  }
0x2f: {  	[tilespmem:s2], [sflag:$0x1] =	stream.linear.gather [hbm4b:s26+s4], $0x1000, $0x38;
	[tilespmem:$0x1B410] =	vst v63  }
0x30: {  	s29 =	simm.s32 $0x1410;
	s28 =	rddreg [dreg:$0x6]  }
0x31: {  	[tilespmem:s29], [sflag:$0x2] =	stream.linear.gather [hbm4b:s28+s4], $0x1000, $0x38;
	[tilespmem:$0x1B410] =	vst v63  }
0x32: {  	s31 =	simm.s32 $0x0;
	s30 =	rddreg [dreg:$0x7]  }
0x33: {  	[tilespmem:s16], [sflag:$0x3] =	stream.linear.gather [hbm4b:s30+s4], $0x1000, $0x38;
	[tilespmem:$0x1B410] =	vst v63  }
.LBB2_2:
0x34: {  	_ =	swait.ge [sflag:s17], $0x1000  }
0x35: {  	p0 =	seq.s32 s31, $0x0;
	[sflag:s17] =	ssyncset.done $0x0  }
0x36: {  	s2 =	simm.s32 @!p0 $0x4;
	[sflag:s17] =	ssyncadd.s32 $0xFFFFF000  }
0x37: {  	_ =	swait.ge @!p0 [sflag:s2], $0x4000  }
0x38: {  	s5 =	simm.s32 $0x0;
	[sflag:s2] =	ssyncset.done @!p0 $0x0  }
0x39: {  	s0 =	sand.u32 $0x7FFFFC00, s5;
	[sflag:s2] =	ssyncadd.s32 @!p0 $0xFFFFC000  }
0x3a: {  	s8 =	sand.u32 $0x60, s5;
	s14 =	sshrl.u32 s0, $0x2;
	_ =	swait.ge @!p0 [sflag:s2], $0x4000  }
0x3b: {  	s9 =	sor.u32 $0x10, s8;
	s5 =	sadd.s32 $0x410, s14;
	[sflag:s2] =	ssyncset.done @!p0 $0x0  }
0x3c: {  	s15 =	sadd.s32 s9, s5;
	[sflag:s2] =	ssyncadd.s32 @!p0 $0xFFFFC000  }
0x3d: {  	v24 =	vld [tilespmem:s15+$0x0]  }
0x3e: {  	s26 =	sor.u32 s8, s5;
	v25 =	vld [tilespmem:s15+$0x80]  }
0x3f: {  	v28 =	vld [tilespmem:s26+$0x0]  }
0x40: {  	v30 =	vld [tilespmem:s26+$0x80];
	_ =	sdelay $0x3  }
0x41: {  	v24 =	vshll.u32 v24, $0x5;
	v25 =	vshll.u32 v25, $0x4  }
0x42: {  	v28 =	vshll.u32 v28, $0x5;
	v30 =	vshll.u32 v30, $0x4;
	v24 =	vadd.s32 v24, v25  }
0x43: {  	v30 =	vadd.s32 v28, v30;
	v25 =	vadd.s32 v0, v24;
	v26 =	vadd.s32 v2, v24  }
0x44: {  	v27 =	vadd.s32 v4, v24;
	v29 =	vadd.s32 v6, v24;
	v31 =	vadd.s32 v8, v24  }
0x45: {  	v32 =	vadd.s32 v10, v24;
	v33 =	vadd.s32 v12, v24;
	v34 =	vadd.s32 v14, v24  }
0x46: {  	s28 =	simm.s32 $0x100;
	v35 =	vadd.s32 v2, v30;
	v36 =	vadd.s32 v4, v30;
	v37 =	vadd.s32 v6, v30  }
0x47: {  	s29 =	simm.s32 $0x20;
	s2 =	sand.u32 $0x7FFFFC00, s28;
	v38 =	vadd.s32 v8, v30;
	v39 =	vadd.s32 v10, v30;
	v40 =	vadd.s32 v12, v30  }
0x48: {  	s5 =	sand.u32 $0x60, s29;
	s10 =	sshrl.u32 s2, $0x2;
	v41 =	vadd.s32 v14, v30;
	v54 =	vadd.s32 v18, v24;
	v25 =	vand.u32 $0xFFFFFFF8, v25  }
0x49: {  	s30 =	sor.u32 $0x10, s5;
	s12 =	sadd.s32 $0x410, s10;
	v56 =	vadd.s32 v19, v24;
	v26 =	vand.u32 $0xFFFFFFF8, v26;
	v25 =	vor.u32 v1, v25  }
0x4a: {  	s13 =	sadd.s32 s30, s12;
	v57 =	vadd.s32 v20, v24;
	v27 =	vand.u32 $0xFFFFFFF8, v27;
	v26 =	vor.u32 v3, v26  }
0x4b: {  	v58 =	vld [tilespmem:s13+$0x0];
	v60 =	vadd.s32 v21, v24;
	v29 =	vand.u32 $0xFFFFFFF8, v29;
	v27 =	vor.u32 v5, v27  }
0x4c: {  	s12 =	sor.u32 s5, s12;
	v44 =	vld [tilespmem:s13+$0x80];
	v45 =	vadd.s32 v17, v30;
	v31 =	vand.u32 $0xFFFFFFF8, v31;
	v29 =	vor.u32 v7, v29  }
0x4d: {  	v51 =	vld [tilespmem:s12+$0x80];
	v46 =	vadd.s32 v18, v30;
	v32 =	vand.u32 $0xFFFFFFF8, v32;
	v31 =	vor.u32 v9, v31  }
0x4e: {  	v47 =	vadd.s32 v19, v30;
	v33 =	vand.u32 $0xFFFFFFF8, v33;
	v32 =	vor.u32 v11, v32;
	v25 =	vld.idx.msk [tilespmem:v25+s4+$0x0], $0xffff  }
0x4f: {  	v62 =	vadd.s32 v20, v30;
	v34 =	vand.u32 $0xFFFFFFF8, v34;
	v33 =	vor.u32 v13, v33;
	v26 =	vld.idx.msk [tilespmem:v26+s4+$0x0], $0xffff  }
0x50: {  	v48 =	vadd.s32 v21, v30;
	v37 =	vand.u32 $0xFFFFFFF8, v37;
	v34 =	vor.u32 v15, v34;
	v27 =	vld.idx.msk [tilespmem:v27+s4+$0x0], $0xffff  }
0x51: {  	v50 =	vadd.s32 v22, v30;
	v35 =	vand.u32 $0xFFFFFFF8, v35;
	v37 =	vor.u32 v7, v37;
	v28 =	vld.idx.msk [tilespmem:v29+s4+$0x0], $0xffff  }
0x52: {  	v36 =	vand.u32 $0xFFFFFFF8, v36;
	v38 =	vand.u32 $0xFFFFFFF8, v38;
	v52 =	vand.u32 $0xFFFFFFF8, v39;
	v31 =	vld.idx.msk [tilespmem:v31+s4+$0x0], $0xffff  }
0x53: {  	v53 =	vand.u32 $0xFFFFFFF8, v40;
	v45 =	vand.u32 $0xFFFFFFF8, v45;
	v38 =	vor.u32 v9, v38;
	v32 =	vld.idx.msk [tilespmem:v32+s4+$0x0], $0xffff  }
0x54: {  	s9 =	sor.u32 s0, s9;
	v63 =	vand.u32 $0xFFFFFFF8, v46;
	v55 =	vor.u32 v5, v36;
	v29 =	vadd.s32 v0, v30;
	v33 =	vld.idx.msk [tilespmem:v33+s4+$0x0], $0xffff  }
0x55: {  	v44 =	vshll.u32 v44, $0x4;
	v39 =	vor.u32 v13, v53;
	v34 =	vld.idx.msk [tilespmem:v34+s4+$0x0], $0xffff;
	v29 =	vand.u32 $0xFFFFFFF8, v29;
	[tilespmem:s9+$0x3410] =	vst v25  }
0x56: {  	v46 =	vand.u32 $0xFFFFFFF8, v47;
	v48 =	vand.u32 $0xFFFFFFF8, v48;
	v37 =	vld.idx.msk [tilespmem:v37+s4+$0x0], $0xffff;
	v29 =	vor.u32 v1, v29;
	[tilespmem:s9+$0x3490] =	vst v26  }
0x57: {  	v47 =	vld [tilespmem:s12+$0x0];
	v25 =	vor.u32 v3, v35;
	v26 =	vadd.s32 v16, v24;
	[tilespmem:s9+$0x3510] =	vst v27;
	v27 =	vadd.s32 v23, v24  }
0x58: {  	v38 =	vld.idx.msk [tilespmem:v38+s4+$0x0], $0xffff;
	[tilespmem:s9+$0x3590] =	vst v28;
	v28 =	vadd.s32 v17, v24;
	v35 =	vor.u32 v11, v52;
	v26 =	vand.u32 $0xFFFFFFF8, v26  }
0x59: {  	[tilespmem:s9+$0x3690] =	vst v32;
	v24 =	vadd.s32 v22, v24;
	v32 =	vld.idx.msk [tilespmem:v55+s4+$0x0], $0xffff;
	v27 =	vand.u32 $0xFFFFFFF8, v27;
	v26 =	vor.u32 v1, v26  }
0x5a: {  	v50 =	vand.u32 $0xFFFFFFF8, v50;
	[tilespmem:s9+$0x3710] =	vst v33;
	v33 =	vld.idx.msk [tilespmem:v39+s4+$0x0], $0xffff;
	v24 =	vand.u32 $0xFFFFFFF8, v24;
	v27 =	vor.u32 v15, v27  }
0x5b: {  	[tilespmem:s9+$0x3610] =	vst v31;
	v31 =	vand.u32 $0xFFFFFFF8, v41;
	v28 =	vand.u32 $0xFFFFFFF8, v28;
	v41 =	vld.idx.msk [tilespmem:v29+s4+$0x0], $0xffff;
	v24 =	vor.u32 v13, v24  }
0x5c: {  	v36 =	vshll.u32 v58, $0x5;
	v28 =	vor.u32 v3, v28;
	v29 =	vand.u32 $0xFFFFFFF8, v54;
	v40 =	vld.idx.msk [tilespmem:v25+s4+$0x0], $0xffff  }
0x5d: {  	v45 =	vor.u32 v3, v45;
	[tilespmem:s9+$0x3790] =	vst v34;
	v29 =	vor.u32 v5, v29;
	v25 =	vand.u32 $0xFFFFFFF8, v56;
	v55 =	vld.idx.msk [tilespmem:v35+s4+$0x0], $0xffff  }
0x5e: {  	v44 =	vadd.s32 v36, v44;
	v59 =	vor.u32 v7, v25;
	v25 =	vand.u32 $0xFFFFFFF8, v57;
	v42 =	vld.idx.msk [tilespmem:v26+s4+$0x0], $0xffff  }
0x5f: {  	v36 =	vadd.s32 v0, v44;
	v26 =	vor.u32 v9, v25;
	v25 =	vand.u32 $0xFFFFFFF8, v60;
	v61 =	vld.idx.msk [tilespmem:v27+s4+$0x0], $0xffff  }
0x60: {  	v53 =	vadd.s32 v4, v44;
	v36 =	vand.u32 $0xFFFFFFF8, v36;
	v24 =	vld.idx.msk [tilespmem:v24+s4+$0x0], $0xffff;
	v43 =	vor.u32 v11, v25  }
0x61: {  	v58 =	vadd.s32 v8, v44;
	v53 =	vand.u32 $0xFFFFFFF8, v53;
	v36 =	vor.u32 v1, v36;
	v25 =	vld.idx.msk [tilespmem:v28+s4+$0x0], $0xffff  }
0x62: {  	v53 =	vor.u32 v5, v53;
	v34 =	vand.u32 $0xFFFFFFF8, v62;
	v31 =	vor.u32 v15, v31;
	v29 =	vld.idx.msk [tilespmem:v29+s4+$0x0], $0xffff  }
0x63: {  	v52 =	vadd.s32 v2, v44;
	v62 =	vadd.s32 v14, v44;
	v27 =	vadd.s32 v16, v30;
	v28 =	vld.idx.msk [tilespmem:v59+s4+$0x0], $0xffff  }
0x64: {  	v52 =	vand.u32 $0xFFFFFFF8, v52;
	v54 =	vadd.s32 v6, v44;
	v49 =	vand.u32 $0xFFFFFFF8, v27;
	v27 =	vld.idx.msk [tilespmem:v26+s4+$0x0], $0xffff  }
0x65: {  	v52 =	vor.u32 v3, v52;
	v35 =	vor.u32 v7, v46;
	v57 =	vand.u32 $0xFFFFFFF8, v54;
	v26 =	vld.idx.msk [tilespmem:v43+s4+$0x0], $0xffff;
	[tilespmem:s9+$0x7790] =	vst v61  }
0x66: {  	s0 =	sor.u32 s8, s0;
	v30 =	vadd.s32 v23, v30;
	v39 =	vor.u32 v7, v57;
	v60 =	vadd.s32 v10, v44;
	[tilespmem:s9+$0x7410] =	vst v42  }
0x67: {  	v30 =	vand.u32 $0xFFFFFFF8, v30;
	v49 =	vor.u32 v1, v49;
	v59 =	vand.u32 $0xFFFFFFF8, v58;
	v42 =	vld.idx.msk [tilespmem:v31+s4+$0x0], $0xffff;
	[tilespmem:s0+$0x3410] =	vst v41  }
0x68: {  	v56 =	vor.u32 v9, v59;
	v59 =	vshll.u32 v47, $0x5;
	v61 =	vadd.s32 v12, v44;
	[tilespmem:s0+$0x3490] =	vst v40  }
0x69: {  	v31 =	vand.u32 $0xFFFFFFF8, v60;
	v41 =	vld.idx.msk [tilespmem:v36+s4+$0x0], $0xffff;
	v43 =	vor.u32 v5, v63;
	[tilespmem:s0+$0x3510] =	vst v32;
	v36 =	vor.u32 v9, v34  }
0x6a: {  	v46 =	vld.idx.msk [tilespmem:v53+s4+$0x0], $0xffff;
	v34 =	vor.u32 v11, v48;
	[tilespmem:s0+$0x3590] =	vst v37;
	v60 =	vshll.u32 v51, $0x4;
	v54 =	vor.u32 v11, v31  }
0x6b: {  	v58 =	vld.idx.msk [tilespmem:v39+s4+$0x0], $0xffff;
	[tilespmem:s0+$0x3610] =	vst v38;
	v32 =	vor.u32 v15, v30;
	v31 =	vand.u32 $0xFFFFFFF8, v61;
	v30 =	vadd.s32 v59, v60  }
0x6c: {  	v40 =	vld.idx.msk [tilespmem:v52+s4+$0x0], $0xffff;
	[tilespmem:s0+$0x3690] =	vst v55;
	v63 =	vor.u32 v13, v31;
	v31 =	vand.u32 $0xFFFFFFF8, v62;
	v62 =	vadd.s32 v0, v30  }
0x6d: {  	[tilespmem:s0+$0x3710] =	vst v33;
	v39 =	vadd.s32 v2, v30;
	v52 =	vadd.s32 v8, v30;
	v57 =	vor.u32 v15, v31  }
0x6e: {  	v55 =	vadd.s32 v12, v30;
	v31 =	vor.u32 v13, v50;
	[tilespmem:s9+$0x7590] =	vst v28;
	v61 =	vld.idx.msk [tilespmem:v56+s4+$0x0], $0xffff  }
0x6f: {  	v50 =	vadd.s32 v6, v30;
	v33 =	vand.u32 $0xFFFFFFF8, v62;
	v39 =	vand.u32 $0xFFFFFFF8, v39;
	[tilespmem:s0+$0x3790] =	vst v42;
	v47 =	vld.idx.msk [tilespmem:v54+s4+$0x0], $0xffff  }
0x70: {  	s10 =	simm.s32 $0x200;
	v33 =	vor.u32 v1, v33;
	v56 =	vadd.s32 v23, v44;
	v54 =	vor.u32 v3, v39;
	v39 =	vld.idx.msk [tilespmem:v49+s4+$0x0], $0xffff  }
0x71: {  	s15 =	simm.s32 $0x40;
	s13 =	sor.u32 s2, s30;
	s12 =	sand.u32 $0x7FFFFC00, s10;
	[tilespmem:s9+$0x7610] =	vst v27;
	v27 =	vand.u32 $0xFFFFFFF8, v52;
	v42 =	vadd.s32 v4, v30;
	v59 =	vand.u32 $0xFFFFFFF8, v56;
	v48 =	vld.idx.msk [tilespmem:v63+s4+$0x0], $0xffff  }
0x72: {  	s28 =	sand.u32 $0x60, s15;
	s8 =	sshrl.u32 s12, $0x2;
	v56 =	vadd.s32 v21, v44;
	v52 =	vor.u32 v9, v27;
	v28 =	vand.u32 $0xFFFFFFF8, v42;
	v51 =	vld.idx.msk [tilespmem:v57+s4+$0x0], $0xffff;
	[tilespmem:s13+$0x3410] =	vst v41  }
0x73: {  	s29 =	sor.u32 $0x10, s28;
	s14 =	sadd.s32 $0x410, s8;
	v49 =	vadd.s32 v19, v44;
	v63 =	vadd.s32 v16, v44;
	v28 =	vor.u32 v5, v28;
	[tilespmem:s13+$0x3510] =	vst v46  }
0x74: {  	s26 =	sadd.s32 s29, s14;
	v46 =	vand.u32 $0xFFFFFFF8, v63;
	[tilespmem:s13+$0x3590] =	vst v58;
	v58 =	vadd.s32 v17, v44;
	v41 =	vld.idx.msk [tilespmem:v45+s4+$0x0], $0xffff;
	v45 =	vand.u32 $0xFFFFFFF8, v49  }
0x75: {  	v49 =	vld [tilespmem:s26+$0x0];
	v57 =	vor.u32 v1, v46;
	[tilespmem:s13+$0x3610] =	vst v61;
	v60 =	vand.u32 $0xFFFFFFF8, v58;
	v61 =	vadd.s32 v18, v44  }
0x76: {  	[tilespmem:s13+$0x3490] =	vst v40;
	v40 =	vld.idx.msk [tilespmem:v43+s4+$0x0], $0xffff;
	v46 =	vor.u32 v15, v59;
	v45 =	vor.u32 v7, v45;
	v58 =	vand.u32 $0xFFFFFFF8, v56  }
0x77: {  	v43 =	vld.idx.msk [tilespmem:v33+s4+$0x0], $0xffff;
	v59 =	vand.u32 $0xFFFFFFF8, v50;
	v56 =	vadd.s32 v22, v30;
	v62 =	vor.u32 v3, v60  }
0x78: {  	v63 =	vand.u32 $0xFFFFFFF8, v61;
	v61 =	vand.u32 $0xFFFFFFF8, v55;
	v42 =	vor.u32 v7, v59;
	[tilespmem:s13+$0x3690] =	vst v47;
	v47 =	vld.idx.msk [tilespmem:v54+s4+$0x0], $0xffff  }
0x79: {  	v54 =	vadd.s32 v20, v44;
	[tilespmem:s13+$0x3790] =	vst v51;
	v51 =	vor.u32 v13, v61;
	v61 =	vld.idx.msk [tilespmem:v28+s4+$0x0], $0xffff  }
0x7a: {  	v44 =	vadd.s32 v22, v44;
	[tilespmem:s13+$0x3710] =	vst v48;
	v28 =	vand.u32 $0xFFFFFFF8, v56;
	v56 =	vshll.u32 v49, $0x5;
	v49 =	vld.idx.msk [tilespmem:v52+s4+$0x0], $0xffff  }
0x7b: {  	[tilespmem:s9+$0x7490] =	vst v25;
	v38 =	vor.u32 v5, v63;
	v44 =	vand.u32 $0xFFFFFFF8, v44;
	v25 =	vld.idx.msk [tilespmem:v57+s4+$0x0], $0xffff  }
0x7c: {  	v48 =	vand.u32 $0xFFFFFFF8, v54;
	v44 =	vor.u32 v13, v44;
	v46 =	vld.idx.msk [tilespmem:v46+s4+$0x0], $0xffff  }
0x7d: {  	v57 =	vor.u32 v9, v48;
	v45 =	vld.idx.msk [tilespmem:v45+s4+$0x0], $0xffff  }
0x7e: {  	v53 =	vadd.s32 v10, v30;
	v33 =	vld.idx.msk [tilespmem:v62+s4+$0x0], $0xffff  }
0x7f: {  	v60 =	vand.u32 $0xFFFFFFF8, v53;
	v48 =	vor.u32 v11, v58;
	v42 =	vld.idx.msk [tilespmem:v42+s4+$0x0], $0xffff  }
0x80: {  	[tilespmem:s9+$0x7510] =	vst v29;
	v29 =	vadd.s32 v14, v30;
	v50 =	vor.u32 v11, v60;
	v38 =	vld.idx.msk [tilespmem:v38+s4+$0x0], $0xffff  }
0x81: {  	[tilespmem:s9+$0x7690] =	vst v26;
	v26 =	vand.u32 $0xFFFFFFF8, v29;
	v44 =	vld.idx.msk [tilespmem:v44+s4+$0x0], $0xffff  }
0x82: {  	[tilespmem:s9+$0x7710] =	vst v24;
	v24 =	vadd.s32 v21, v30;
	v53 =	vor.u32 v15, v26;
	v37 =	vld.idx.msk [tilespmem:v57+s4+$0x0], $0xffff  }
0x83: {  	v24 =	vand.u32 $0xFFFFFFF8, v24;
	v29 =	vadd.s32 v18, v30;
	v57 =	vld [tilespmem:s26+$0x80]  }
0x84: {  	v27 =	vadd.s32 v17, v30;
	v29 =	vand.u32 $0xFFFFFFF8, v29;
	v26 =	vadd.s32 v16, v30;
	v48 =	vld.idx.msk [tilespmem:v48+s4+$0x0], $0xffff;
	[tilespmem:s13+$0x7790] =	vst v46  }
0x85: {  	v29 =	vor.u32 v5, v29;
	v63 =	vadd.s32 v20, v30;
	v26 =	vand.u32 $0xFFFFFFF8, v26;
	[tilespmem:s13+$0x7590] =	vst v45;
	v45 =	vld.idx.msk [tilespmem:v50+s4+$0x0], $0xffff  }
0x86: {  	s30 =	sor.u32 s28, s14;
	s14 =	sor.u32 s5, s2;
	v27 =	vand.u32 $0xFFFFFFF8, v27;
	v60 =	vor.u32 v1, v26;
	v26 =	vor.u32 v11, v24;
	[tilespmem:s13+$0x7410] =	vst v25;
	v50 =	vld.idx.msk [tilespmem:v51+s4+$0x0], $0xffff  }
0x87: {  	v55 =	vand.u32 $0xFFFFFFF8, v63;
	v58 =	vadd.s32 v23, v30;
	v62 =	vadd.s32 v19, v30;
	v51 =	vld.idx.msk [tilespmem:v53+s4+$0x0], $0xffff;
	[tilespmem:s14+$0x3410] =	vst v43  }
0x88: {  	v24 =	vor.u32 v13, v28;
	v54 =	vand.u32 $0xFFFFFFF8, v62;
	v46 =	vld [tilespmem:s30+$0x0];
	[tilespmem:s14+$0x3490] =	vst v47;
	v62 =	vshll.u32 v57, $0x4  }
0x89: {  	v59 =	vld [tilespmem:s30+$0x80];
	v30 =	vor.u32 v3, v27;
	v63 =	vand.u32 $0xFFFFFFF8, v58;
	[tilespmem:s13+$0x7490] =	vst v33;
	v33 =	vadd.s32 v56, v62  }
0x8a: {  	v28 =	vor.u32 v15, v63;
	v27 =	vor.u32 v7, v54;
	[tilespmem:s13+$0x7510] =	vst v38;
	v56 =	vadd.s32 v0, v33  }
0x8b: {  	v25 =	vor.u32 v9, v55;
	[tilespmem:s13+$0x7610] =	vst v37;
	v38 =	vadd.s32 v2, v33;
	v37 =	vand.u32 $0xFFFFFFF8, v56  }
0x8c: {  	[tilespmem:s13+$0x7710] =	vst v44;
	v57 =	vadd.s32 v4, v33;
	v38 =	vand.u32 $0xFFFFFFF8, v38;
	v44 =	vor.u32 v1, v37;
	v37 =	vld.idx.msk [tilespmem:v35+s4+$0x0], $0xffff  }
0x8d: {  	[tilespmem:s14+$0x3510] =	vst v61;
	v46 =	vshll.u32 v46, $0x5;
	v58 =	vand.u32 $0xFFFFFFF8, v57;
	v43 =	vor.u32 v3, v38;
	v38 =	vld.idx.msk [tilespmem:v36+s4+$0x0], $0xffff  }
0x8e: {  	[tilespmem:s13+$0x7690] =	vst v48;
	v48 =	vshll.u32 v59, $0x4;
	v59 =	vadd.s32 v6, v33;
	v47 =	vor.u32 v5, v58;
	v35 =	vld.idx.msk [tilespmem:v34+s4+$0x0], $0xffff  }
0x8f: {  	[tilespmem:s14+$0x3610] =	vst v49;
	v63 =	vadd.s32 v8, v33;
	v61 =	vadd.s32 v14, v33;
	v62 =	vand.u32 $0xFFFFFFF8, v59;
	v36 =	vld.idx.msk [tilespmem:v31+s4+$0x0], $0xffff  }
0x90: {  	[tilespmem:s14+$0x3590] =	vst v42;
	v56 =	vand.u32 $0xFFFFFFF8, v63;
	v57 =	vadd.s32 v10, v33;
	v53 =	vor.u32 v7, v62;
	v34 =	vld.idx.msk [tilespmem:v32+s4+$0x0], $0xffff  }
0x91: {  	[tilespmem:s14+$0x3690] =	vst v45;
	v42 =	vor.u32 v9, v56;
	v31 =	vand.u32 $0xFFFFFFF8, v57;
	v58 =	vadd.s32 v12, v33;
	v32 =	vld.idx.msk [tilespmem:v44+s4+$0x0], $0xffff  }
0x92: {  	[tilespmem:s14+$0x3710] =	vst v50;
	v62 =	vand.u32 $0xFFFFFFF8, v61;
	v59 =	vand.u32 $0xFFFFFFF8, v58;
	v44 =	vor.u32 v11, v31;
	v45 =	vld.idx.msk [tilespmem:v43+s4+$0x0], $0xffff  }
0x93: {  	v31 =	vadd.s32 v46, v48;
	v43 =	vor.u32 v13, v59;
	v55 =	vld.idx.msk [tilespmem:v47+s4+$0x0], $0xffff;
	v47 =	vor.u32 v15, v62  }
0x94: {  	[tilespmem:s14+$0x3790] =	vst v51;
	v48 =	vadd.s32 v0, v31;
	v46 =	vadd.s32 v2, v31;
	v63 =	vadd.s32 v4, v31  }
0x95: {  	v53 =	vld.idx.msk [tilespmem:v53+s4+$0x0], $0xffff;
	v61 =	vadd.s32 v6, v31;
	v62 =	vadd.s32 v8, v31;
	v56 =	vadd.s32 v10, v31  }
0x96: {  	[tilespmem:s0+$0x7410] =	vst v39;
	v51 =	vld.idx.msk [tilespmem:v42+s4+$0x0], $0xffff;
	v57 =	vadd.s32 v14, v31;
	v42 =	vand.u32 $0xFFFFFFF8, v48;
	v48 =	vadd.s32 v12, v31  }
0x97: {  	s2 =	smul.u32 $0x30, s31;
	[tilespmem:s0+$0x7490] =	vst v41;
	v39 =	vand.u32 $0xFFFFFFF8, v46;
	v58 =	vand.u32 $0xFFFFFFF8, v63;
	v59 =	vand.u32 $0xFFFFFFF8, v61;
	v50 =	vld.idx.msk [tilespmem:v44+s4+$0x0], $0xffff  }
0x98: {  	s8 =	sor.u32 s12, s29;
	[tilespmem:s0+$0x7510] =	vst v40;
	v61 =	vand.u32 $0xFFFFFFF8, v62;
	v63 =	vadd.s32 v16, v33;
	v49 =	vor.u32 v1, v42;
	v52 =	vld.idx.msk [tilespmem:v43+s4+$0x0], $0xffff  }
0x99: {  	s5 =	smov.u32 s7;
	p1 =	slt.s32 s2, s7;
	v46 =	vand.u32 $0xFFFFFFF8, v56;
	v41 =	vor.u32 v7, v59;
	v42 =	vor.u32 v9, v61;
	v54 =	vld.idx.msk [tilespmem:v47+s4+$0x0], $0xffff;
	[tilespmem:s8+$0x3410] =	vst v32  }
0x9a: {  	s10 =	simm.s32 $0x4;
	s5 =	smov.u32 @p1 s2;
	v40 =	vand.u32 $0xFFFFFFF8, v63;
	v44 =	vand.u32 $0xFFFFFFF8, v48;
	v48 =	vor.u32 v3, v39;
	[tilespmem:s8+$0x3490] =	vst v45  }
0x9b: {  	s5 =	sadd.s32 s6, s5;
	s9 =	sor.u32 s28, s12;
	s12 =	simm.s32 $0x300;
	v47 =	vand.u32 $0xFFFFFFF8, v57;
	v43 =	vor.u32 v5, v58;
	[tilespmem:s8+$0x3510] =	vst v55;
	v39 =	vadd.s32 v23, v33;
	v32 =	vld.idx.msk [tilespmem:v60+s4+$0x0], $0xffff  }
.LBB2_3:
0x9c: {  	s13 =	sand.u32 $0x7FFFFC00, s12;
	[tilespmem:s8+$0x3590] =	vst v53;
	v45 =	vor.u32 v1, v40;
	v53 =	vadd.s32 v17, v33;
	v39 =	vand.u32 $0xFFFFFFF8, v39;
	s15 =	sadd.s32 $0x20, s15;
	v40 =	vld.idx.msk [tilespmem:v30+s4+$0x0], $0xffff  }
0x9d: {  	s28 =	sand.u32 $0x60, s15;
	s26 =	sshrl.u32 s13, $0x2;
	[tilespmem:s8+$0x3610] =	vst v51;
	v30 =	vand.u32 $0xFFFFFFF8, v53;
	v51 =	vadd.s32 v18, v33;
	v53 =	vor.u32 v15, v39;
	v39 =	vld.idx.msk [tilespmem:v29+s4+$0x0], $0xffff  }
0x9e: {  	s30 =	sadd.s32 $0x410, s26;
	s29 =	sor.u32 s28, s13;
	s26 =	sor.u32 $0x10, s28;
	v49 =	vld.idx.msk [tilespmem:v49+s4+$0x0], $0xffff;
	[tilespmem:s8+$0x3690] =	vst v50;
	v29 =	vor.u32 v3, v30;
	v30 =	vand.u32 $0xFFFFFFF8, v51;
	v50 =	vadd.s32 v19, v33  }
0x9f: {  	v51 =	vadd.s32 v20, v33;
	s28 =	sor.u32 s28, s30;
	s30 =	sadd.s32 s26, s30;
	v48 =	vld.idx.msk [tilespmem:v48+s4+$0x0], $0xffff;
	[tilespmem:s8+$0x3710] =	vst v52;
	v30 =	vor.u32 v5, v30;
	v50 =	vand.u32 $0xFFFFFFF8, v50  }
0xa0: {  	v55 =	vmovc v28;
	v51 =	vand.u32 $0xFFFFFFF8, v51;
	v52 =	vld [tilespmem:s30+$0x0];
	[tilespmem:s8+$0x3790] =	vst v54;
	v50 =	vor.u32 v7, v50;
	v54 =	vadd.s32 v21, v33  }
0xa1: {  	v33 =	vadd.s32 v22, v33;
	v28 =	vld.idx.msk [tilespmem:v45+s4+$0x0], $0xffff;
	v45 =	vor.u32 v9, v51;
	v51 =	vand.u32 $0xFFFFFFF8, v54;
	[tilespmem:s0+$0x7590] =	vst v37  }
0xa2: {  	v37 =	vor.u32 v11, v46;
	v33 =	vand.u32 $0xFFFFFFF8, v33;
	v46 =	vor.u32 v11, v51;
	v51 =	vld.idx.msk [tilespmem:v53+s4+$0x0], $0xffff;
	[tilespmem:s0+$0x7610] =	vst v38  }
0xa3: {  	v38 =	vor.u32 v13, v44;
	v44 =	vor.u32 v15, v47;
	v47 =	vld.idx.msk [tilespmem:v29+s4+$0x0], $0xffff;
	v29 =	vor.u32 v13, v33  }
0xa4: {  	v54 =	vadd.s32 v18, v31;
	v53 =	vadd.s32 v17, v31;
	v33 =	vadd.s32 v16, v31;
	v56 =	vld.idx.msk [tilespmem:v30+s4+$0x0], $0xffff  }
0xa5: {  	v57 =	vadd.s32 v20, v31;
	v58 =	vadd.s32 v21, v31;
	v30 =	vadd.s32 v19, v31;
	v50 =	vld.idx.msk [tilespmem:v50+s4+$0x0], $0xffff  }
0xa6: {  	v59 =	vadd.s32 v22, v31;
	v33 =	vand.u32 $0xFFFFFFF8, v33;
	v31 =	vadd.s32 v23, v31;
	v60 =	vld.idx.msk [tilespmem:v45+s4+$0x0], $0xffff;
	[tilespmem:s0+$0x7690] =	vst v35  }
0xa7: {  	v35 =	vand.u32 $0xFFFFFFF8, v53;
	v53 =	vand.u32 $0xFFFFFFF8, v54;
	v54 =	vand.u32 $0xFFFFFFF8, v30;
	v46 =	vld.idx.msk [tilespmem:v46+s4+$0x0], $0xffff;
	[tilespmem:s0+$0x7710] =	vst v36  }
0xa8: {  	v36 =	vand.u32 $0xFFFFFFF8, v57;
	v57 =	vand.u32 $0xFFFFFFF8, v58;
	v58 =	vand.u32 $0xFFFFFFF8, v59;
	v59 =	vld.idx.msk [tilespmem:v29+s4+$0x0], $0xffff;
	[tilespmem:s8+$0x7790] =	vst v51  }
0xa9: {  	v31 =	vand.u32 $0xFFFFFFF8, v31;
	v45 =	vor.u32 v1, v33;
	v30 =	vor.u32 v3, v35;
	v51 =	vld [tilespmem:s30+$0x80];
	[tilespmem:s0+$0x7790] =	vst v34;
	s0 =	smov.u32 s14;
	s14 =	smov.u32 s9;
	s9 =	smov.u32 s29  }
0xaa: {  	v54 =	vor.u32 v7, v54;
	v29 =	vor.u32 v5, v53;
	v61 =	vor.u32 v9, v36;
	v33 =	vld [tilespmem:s28+$0x0];
	[tilespmem:s8+$0x7410] =	vst v28  }
0xab: {  	v57 =	vor.u32 v11, v57;
	v58 =	vor.u32 v13, v58;
	v28 =	vor.u32 v15, v31;
	v34 =	vld [tilespmem:s28+$0x80];
	[tilespmem:s8+$0x7490] =	vst v47  }
0xac: {  	v35 =	vld.idx.msk [tilespmem:v43+s4+$0x0], $0xffff;
	[tilespmem:s8+$0x7510] =	vst v56  }
0xad: {  	v36 =	vld.idx.msk [tilespmem:v41+s4+$0x0], $0xffff;
	[tilespmem:s8+$0x7590] =	vst v50  }
0xae: {  	s10 =	sadd.s32 $0x2, s10;
	v31 =	vshll.u32 v52, $0x5;
	v41 =	vshll.u32 v51, $0x4;
	v42 =	vld.idx.msk [tilespmem:v42+s4+$0x0], $0xffff;
	[tilespmem:s8+$0x7610] =	vst v60  }
0xaf: {  	p1 =	slt.u32 s10, $0x7E;
	v43 =	vshll.u32 v33, $0x5;
	v33 =	vadd.s32 v31, v41;
	v41 =	vld.idx.msk [tilespmem:v37+s4+$0x0], $0xffff;
	[tilespmem:s8+$0x7690] =	vst v46  }
0xb0: {  	v31 =	vshll.u32 v34, $0x4;
	v34 =	vadd.s32 v0, v33;
	v46 =	vld.idx.msk [tilespmem:v38+s4+$0x0], $0xffff;
	[tilespmem:s8+$0x7710] =	vst v59;
	v37 =	vadd.s32 v2, v33  }
0xb1: {  	v38 =	vadd.s32 v4, v33;
	v31 =	vadd.s32 v43, v31;
	v34 =	vand.u32 $0xFFFFFFF8, v34;
	v43 =	vld.idx.msk [tilespmem:v44+s4+$0x0], $0xffff;
	[tilespmem:s14+$0x3410] =	vst v49  }
0xb2: {  	v47 =	vadd.s32 v6, v33;
	v44 =	vor.u32 v1, v34;
	v34 =	vand.u32 $0xFFFFFFF8, v37;
	[tilespmem:s14+$0x3490] =	vst v48;
	v37 =	vld.idx.msk [tilespmem:v27+s4+$0x0], $0xffff  }
0xb3: {  	v52 =	vadd.s32 v6, v31;
	v27 =	vor.u32 v3, v34;
	v34 =	vand.u32 $0xFFFFFFF8, v38;
	[tilespmem:s14+$0x3510] =	vst v35;
	v38 =	vld.idx.msk [tilespmem:v25+s4+$0x0], $0xffff  }
0xb4: {  	v25 =	vor.u32 v5, v34;
	v34 =	vand.u32 $0xFFFFFFF8, v47;
	v47 =	vadd.s32 v8, v33;
	[tilespmem:s14+$0x3590] =	vst v36;
	v35 =	vld.idx.msk [tilespmem:v26+s4+$0x0], $0xffff  }
0xb5: {  	v26 =	vor.u32 v7, v34;
	v34 =	vand.u32 $0xFFFFFFF8, v47;
	v47 =	vadd.s32 v10, v33;
	[tilespmem:s14+$0x3610] =	vst v42;
	v36 =	vld.idx.msk [tilespmem:v24+s4+$0x0], $0xffff  }
0xb6: {  	v24 =	vor.u32 v9, v34;
	v42 =	vand.u32 $0xFFFFFFF8, v47;
	v47 =	vadd.s32 v12, v33;
	[tilespmem:s14+$0x3690] =	vst v41;
	v34 =	vld.idx.msk [tilespmem:v55+s4+$0x0], $0xffff  }
0xb7: {  	v41 =	vld.idx.msk [tilespmem:v44+s4+$0x0], $0xffff;
	v42 =	vor.u32 v11, v42;
	v44 =	vand.u32 $0xFFFFFFF8, v47;
	v47 =	vadd.s32 v14, v33;
	[tilespmem:s14+$0x3710] =	vst v46  }
0xb8: {  	v46 =	vadd.s32 v0, v31;
	v55 =	vld.idx.msk [tilespmem:v27+s4+$0x0], $0xffff;
	v48 =	vor.u32 v13, v44;
	v27 =	vand.u32 $0xFFFFFFF8, v47;
	[tilespmem:s14+$0x3790] =	vst v43  }
0xb9: {  	v43 =	vadd.s32 v2, v31;
	v44 =	vadd.s32 v4, v31;
	v56 =	vld.idx.msk [tilespmem:v25+s4+$0x0], $0xffff;
	v59 =	vor.u32 v15, v27  }
0xba: {  	v49 =	vadd.s32 v10, v31;
	v47 =	vadd.s32 v8, v31;
	v53 =	vld.idx.msk [tilespmem:v26+s4+$0x0], $0xffff;
	v26 =	vadd.s32 v12, v31  }
0xbb: {  	v62 =	vadd.s32 v14, v31;
	v60 =	vand.u32 $0xFFFFFFF8, v46;
	v51 =	vld.idx.msk [tilespmem:v24+s4+$0x0], $0xffff;
	[tilespmem:s0+$0x7410] =	vst v32  }
.Ltmp2:
0xbc: {  	v63 =	vand.u32 $0xFFFFFFF8, v52;
	v25 =	vmovc v61;
	v32 =	vand.u32 $0xFFFFFFF8, v43;
	v43 =	vand.u32 $0xFFFFFFF8, v44;
	v27 =	vmovc v54;
	v50 =	vld.idx.msk [tilespmem:v42+s4+$0x0], $0xffff;
	[tilespmem:s0+$0x7490] =	vst v40;
	(pc) =	sbr.rel @p1 .LBB2_3-.Ltmp2, $4  }
0xbd: {  	s8 =	sor.u32 s13, s26;
	v46 =	vand.u32 $0xFFFFFFF8, v49;
	v44 =	vand.u32 $0xFFFFFFF8, v26;
	v24 =	vmovc v58;
	v40 =	vand.u32 $0xFFFFFFF8, v47;
	v52 =	vld.idx.msk [tilespmem:v48+s4+$0x0], $0xffff;
	[tilespmem:s0+$0x7510] =	vst v39;
	v26 =	vmovc v57  }
0xbe: {  	v49 =	vor.u32 v1, v60;
	v47 =	vand.u32 $0xFFFFFFF8, v62;
	v48 =	vor.u32 v3, v32;
	v54 =	vld.idx.msk [tilespmem:v59+s4+$0x0], $0xffff;
	[tilespmem:s8+$0x3410] =	vst v41  }
0xbf: {  	v43 =	vor.u32 v5, v43;
	v32 =	vadd.s32 v16, v33;
	v41 =	vor.u32 v7, v63;
	[tilespmem:s8+$0x3490] =	vst v55  }
0xc0: {  	s12 =	sadd.s32 $0x100, s12;
	v42 =	vor.u32 v9, v40;
	v39 =	vadd.s32 v23, v33;
	v40 =	vand.u32 $0xFFFFFFF8, v32;
	[tilespmem:s8+$0x3510] =	vst v56;
	v32 =	vld.idx.msk [tilespmem:v45+s4+$0x0], $0xffff  }
0xc1: {  	_ =	sdelay $0x3  }
0xc2: {  	v43 =	vld.idx.msk [tilespmem:v43+s4+$0x0], $0xffff  }
0xc3: {  	v41 =	vld.idx.msk [tilespmem:v41+s4+$0x0], $0xffff  }
0xc4: {  	v30 =	vld.idx.msk [tilespmem:v30+s4+$0x0], $0xffff  }
0xc5: {  	[tilespmem:s8+$0x3590] =	vst v53;
	v29 =	vld.idx.msk [tilespmem:v29+s4+$0x0], $0xffff  }
0xc6: {  	v40 =	vor.u32 v1, v40;
	v45 =	vadd.s32 v17, v33;
	v39 =	vand.u32 $0xFFFFFFF8, v39;
	[tilespmem:s8+$0x3610] =	vst v51;
	v27 =	vld.idx.msk [tilespmem:v27+s4+$0x0], $0xffff  }
0xc7: {  	v58 =	vadd.s32 v18, v33;
	[tilespmem:s8+$0x3690] =	vst v50;
	v25 =	vld.idx.msk [tilespmem:v25+s4+$0x0], $0xffff;
	v45 =	vand.u32 $0xFFFFFFF8, v45;
	v39 =	vor.u32 v15, v39  }
0xc8: {  	v60 =	vadd.s32 v19, v33;
	[tilespmem:s0+$0x7590] =	vst v37;
	v26 =	vld.idx.msk [tilespmem:v26+s4+$0x0], $0xffff;
	v59 =	vand.u32 $0xFFFFFFF8, v58;
	v45 =	vor.u32 v3, v45  }
0xc9: {  	v61 =	vadd.s32 v20, v33;
	v24 =	vld.idx.msk [tilespmem:v24+s4+$0x0], $0xffff;
	[tilespmem:s8+$0x3710] =	vst v52;
	v51 =	vand.u32 $0xFFFFFFF8, v60;
	v50 =	vor.u32 v5, v59  }
0xca: {  	v62 =	vadd.s32 v21, v33;
	v28 =	vld.idx.msk [tilespmem:v28+s4+$0x0], $0xffff;
	v52 =	vand.u32 $0xFFFFFFF8, v61;
	[tilespmem:s8+$0x3790] =	vst v54;
	v51 =	vor.u32 v7, v51  }
0xcb: {  	v63 =	vadd.s32 v22, v33;
	[tilespmem:s0+$0x7610] =	vst v38;
	v53 =	vand.u32 $0xFFFFFFF8, v62;
	v52 =	vor.u32 v9, v52;
	v40 =	vld.idx.msk [tilespmem:v40+s4+$0x0], $0xffff  }
0xcc: {  	[tilespmem:s0+$0x7690] =	vst v35;
	v33 =	vand.u32 $0xFFFFFFF8, v63;
	v53 =	vor.u32 v11, v53;
	v39 =	vld.idx.msk [tilespmem:v39+s4+$0x0], $0xffff  }
0xcd: {  	[tilespmem:s0+$0x7710] =	vst v36;
	v33 =	vor.u32 v13, v33;
	v45 =	vld.idx.msk [tilespmem:v45+s4+$0x0], $0xffff  }
0xce: {  	[tilespmem:s0+$0x7790] =	vst v34;
	v50 =	vld.idx.msk [tilespmem:v50+s4+$0x0], $0xffff  }
0xcf: {  	[tilespmem:s14+$0x7410] =	vst v32;
	v56 =	vld.idx.msk [tilespmem:v51+s4+$0x0], $0xffff  }
0xd0: {  	[tilespmem:s14+$0x7490] =	vst v30;
	v57 =	vld.idx.msk [tilespmem:v52+s4+$0x0], $0xffff  }
0xd1: {  	v44 =	vor.u32 v13, v44;
	[tilespmem:s14+$0x7510] =	vst v29;
	v58 =	vld.idx.msk [tilespmem:v53+s4+$0x0], $0xffff  }
0xd2: {  	v62 =	vor.u32 v15, v47;
	v33 =	vld.idx.msk [tilespmem:v33+s4+$0x0], $0xffff;
	[tilespmem:s8+$0x7410] =	vst v40  }
0xd3: {  	v60 =	vor.u32 v11, v46;
	v59 =	vld.idx.msk [tilespmem:v49+s4+$0x0], $0xffff;
	[tilespmem:s8+$0x7790] =	vst v39  }
0xd4: {  	v61 =	vld.idx.msk [tilespmem:v48+s4+$0x0], $0xffff;
	[tilespmem:s8+$0x7490] =	vst v45  }
0xd5: {  	v63 =	vld.idx.msk [tilespmem:v42+s4+$0x0], $0xffff;
	[tilespmem:s8+$0x7510] =	vst v50  }
0xd6: {  	v46 =	vld.idx.msk [tilespmem:v44+s4+$0x0], $0xffff;
	[tilespmem:s8+$0x7590] =	vst v56  }
0xd7: {  	v47 =	vld.idx.msk [tilespmem:v62+s4+$0x0], $0xffff;
	[tilespmem:s8+$0x7610] =	vst v57  }
0xd8: {  	v45 =	vld.idx.msk [tilespmem:v60+s4+$0x0], $0xffff;
	[tilespmem:s9+$0x3410] =	vst v59  }
0xd9: {  	v48 =	vadd.s32 v16, v31;
	[tilespmem:s9+$0x3490] =	vst v61  }
0xda: {  	v49 =	vadd.s32 v17, v31;
	v36 =	vand.u32 $0xFFFFFFF8, v48;
	[tilespmem:s9+$0x3510] =	vst v43  }
0xdb: {  	v34 =	vand.u32 $0xFFFFFFF8, v49;
	v36 =	vor.u32 v1, v36;
	v51 =	vadd.s32 v19, v31;
	[tilespmem:s9+$0x3590] =	vst v41  }
0xdc: {  	v34 =	vor.u32 v3, v34;
	v52 =	vadd.s32 v20, v31;
	v40 =	vand.u32 $0xFFFFFFF8, v51;
	[tilespmem:s9+$0x3610] =	vst v63  }
0xdd: {  	v53 =	vadd.s32 v21, v31;
	v37 =	vand.u32 $0xFFFFFFF8, v52;
	v40 =	vor.u32 v7, v40;
	[tilespmem:s9+$0x3710] =	vst v46  }
0xde: {  	v54 =	vadd.s32 v22, v31;
	v38 =	vand.u32 $0xFFFFFFF8, v53;
	v37 =	vor.u32 v9, v37;
	[tilespmem:s9+$0x3790] =	vst v47  }
0xdf: {  	v55 =	vand.u32 $0xFFFFFFF8, v54;
	v50 =	vadd.s32 v18, v31;
	v56 =	vor.u32 v11, v38;
	[tilespmem:s9+$0x3690] =	vst v45  }
0xe0: {  	[tilespmem:s8+$0x7710] =	vst v33;
	v31 =	vadd.s32 v23, v31;
	v33 =	vor.u32 v13, v55;
	v39 =	vand.u32 $0xFFFFFFF8, v50;
	v57 =	vld.idx.msk [tilespmem:v36+s4+$0x0], $0xffff  }
0xe1: {  	[tilespmem:s14+$0x7590] =	vst v27;
	v31 =	vand.u32 $0xFFFFFFF8, v31;
	v39 =	vor.u32 v5, v39;
	v30 =	vld.idx.msk [tilespmem:v34+s4+$0x0], $0xffff  }
0xe2: {  	[tilespmem:s14+$0x7610] =	vst v25;
	v31 =	vor.u32 v15, v31;
	v27 =	vld.idx.msk [tilespmem:v40+s4+$0x0], $0xffff  }
0xe3: {  	[tilespmem:s14+$0x7690] =	vst v26;
	v25 =	vld.idx.msk [tilespmem:v37+s4+$0x0], $0xffff  }
0xe4: {  	[tilespmem:s14+$0x7710] =	vst v24;
	v26 =	vld.idx.msk [tilespmem:v56+s4+$0x0], $0xffff  }
0xe5: {  	[tilespmem:s14+$0x7790] =	vst v28;
	v24 =	vld.idx.msk [tilespmem:v33+s4+$0x0], $0xffff  }
0xe6: {  	[tilespmem:s8+$0x7690] =	vst v58;
	v29 =	vld.idx.msk [tilespmem:v39+s4+$0x0], $0xffff  }
0xe7: {  	v28 =	vld.idx.msk [tilespmem:v31+s4+$0x0], $0xffff;
	[tilespmem:s9+$0x7410] =	vst v57  }
0xe8: {  	[tilespmem:s9+$0x7490] =	vst v30  }
0xe9: {  	[tilespmem:s9+$0x7590] =	vst v27  }
0xea: {  	[tilespmem:s9+$0x7610] =	vst v25  }
0xeb: {  	[tilespmem:s9+$0x7690] =	vst v26  }
0xec: {  	[tilespmem:s9+$0x7710] =	vst v24  }
0xed: {  	s12 =	sshll.u32 s5, $0x7;
	[tilespmem:s9+$0x7510] =	vst v29  }
0xee: {  	s5 =	sadd.s32 s3, s12;
	[tilespmem:s9+$0x7790] =	vst v28  }
0xef: {  	[hbm4b:s5+s4] =	stream.linear.scatter [tilespmem:s18], [sflag:$0x4], $0x4000, $0x38;
	[tilespmem:$0x1B410] =	vst v63  }
0xf0: {  	p1 =	seq.s32 s31, $0x10;
	s0 =	sadd.s32 s12, s11  }
0xf1: {  	[hbm4b:s0+s4] =	stream.linear.scatter [tilespmem:s19], [sflag:$0x4], $0x4000, $0x38;
	[tilespmem:$0x1B410] =	vst v63  }
0xf2: {  	s0 =	sadd.s32 @!p1 $0x30, s2  }
0xf3: {  	p2 =	slt.s32 @!p1 s0, s7  }
0xf4: {  	p2 =	por !p2, p1  }
0xf5: {  	s0 =	smov.u32 @p2 s7  }
0xf6: {  	s0 =	sadd.s32 @!p1 s6, s0  }
0xf7: {  	s0 =	sshll.u32 @!p1 s0, $0x5  }
0xf8: {  	s0 =	sand.u32 @!p1 $0x1FFFFFE0, s0  }
0xf9: {  	s8 =	simm.s32 @!p1 $0x410;
	s5 =	simm.s32 @!p1 $0x0;
	s0 =	sadd.s32 @!p1 s1, s0  }
0xfa: {  	[tilespmem:s8], [sflag:$0x1] =	stream.linear.gather @!p1 [hbm4b:s0+s5], $0x1000, $0x38;
	[tilespmem:$0x1B410] =	vst v63  }
0xfb: {  	_ =	swait.ge [sflag:s20], $0x1000  }
0xfc: {  	[sflag:s20] =	ssyncset.done $0x0  }
0xfd: {  	s5 =	simm.s32 @!p0 $0x5;
	[sflag:s20] =	ssyncadd.s32 $0xFFFFF000  }
0xfe: {  	_ =	swait.ge @!p0 [sflag:s5], $0x4000  }
0xff: {  	s13 =	simm.s32 $0x0;
	[sflag:s5] =	ssyncset.done @!p0 $0x0  }
0x100: {  	s0 =	sand.u32 $0x7FFFFC00, s13;
	[sflag:s5] =	ssyncadd.s32 @!p0 $0xFFFFC000  }
0x101: {  	s8 =	sand.u32 $0x60, s13;
	s14 =	sshrl.u32 s0, $0x2;
	_ =	swait.ge @!p0 [sflag:s5], $0x4000  }
0x102: {  	s10 =	sor.u32 $0x10, s8;
	s9 =	sadd.s32 $0x1410, s14;
	[sflag:s5] =	ssyncset.done @!p0 $0x0  }
0x103: {  	s15 =	sadd.s32 s10, s9;
	[sflag:s5] =	ssyncadd.s32 @!p0 $0xFFFFC000  }
0x104: {  	v24 =	vld [tilespmem:s15+$0x0]  }
0x105: {  	s26 =	sor.u32 s8, s9;
	v25 =	vld [tilespmem:s15+$0x80]  }
0x106: {  	v28 =	vld [tilespmem:s26+$0x0]  }
0x107: {  	v30 =	vld [tilespmem:s26+$0x80];
	_ =	sdelay $0x3  }
0x108: {  	v24 =	vshll.u32 v24, $0x5;
	v25 =	vshll.u32 v25, $0x4  }
0x109: {  	v28 =	vshll.u32 v28, $0x5;
	v30 =	vshll.u32 v30, $0x4;
	v24 =	vadd.s32 v24, v25  }
0x10a: {  	v30 =	vadd.s32 v28, v30;
	v25 =	vadd.s32 v0, v24  }
0x10b: {  	v26 =	vadd.s32 v2, v24;
	v27 =	vadd.s32 v4, v24;
	v29 =	vadd.s32 v6, v24  }
0x10c: {  	v31 =	vadd.s32 v8, v24;
	v58 =	vadd.s32 v10, v24;
	v59 =	vadd.s32 v12, v24  }
0x10d: {  	v60 =	vadd.s32 v14, v24;
	v61 =	vadd.s32 v2, v30;
	v62 =	vadd.s32 v4, v30  }
0x10e: {  	s28 =	simm.s32 $0x100;
	v63 =	vadd.s32 v6, v30;
	v44 =	vadd.s32 v8, v30;
	v25 =	vand.u32 $0xFFFFFFF8, v25  }
0x10f: {  	s29 =	simm.s32 $0x20;
	s5 =	sand.u32 $0x7FFFFC00, s28;
	v45 =	vadd.s32 v10, v30;
	v26 =	vand.u32 $0xFFFFFFF8, v26;
	v25 =	vor.u32 v1, v25  }
0x110: {  	s9 =	sand.u32 $0x60, s29;
	s30 =	sshrl.u32 s5, $0x2;
	v46 =	vadd.s32 v12, v30;
	v27 =	vand.u32 $0xFFFFFFF8, v27;
	v26 =	vor.u32 v3, v26  }
0x111: {  	s13 =	sor.u32 $0x10, s9;
	s15 =	sor.u32 s0, s10;
	s10 =	sadd.s32 $0x1410, s30;
	v47 =	vadd.s32 v14, v30;
	v29 =	vand.u32 $0xFFFFFFF8, v29;
	v27 =	vor.u32 v5, v27  }
0x112: {  	s12 =	sadd.s32 s13, s10;
	v50 =	vadd.s32 v19, v24;
	v31 =	vand.u32 $0xFFFFFFF8, v31;
	v29 =	vor.u32 v7, v29  }
0x113: {  	v41 =	vld [tilespmem:s12+$0x0];
	v51 =	vadd.s32 v20, v24;
	v33 =	vand.u32 $0xFFFFFFF8, v59;
	v31 =	vor.u32 v9, v31  }
0x114: {  	v53 =	vadd.s32 v21, v24;
	v32 =	vand.u32 $0xFFFFFFF8, v58;
	v33 =	vor.u32 v13, v33;
	v25 =	vld.idx.msk [tilespmem:v25+s4+$0x0], $0xffff  }
0x115: {  	v55 =	vadd.s32 v17, v30;
	v34 =	vand.u32 $0xFFFFFFF8, v60;
	v32 =	vor.u32 v11, v32;
	v26 =	vld.idx.msk [tilespmem:v26+s4+$0x0], $0xffff  }
0x116: {  	v56 =	vadd.s32 v18, v30;
	v57 =	vadd.s32 v19, v30;
	v34 =	vor.u32 v15, v34;
	v27 =	vld.idx.msk [tilespmem:v27+s4+$0x0], $0xffff  }
0x117: {  	v35 =	vand.u32 $0xFFFFFFF8, v61;
	v36 =	vand.u32 $0xFFFFFFF8, v62;
	v37 =	vand.u32 $0xFFFFFFF8, v63;
	v28 =	vld.idx.msk [tilespmem:v29+s4+$0x0], $0xffff  }
0x118: {  	v48 =	vand.u32 $0xFFFFFFF8, v45;
	v49 =	vand.u32 $0xFFFFFFF8, v46;
	v35 =	vor.u32 v3, v35;
	v31 =	vld.idx.msk [tilespmem:v31+s4+$0x0], $0xffff  }
0x119: {  	v52 =	vand.u32 $0xFFFFFFF8, v51;
	v58 =	vadd.s32 v20, v30;
	v59 =	vadd.s32 v21, v30;
	v33 =	vld.idx.msk [tilespmem:v33+s4+$0x0], $0xffff  }
0x11a: {  	v61 =	vadd.s32 v22, v30;
	v37 =	vor.u32 v7, v37;
	v29 =	vadd.s32 v0, v30;
	v32 =	vld.idx.msk [tilespmem:v32+s4+$0x0], $0xffff  }
0x11b: {  	v46 =	vand.u32 $0xFFFFFFF8, v55;
	v38 =	vor.u32 v11, v48;
	v34 =	vld.idx.msk [tilespmem:v34+s4+$0x0], $0xffff;
	v29 =	vand.u32 $0xFFFFFFF8, v29;
	[tilespmem:s15+$0xB410] =	vst v25  }
0x11c: {  	v62 =	vand.u32 $0xFFFFFFF8, v56;
	v63 =	vand.u32 $0xFFFFFFF8, v57;
	v29 =	vor.u32 v1, v29;
	[tilespmem:s15+$0xB490] =	vst v26  }
0x11d: {  	s10 =	sor.u32 s9, s10;
	v41 =	vshll.u32 v41, $0x5;
	v39 =	vor.u32 v13, v49;
	v35 =	vld.idx.msk [tilespmem:v35+s4+$0x0], $0xffff;
	v25 =	vand.u32 $0xFFFFFFF8, v44;
	[tilespmem:s15+$0xB510] =	vst v27  }
0x11e: {  	v51 =	vld [tilespmem:s10+$0x80];
	v26 =	vadd.s32 v16, v24;
	v27 =	vadd.s32 v23, v24;
	[tilespmem:s15+$0xB710] =	vst v33;
	v33 =	vor.u32 v5, v36  }
0x11f: {  	v37 =	vld.idx.msk [tilespmem:v37+s4+$0x0], $0xffff;
	[tilespmem:s15+$0xB590] =	vst v28;
	v28 =	vadd.s32 v17, v24;
	v26 =	vand.u32 $0xFFFFFFF8, v26;
	v44 =	vor.u32 v9, v25  }
0x120: {  	v38 =	vld.idx.msk [tilespmem:v38+s4+$0x0], $0xffff;
	[tilespmem:s15+$0xB610] =	vst v31;
	v31 =	vadd.s32 v18, v24;
	v27 =	vand.u32 $0xFFFFFFF8, v27;
	v26 =	vor.u32 v1, v26  }
0x121: {  	v27 =	vor.u32 v15, v27;
	v40 =	vld.idx.msk [tilespmem:v29+s4+$0x0], $0xffff;
	v29 =	vand.u32 $0xFFFFFFF8, v31;
	v31 =	vand.u32 $0xFFFFFFF8, v47  }
0x122: {  	[tilespmem:s15+$0xB690] =	vst v32;
	v32 =	vand.u32 $0xFFFFFFF8, v50;
	v29 =	vor.u32 v5, v29;
	v45 =	vor.u32 v15, v31;
	v31 =	vld [tilespmem:s12+$0x80]  }
0x123: {  	v43 =	vor.u32 v5, v62;
	v28 =	vand.u32 $0xFFFFFFF8, v28;
	v32 =	vor.u32 v7, v32;
	v33 =	vld.idx.msk [tilespmem:v33+s4+$0x0], $0xffff  }
0x124: {  	v48 =	vand.u32 $0xFFFFFFF8, v59;
	[tilespmem:s15+$0xB790] =	vst v34;
	v24 =	vadd.s32 v22, v24;
	v28 =	vor.u32 v3, v28;
	v44 =	vld.idx.msk [tilespmem:v44+s4+$0x0], $0xffff  }
0x125: {  	v34 =	vor.u32 v9, v52;
	v24 =	vand.u32 $0xFFFFFFF8, v24;
	v25 =	vadd.s32 v16, v30;
	v42 =	vld.idx.msk [tilespmem:v26+s4+$0x0], $0xffff  }
0x126: {  	v24 =	vor.u32 v13, v24;
	v60 =	vand.u32 $0xFFFFFFF8, v25;
	v26 =	vand.u32 $0xFFFFFFF8, v53;
	v36 =	vld.idx.msk [tilespmem:v27+s4+$0x0], $0xffff  }
0x127: {  	v50 =	vor.u32 v1, v60;
	v54 =	vor.u32 v11, v26;
	v26 =	vld.idx.msk [tilespmem:v29+s4+$0x0], $0xffff;
	v31 =	vshll.u32 v31, $0x4  }
0x128: {  	v29 =	vld.idx.msk [tilespmem:v32+s4+$0x0], $0xffff;
	v32 =	vand.u32 $0xFFFFFFF8, v58;
	v52 =	vadd.s32 v41, v31;
	v31 =	vor.u32 v7, v63  }
0x129: {  	v27 =	vld.idx.msk [tilespmem:v28+s4+$0x0], $0xffff;
	v55 =	vadd.s32 v2, v52;
	v56 =	vadd.s32 v4, v52;
	v57 =	vadd.s32 v6, v52  }
0x12a: {  	v28 =	vld.idx.msk [tilespmem:v34+s4+$0x0], $0xffff;
	v59 =	vadd.s32 v8, v52;
	v63 =	vadd.s32 v12, v52;
	v47 =	vand.u32 $0xFFFFFFF8, v55  }
0x12b: {  	v24 =	vld.idx.msk [tilespmem:v24+s4+$0x0], $0xffff;
	v58 =	vand.u32 $0xFFFFFFF8, v57;
	v57 =	vand.u32 $0xFFFFFFF8, v63;
	v47 =	vor.u32 v3, v47  }
0x12c: {  	v53 =	vand.u32 $0xFFFFFFF8, v56;
	v60 =	vand.u32 $0xFFFFFFF8, v59;
	v59 =	vor.u32 v13, v57;
	v25 =	vld.idx.msk [tilespmem:v54+s4+$0x0], $0xffff;
	[tilespmem:s15+$0xF790] =	vst v36  }
0x12d: {  	s0 =	sor.u32 s8, s0;
	v41 =	vor.u32 v3, v46;
	v36 =	vld.idx.msk [tilespmem:v39+s4+$0x0], $0xffff;
	v39 =	vor.u32 v5, v53;
	[tilespmem:s15+$0xF410] =	vst v42  }
0x12e: {  	v34 =	vand.u32 $0xFFFFFFF8, v61;
	v61 =	vadd.s32 v10, v52;
	v42 =	vld.idx.msk [tilespmem:v45+s4+$0x0], $0xffff;
	v45 =	vor.u32 v7, v58;
	[tilespmem:s0+$0xB410] =	vst v40  }
0x12f: {  	v49 =	vld [tilespmem:s10+$0x0];
	v62 =	vand.u32 $0xFFFFFFF8, v61;
	v54 =	vadd.s32 v0, v52;
	v40 =	vor.u32 v9, v60;
	[tilespmem:s0+$0xB490] =	vst v35  }
0x130: {  	v53 =	vor.u32 v11, v62;
	v58 =	vadd.s32 v14, v52;
	[tilespmem:s0+$0xB510] =	vst v33;
	v46 =	vand.u32 $0xFFFFFFF8, v54;
	v33 =	vld.idx.msk [tilespmem:v47+s4+$0x0], $0xffff  }
0x131: {  	[tilespmem:s0+$0xB590] =	vst v37;
	v54 =	vand.u32 $0xFFFFFFF8, v58;
	v46 =	vor.u32 v1, v46;
	v47 =	vld.idx.msk [tilespmem:v59+s4+$0x0], $0xffff  }
0x132: {  	v30 =	vadd.s32 v23, v30;
	[tilespmem:s0+$0xB610] =	vst v44;
	v60 =	vor.u32 v15, v54;
	v37 =	vld.idx.msk [tilespmem:v39+s4+$0x0], $0xffff  }
0x133: {  	s10 =	simm.s32 $0x200;
	v51 =	vshll.u32 v51, $0x4;
	v30 =	vand.u32 $0xFFFFFFF8, v30;
	v35 =	vor.u32 v11, v48;
	[tilespmem:s0+$0xB690] =	vst v38;
	v61 =	vld.idx.msk [tilespmem:v45+s4+$0x0], $0xffff  }
0x134: {  	s14 =	simm.s32 $0x40;
	v49 =	vshll.u32 v49, $0x5;
	s12 =	sand.u32 $0x7FFFFC00, s10;
	v59 =	vadd.s32 v19, v52;
	v39 =	vor.u32 v15, v30;
	v38 =	vld.idx.msk [tilespmem:v40+s4+$0x0], $0xffff;
	[tilespmem:s0+$0xB710] =	vst v36  }
0x135: {  	s29 =	sand.u32 $0x60, s14;
	s8 =	sshrl.u32 s12, $0x2;
	v30 =	vadd.s32 v49, v51;
	v45 =	vld.idx.msk [tilespmem:v53+s4+$0x0], $0xffff;
	[tilespmem:s0+$0xB790] =	vst v42;
	v42 =	vadd.s32 v16, v52;
	v44 =	vand.u32 $0xFFFFFFF8, v59  }
0x136: {  	s30 =	sor.u32 $0x10, s29;
	s13 =	sor.u32 s5, s13;
	s26 =	sadd.s32 $0x1410, s8;
	v62 =	vadd.s32 v0, v30;
	v63 =	vadd.s32 v2, v30;
	v49 =	vadd.s32 v4, v30;
	v46 =	vld.idx.msk [tilespmem:v46+s4+$0x0], $0xffff  }
0x137: {  	s28 =	sadd.s32 s30, s26;
	v51 =	vadd.s32 v6, v30;
	v55 =	vadd.s32 v12, v30;
	v36 =	vand.u32 $0xFFFFFFF8, v62;
	v48 =	vld.idx.msk [tilespmem:v60+s4+$0x0], $0xffff;
	[tilespmem:s13+$0xB490] =	vst v33  }
0x138: {  	v57 =	vld [tilespmem:s28+$0x80];
	v44 =	vor.u32 v7, v44;
	v40 =	vand.u32 $0xFFFFFFF8, v63;
	v36 =	vor.u32 v1, v36;
	[tilespmem:s13+$0xB710] =	vst v47  }
0x139: {  	v49 =	vand.u32 $0xFFFFFFF8, v49;
	v63 =	vadd.s32 v18, v52;
	v58 =	vor.u32 v3, v40;
	v40 =	vld.idx.msk [tilespmem:v43+s4+$0x0], $0xffff;
	[tilespmem:s13+$0xB510] =	vst v37  }
0x13a: {  	s26 =	sor.u32 s29, s26;
	v59 =	vand.u32 $0xFFFFFFF8, v55;
	v33 =	vand.u32 $0xFFFFFFF8, v42;
	v42 =	vld.idx.msk [tilespmem:v50+s4+$0x0], $0xffff;
	v50 =	vand.u32 $0xFFFFFFF8, v63;
	[tilespmem:s13+$0xB590] =	vst v61  }
0x13b: {  	v49 =	vor.u32 v5, v49;
	[tilespmem:s13+$0xB610] =	vst v38;
	v43 =	vor.u32 v5, v50;
	v50 =	vor.u32 v13, v59;
	v59 =	vld [tilespmem:s26+$0x0]  }
0x13c: {  	v33 =	vor.u32 v1, v33;
	[tilespmem:s13+$0xB410] =	vst v46;
	v46 =	vand.u32 $0xFFFFFFF8, v51;
	v51 =	vld [tilespmem:s28+$0x0]  }
0x13d: {  	v60 =	vadd.s32 v23, v52;
	[tilespmem:s13+$0xB690] =	vst v45;
	v36 =	vld.idx.msk [tilespmem:v36+s4+$0x0], $0xffff  }
0x13e: {  	v61 =	vadd.s32 v17, v52;
	v37 =	vand.u32 $0xFFFFFFF8, v60;
	[tilespmem:s13+$0xB790] =	vst v48;
	v47 =	vld.idx.msk [tilespmem:v58+s4+$0x0], $0xffff  }
0x13f: {  	v60 =	vadd.s32 v20, v52;
	v62 =	vand.u32 $0xFFFFFFF8, v61;
	v37 =	vor.u32 v15, v37;
	v44 =	vld.idx.msk [tilespmem:v44+s4+$0x0], $0xffff  }
0x140: {  	v45 =	vand.u32 $0xFFFFFFF8, v60;
	v61 =	vadd.s32 v21, v52;
	v38 =	vor.u32 v3, v62;
	v49 =	vld.idx.msk [tilespmem:v49+s4+$0x0], $0xffff  }
0x141: {  	[tilespmem:s15+$0xF490] =	vst v27;
	v62 =	vor.u32 v9, v45;
	v63 =	vand.u32 $0xFFFFFFF8, v61;
	v27 =	vld.idx.msk [tilespmem:v33+s4+$0x0], $0xffff  }
0x142: {  	v34 =	vor.u32 v13, v34;
	v58 =	vadd.s32 v22, v52;
	v45 =	vor.u32 v11, v63;
	v43 =	vld.idx.msk [tilespmem:v43+s4+$0x0], $0xffff  }
0x143: {  	v53 =	vadd.s32 v8, v30;
	v46 =	vor.u32 v7, v46;
	v48 =	vand.u32 $0xFFFFFFF8, v58;
	v50 =	vld.idx.msk [tilespmem:v50+s4+$0x0], $0xffff  }
0x144: {  	[tilespmem:s15+$0xF510] =	vst v26;
	v54 =	vadd.s32 v10, v30;
	v26 =	vand.u32 $0xFFFFFFF8, v53;
	v48 =	vor.u32 v13, v48;
	v37 =	vld.idx.msk [tilespmem:v37+s4+$0x0], $0xffff  }
0x145: {  	[tilespmem:s15+$0xF590] =	vst v29;
	v56 =	vadd.s32 v14, v30;
	v29 =	vand.u32 $0xFFFFFFF8, v54;
	v52 =	vor.u32 v9, v26;
	v38 =	vld.idx.msk [tilespmem:v38+s4+$0x0], $0xffff  }
0x146: {  	v32 =	vor.u32 v9, v32;
	[tilespmem:s15+$0xF610] =	vst v28;
	v28 =	vand.u32 $0xFFFFFFF8, v56;
	v53 =	vor.u32 v11, v29;
	v55 =	vld.idx.msk [tilespmem:v62+s4+$0x0], $0xffff  }
0x147: {  	[tilespmem:s15+$0xF710] =	vst v24;
	v54 =	vor.u32 v15, v28;
	v29 =	vadd.s32 v18, v30;
	v45 =	vld.idx.msk [tilespmem:v45+s4+$0x0], $0xffff  }
0x148: {  	[tilespmem:s15+$0xF690] =	vst v25;
	v25 =	vadd.s32 v21, v30;
	v24 =	vadd.s32 v23, v30;
	v29 =	vand.u32 $0xFFFFFFF8, v29;
	v46 =	vld.idx.msk [tilespmem:v46+s4+$0x0], $0xffff  }
0x149: {  	v28 =	vadd.s32 v17, v30;
	v29 =	vor.u32 v5, v29;
	v48 =	vld.idx.msk [tilespmem:v48+s4+$0x0], $0xffff;
	[tilespmem:s13+$0xF410] =	vst v27  }
0x14a: {  	v28 =	vand.u32 $0xFFFFFFF8, v28;
	v61 =	vadd.s32 v20, v30;
	v26 =	vadd.s32 v16, v30;
	[tilespmem:s13+$0xF510] =	vst v43;
	v43 =	vld.idx.msk [tilespmem:v52+s4+$0x0], $0xffff  }
0x14b: {  	s15 =	sor.u32 s9, s5;
	v60 =	vadd.s32 v19, v30;
	v56 =	vand.u32 $0xFFFFFFF8, v61;
	v26 =	vand.u32 $0xFFFFFFF8, v26;
	[tilespmem:s13+$0xF590] =	vst v44;
	v44 =	vld.idx.msk [tilespmem:v53+s4+$0x0], $0xffff  }
0x14c: {  	v58 =	vadd.s32 v22, v30;
	v30 =	vor.u32 v3, v28;
	v33 =	vand.u32 $0xFFFFFFF8, v60;
	v52 =	vld.idx.msk [tilespmem:v54+s4+$0x0], $0xffff;
	[tilespmem:s15+$0xB410] =	vst v36  }
0x14d: {  	v60 =	vor.u32 v1, v26;
	v26 =	vand.u32 $0xFFFFFFF8, v25;
	v28 =	vand.u32 $0xFFFFFFF8, v58;
	v62 =	vld [tilespmem:s26+$0x80];
	[tilespmem:s15+$0xB490] =	vst v47  }
0x14e: {  	v25 =	vor.u32 v9, v56;
	v56 =	vshll.u32 v57, $0x4;
	v57 =	vand.u32 $0xFFFFFFF8, v24;
	[tilespmem:s15+$0xB510] =	vst v49  }
0x14f: {  	v41 =	vld.idx.msk [tilespmem:v41+s4+$0x0], $0xffff;
	v24 =	vor.u32 v13, v28;
	v28 =	vor.u32 v15, v57;
	v63 =	vshll.u32 v51, $0x5;
	[tilespmem:s15+$0xB710] =	vst v50  }
0x150: {  	v35 =	vld.idx.msk [tilespmem:v35+s4+$0x0], $0xffff;
	v51 =	vshll.u32 v59, $0x5;
	v27 =	vor.u32 v7, v33;
	v33 =	vadd.s32 v63, v56;
	[tilespmem:s13+$0xF790] =	vst v37  }
0x151: {  	v59 =	vadd.s32 v2, v33;
	v53 =	vadd.s32 v6, v33;
	[tilespmem:s13+$0xF490] =	vst v38;
	v38 =	vadd.s32 v0, v33  }
0x152: {  	v36 =	vld.idx.msk [tilespmem:v34+s4+$0x0], $0xffff;
	v56 =	vadd.s32 v8, v33;
	[tilespmem:s13+$0xF690] =	vst v45;
	v45 =	vshll.u32 v62, $0x4;
	v58 =	vand.u32 $0xFFFFFFF8, v38  }
0x153: {  	v34 =	vld.idx.msk [tilespmem:v39+s4+$0x0], $0xffff;
	[tilespmem:s13+$0xF610] =	vst v55;
	v38 =	vand.u32 $0xFFFFFFF8, v59;
	v62 =	vadd.s32 v4, v33;
	v61 =	vor.u32 v1, v58  }
0x154: {  	v37 =	vld.idx.msk [tilespmem:v31+s4+$0x0], $0xffff;
	v57 =	vadd.s32 v10, v33;
	[tilespmem:s15+$0xB590] =	vst v46;
	v63 =	vor.u32 v3, v38;
	v31 =	vand.u32 $0xFFFFFFF8, v62  }
0x155: {  	v38 =	vld.idx.msk [tilespmem:v32+s4+$0x0], $0xffff;
	v58 =	vadd.s32 v12, v33;
	[tilespmem:s0+$0xF410] =	vst v42;
	v55 =	vor.u32 v5, v31;
	v31 =	vand.u32 $0xFFFFFFF8, v53  }
0x156: {  	[tilespmem:s15+$0xB610] =	vst v43;
	v59 =	vand.u32 $0xFFFFFFF8, v58;
	v47 =	vor.u32 v7, v31;
	v31 =	vand.u32 $0xFFFFFFF8, v56  }
0x157: {  	[tilespmem:s15+$0xB690] =	vst v44;
	v44 =	vor.u32 v13, v59;
	v46 =	vor.u32 v9, v31;
	v31 =	vand.u32 $0xFFFFFFF8, v57  }
0x158: {  	v43 =	vor.u32 v11, v31;
	v31 =	vadd.s32 v51, v45;
	v39 =	vld.idx.msk [tilespmem:v61+s4+$0x0], $0xffff;
	v61 =	vadd.s32 v14, v33  }
0x159: {  	v26 =	vor.u32 v11, v26;
	[tilespmem:s13+$0xF710] =	vst v48;
	v45 =	vld.idx.msk [tilespmem:v63+s4+$0x0], $0xffff;
	v49 =	vadd.s32 v0, v31;
	v62 =	vand.u32 $0xFFFFFFF8, v61  }
0x15a: {  	v63 =	vadd.s32 v2, v31;
	v56 =	vadd.s32 v10, v31;
	v32 =	vld.idx.msk [tilespmem:v55+s4+$0x0], $0xffff;
	v48 =	vor.u32 v15, v62  }
0x15b: {  	v57 =	vadd.s32 v12, v31;
	v58 =	vadd.s32 v14, v31;
	v61 =	vadd.s32 v4, v31;
	v53 =	vld.idx.msk [tilespmem:v47+s4+$0x0], $0xffff  }
0x15c: {  	[tilespmem:s15+$0xB790] =	vst v52;
	v55 =	vadd.s32 v8, v31;
	v49 =	vand.u32 $0xFFFFFFF8, v49;
	v63 =	vand.u32 $0xFFFFFFF8, v63;
	v52 =	vld.idx.msk [tilespmem:v44+s4+$0x0], $0xffff  }
0x15d: {  	[tilespmem:s0+$0xF490] =	vst v41;
	v62 =	vadd.s32 v6, v31;
	v61 =	vand.u32 $0xFFFFFFF8, v61;
	v55 =	vand.u32 $0xFFFFFFF8, v55;
	v51 =	vld.idx.msk [tilespmem:v46+s4+$0x0], $0xffff  }
0x15e: {  	s8 =	sor.u32 s12, s30;
	s5 =	sadd.s32 $0x10, s2;
	[tilespmem:s0+$0xF510] =	vst v40;
	v44 =	vand.u32 $0xFFFFFFF8, v57;
	v49 =	vor.u32 v1, v49;
	v47 =	vand.u32 $0xFFFFFFF8, v58;
	v50 =	vld.idx.msk [tilespmem:v43+s4+$0x0], $0xffff  }
0x15f: {  	s9 =	smov.u32 s7;
	p2 =	slt.s32 s5, s7;
	v62 =	vand.u32 $0xFFFFFFF8, v62;
	v46 =	vand.u32 $0xFFFFFFF8, v56;
	v42 =	vor.u32 v9, v55;
	v54 =	vld.idx.msk [tilespmem:v48+s4+$0x0], $0xffff;
	[tilespmem:s8+$0xB410] =	vst v39  }
0x160: {  	s10 =	simm.s32 $0x4;
	s9 =	smov.u32 @p2 s5;
	v43 =	vor.u32 v5, v61;
	v48 =	vor.u32 v3, v63;
	[tilespmem:s8+$0xB490] =	vst v45;
	v63 =	vadd.s32 v16, v33  }
0x161: {  	s5 =	sadd.s32 s6, s9;
	s9 =	sor.u32 s29, s12;
	s12 =	simm.s32 $0x300;
	v41 =	vor.u32 v7, v62;
	[tilespmem:s8+$0xB510] =	vst v32;
	v39 =	vadd.s32 v23, v33;
	v32 =	vld.idx.msk [tilespmem:v60+s4+$0x0], $0xffff;
	v40 =	vand.u32 $0xFFFFFFF8, v63  }
.LBB2_5:
0x162: {  	s13 =	sand.u32 $0x7FFFFC00, s12;
	[tilespmem:s8+$0xB590] =	vst v53;
	v45 =	vor.u32 v1, v40;
	v53 =	vadd.s32 v17, v33;
	v39 =	vand.u32 $0xFFFFFFF8, v39;
	s14 =	sadd.s32 $0x20, s14;
	v40 =	vld.idx.msk [tilespmem:v30+s4+$0x0], $0xffff  }
0x163: {  	s28 =	sand.u32 $0x60, s14;
	s26 =	sshrl.u32 s13, $0x2;
	[tilespmem:s8+$0xB610] =	vst v51;
	v30 =	vand.u32 $0xFFFFFFF8, v53;
	v51 =	vadd.s32 v18, v33;
	v53 =	vor.u32 v15, v39;
	v39 =	vld.idx.msk [tilespmem:v29+s4+$0x0], $0xffff  }
0x164: {  	s30 =	sadd.s32 $0x1410, s26;
	s29 =	sor.u32 s28, s13;
	s26 =	sor.u32 $0x10, s28;
	v49 =	vld.idx.msk [tilespmem:v49+s4+$0x0], $0xffff;
	[tilespmem:s8+$0xB690] =	vst v50;
	v29 =	vor.u32 v3, v30;
	v30 =	vand.u32 $0xFFFFFFF8, v51;
	v50 =	vadd.s32 v19, v33  }
0x165: {  	v51 =	vadd.s32 v20, v33;
	s28 =	sor.u32 s28, s30;
	s30 =	sadd.s32 s26, s30;
	v48 =	vld.idx.msk [tilespmem:v48+s4+$0x0], $0xffff;
	[tilespmem:s8+$0xB710] =	vst v52;
	v30 =	vor.u32 v5, v30;
	v50 =	vand.u32 $0xFFFFFFF8, v50  }
0x166: {  	v55 =	vmovc v28;
	v51 =	vand.u32 $0xFFFFFFF8, v51;
	v52 =	vld [tilespmem:s30+$0x0];
	[tilespmem:s8+$0xB790] =	vst v54;
	v50 =	vor.u32 v7, v50;
	v54 =	vadd.s32 v21, v33  }
0x167: {  	v33 =	vadd.s32 v22, v33;
	v28 =	vld.idx.msk [tilespmem:v45+s4+$0x0], $0xffff;
	v45 =	vor.u32 v9, v51;
	v51 =	vand.u32 $0xFFFFFFF8, v54;
	[tilespmem:s0+$0xF590] =	vst v37  }
0x168: {  	v37 =	vor.u32 v11, v46;
	v33 =	vand.u32 $0xFFFFFFF8, v33;
	v46 =	vor.u32 v11, v51;
	v51 =	vld.idx.msk [tilespmem:v53+s4+$0x0], $0xffff;
	[tilespmem:s0+$0xF610] =	vst v38  }
0x169: {  	v38 =	vor.u32 v13, v44;
	v44 =	vor.u32 v15, v47;
	v47 =	vld.idx.msk [tilespmem:v29+s4+$0x0], $0xffff;
	v29 =	vor.u32 v13, v33  }
0x16a: {  	v54 =	vadd.s32 v18, v31;
	v53 =	vadd.s32 v17, v31;
	v33 =	vadd.s32 v16, v31;
	v56 =	vld.idx.msk [tilespmem:v30+s4+$0x0], $0xffff  }
0x16b: {  	v57 =	vadd.s32 v20, v31;
	v58 =	vadd.s32 v21, v31;
	v30 =	vadd.s32 v19, v31;
	v50 =	vld.idx.msk [tilespmem:v50+s4+$0x0], $0xffff  }
0x16c: {  	v59 =	vadd.s32 v22, v31;
	v33 =	vand.u32 $0xFFFFFFF8, v33;
	v31 =	vadd.s32 v23, v31;
	v60 =	vld.idx.msk [tilespmem:v45+s4+$0x0], $0xffff;
	[tilespmem:s0+$0xF690] =	vst v35  }
0x16d: {  	v35 =	vand.u32 $0xFFFFFFF8, v53;
	v53 =	vand.u32 $0xFFFFFFF8, v54;
	v54 =	vand.u32 $0xFFFFFFF8, v30;
	v46 =	vld.idx.msk [tilespmem:v46+s4+$0x0], $0xffff;
	[tilespmem:s0+$0xF710] =	vst v36  }
0x16e: {  	v36 =	vand.u32 $0xFFFFFFF8, v57;
	v57 =	vand.u32 $0xFFFFFFF8, v58;
	v58 =	vand.u32 $0xFFFFFFF8, v59;
	v59 =	vld.idx.msk [tilespmem:v29+s4+$0x0], $0xffff;
	[tilespmem:s8+$0xF790] =	vst v51  }
0x16f: {  	v31 =	vand.u32 $0xFFFFFFF8, v31;
	v45 =	vor.u32 v1, v33;
	v30 =	vor.u32 v3, v35;
	v51 =	vld [tilespmem:s30+$0x80];
	[tilespmem:s0+$0xF790] =	vst v34;
	s0 =	smov.u32 s15;
	s15 =	smov.u32 s9;
	s9 =	smov.u32 s29  }
0x170: {  	v54 =	vor.u32 v7, v54;
	v29 =	vor.u32 v5, v53;
	v61 =	vor.u32 v9, v36;
	v33 =	vld [tilespmem:s28+$0x0];
	[tilespmem:s8+$0xF410] =	vst v28  }
0x171: {  	v57 =	vor.u32 v11, v57;
	v58 =	vor.u32 v13, v58;
	v28 =	vor.u32 v15, v31;
	v34 =	vld [tilespmem:s28+$0x80];
	[tilespmem:s8+$0xF490] =	vst v47  }
0x172: {  	v35 =	vld.idx.msk [tilespmem:v43+s4+$0x0], $0xffff;
	[tilespmem:s8+$0xF510] =	vst v56  }
0x173: {  	v36 =	vld.idx.msk [tilespmem:v41+s4+$0x0], $0xffff;
	[tilespmem:s8+$0xF590] =	vst v50  }
0x174: {  	s10 =	sadd.s32 $0x2, s10;
	v31 =	vshll.u32 v52, $0x5;
	v41 =	vshll.u32 v51, $0x4;
	v42 =	vld.idx.msk [tilespmem:v42+s4+$0x0], $0xffff;
	[tilespmem:s8+$0xF610] =	vst v60  }
0x175: {  	p2 =	slt.u32 s10, $0x7E;
	v43 =	vshll.u32 v33, $0x5;
	v33 =	vadd.s32 v31, v41;
	v41 =	vld.idx.msk [tilespmem:v37+s4+$0x0], $0xffff;
	[tilespmem:s8+$0xF690] =	vst v46  }
0x176: {  	v31 =	vshll.u32 v34, $0x4;
	v34 =	vadd.s32 v0, v33;
	v46 =	vld.idx.msk [tilespmem:v38+s4+$0x0], $0xffff;
	[tilespmem:s8+$0xF710] =	vst v59;
	v37 =	vadd.s32 v2, v33  }
0x177: {  	v38 =	vadd.s32 v4, v33;
	v31 =	vadd.s32 v43, v31;
	v34 =	vand.u32 $0xFFFFFFF8, v34;
	v43 =	vld.idx.msk [tilespmem:v44+s4+$0x0], $0xffff;
	[tilespmem:s15+$0xB410] =	vst v49  }
0x178: {  	v47 =	vadd.s32 v6, v33;
	v44 =	vor.u32 v1, v34;
	v34 =	vand.u32 $0xFFFFFFF8, v37;
	[tilespmem:s15+$0xB490] =	vst v48;
	v37 =	vld.idx.msk [tilespmem:v27+s4+$0x0], $0xffff  }
0x179: {  	v52 =	vadd.s32 v6, v31;
	v27 =	vor.u32 v3, v34;
	v34 =	vand.u32 $0xFFFFFFF8, v38;
	[tilespmem:s15+$0xB510] =	vst v35;
	v38 =	vld.idx.msk [tilespmem:v25+s4+$0x0], $0xffff  }
0x17a: {  	v25 =	vor.u32 v5, v34;
	v34 =	vand.u32 $0xFFFFFFF8, v47;
	v47 =	vadd.s32 v8, v33;
	[tilespmem:s15+$0xB590] =	vst v36;
	v35 =	vld.idx.msk [tilespmem:v26+s4+$0x0], $0xffff  }
0x17b: {  	v26 =	vor.u32 v7, v34;
	v34 =	vand.u32 $0xFFFFFFF8, v47;
	v47 =	vadd.s32 v10, v33;
	[tilespmem:s15+$0xB610] =	vst v42;
	v36 =	vld.idx.msk [tilespmem:v24+s4+$0x0], $0xffff  }
0x17c: {  	v24 =	vor.u32 v9, v34;
	v42 =	vand.u32 $0xFFFFFFF8, v47;
	v47 =	vadd.s32 v12, v33;
	[tilespmem:s15+$0xB690] =	vst v41;
	v34 =	vld.idx.msk [tilespmem:v55+s4+$0x0], $0xffff  }
0x17d: {  	v41 =	vld.idx.msk [tilespmem:v44+s4+$0x0], $0xffff;
	v42 =	vor.u32 v11, v42;
	v44 =	vand.u32 $0xFFFFFFF8, v47;
	v47 =	vadd.s32 v14, v33;
	[tilespmem:s15+$0xB710] =	vst v46  }
0x17e: {  	v46 =	vadd.s32 v0, v31;
	v55 =	vld.idx.msk [tilespmem:v27+s4+$0x0], $0xffff;
	v48 =	vor.u32 v13, v44;
	v27 =	vand.u32 $0xFFFFFFF8, v47;
	[tilespmem:s15+$0xB790] =	vst v43  }
0x17f: {  	v43 =	vadd.s32 v2, v31;
	v44 =	vadd.s32 v4, v31;
	v56 =	vld.idx.msk [tilespmem:v25+s4+$0x0], $0xffff;
	v59 =	vor.u32 v15, v27  }
0x180: {  	v49 =	vadd.s32 v10, v31;
	v47 =	vadd.s32 v8, v31;
	v53 =	vld.idx.msk [tilespmem:v26+s4+$0x0], $0xffff;
	v26 =	vadd.s32 v12, v31  }
0x181: {  	v62 =	vadd.s32 v14, v31;
	v60 =	vand.u32 $0xFFFFFFF8, v46;
	v51 =	vld.idx.msk [tilespmem:v24+s4+$0x0], $0xffff;
	[tilespmem:s0+$0xF410] =	vst v32  }
.Ltmp3:
0x182: {  	v63 =	vand.u32 $0xFFFFFFF8, v52;
	v25 =	vmovc v61;
	v32 =	vand.u32 $0xFFFFFFF8, v43;
	v43 =	vand.u32 $0xFFFFFFF8, v44;
	v27 =	vmovc v54;
	v50 =	vld.idx.msk [tilespmem:v42+s4+$0x0], $0xffff;
	[tilespmem:s0+$0xF490] =	vst v40;
	(pc) =	sbr.rel @p2 .LBB2_5-.Ltmp3, $4  }
0x183: {  	s8 =	sor.u32 s13, s26;
	v46 =	vand.u32 $0xFFFFFFF8, v49;
	v44 =	vand.u32 $0xFFFFFFF8, v26;
	v24 =	vmovc v58;
	v40 =	vand.u32 $0xFFFFFFF8, v47;
	v52 =	vld.idx.msk [tilespmem:v48+s4+$0x0], $0xffff;
	[tilespmem:s0+$0xF510] =	vst v39;
	v26 =	vmovc v57  }
0x184: {  	v49 =	vor.u32 v1, v60;
	v47 =	vand.u32 $0xFFFFFFF8, v62;
	v48 =	vor.u32 v3, v32;
	v54 =	vld.idx.msk [tilespmem:v59+s4+$0x0], $0xffff;
	[tilespmem:s8+$0xB410] =	vst v41  }
0x185: {  	v43 =	vor.u32 v5, v43;
	v32 =	vadd.s32 v16, v33;
	v41 =	vor.u32 v7, v63;
	[tilespmem:s8+$0xB490] =	vst v55  }
0x186: {  	s12 =	sadd.s32 $0x100, s12;
	v42 =	vor.u32 v9, v40;
	v39 =	vadd.s32 v23, v33;
	v40 =	vand.u32 $0xFFFFFFF8, v32;
	[tilespmem:s8+$0xB510] =	vst v56;
	v32 =	vld.idx.msk [tilespmem:v45+s4+$0x0], $0xffff  }
0x187: {  	_ =	sdelay $0x3  }
0x188: {  	v43 =	vld.idx.msk [tilespmem:v43+s4+$0x0], $0xffff  }
0x189: {  	v41 =	vld.idx.msk [tilespmem:v41+s4+$0x0], $0xffff  }
0x18a: {  	v30 =	vld.idx.msk [tilespmem:v30+s4+$0x0], $0xffff  }
0x18b: {  	[tilespmem:s8+$0xB590] =	vst v53;
	v29 =	vld.idx.msk [tilespmem:v29+s4+$0x0], $0xffff  }
0x18c: {  	v40 =	vor.u32 v1, v40;
	v45 =	vadd.s32 v17, v33;
	v39 =	vand.u32 $0xFFFFFFF8, v39;
	[tilespmem:s8+$0xB610] =	vst v51;
	v27 =	vld.idx.msk [tilespmem:v27+s4+$0x0], $0xffff  }
0x18d: {  	v58 =	vadd.s32 v18, v33;
	[tilespmem:s8+$0xB690] =	vst v50;
	v25 =	vld.idx.msk [tilespmem:v25+s4+$0x0], $0xffff;
	v45 =	vand.u32 $0xFFFFFFF8, v45;
	v39 =	vor.u32 v15, v39  }
0x18e: {  	v60 =	vadd.s32 v19, v33;
	[tilespmem:s0+$0xF590] =	vst v37;
	v26 =	vld.idx.msk [tilespmem:v26+s4+$0x0], $0xffff;
	v59 =	vand.u32 $0xFFFFFFF8, v58;
	v45 =	vor.u32 v3, v45  }
0x18f: {  	v61 =	vadd.s32 v20, v33;
	v24 =	vld.idx.msk [tilespmem:v24+s4+$0x0], $0xffff;
	[tilespmem:s8+$0xB710] =	vst v52;
	v51 =	vand.u32 $0xFFFFFFF8, v60;
	v50 =	vor.u32 v5, v59  }
0x190: {  	v62 =	vadd.s32 v21, v33;
	v28 =	vld.idx.msk [tilespmem:v28+s4+$0x0], $0xffff;
	v52 =	vand.u32 $0xFFFFFFF8, v61;
	[tilespmem:s8+$0xB790] =	vst v54;
	v51 =	vor.u32 v7, v51  }
0x191: {  	v63 =	vadd.s32 v22, v33;
	[tilespmem:s0+$0xF610] =	vst v38;
	v53 =	vand.u32 $0xFFFFFFF8, v62;
	v52 =	vor.u32 v9, v52;
	v40 =	vld.idx.msk [tilespmem:v40+s4+$0x0], $0xffff  }
0x192: {  	[tilespmem:s0+$0xF690] =	vst v35;
	v33 =	vand.u32 $0xFFFFFFF8, v63;
	v53 =	vor.u32 v11, v53;
	v39 =	vld.idx.msk [tilespmem:v39+s4+$0x0], $0xffff  }
0x193: {  	[tilespmem:s0+$0xF710] =	vst v36;
	v33 =	vor.u32 v13, v33;
	v45 =	vld.idx.msk [tilespmem:v45+s4+$0x0], $0xffff  }
0x194: {  	[tilespmem:s0+$0xF790] =	vst v34;
	v50 =	vld.idx.msk [tilespmem:v50+s4+$0x0], $0xffff  }
0x195: {  	[tilespmem:s15+$0xF410] =	vst v32;
	v56 =	vld.idx.msk [tilespmem:v51+s4+$0x0], $0xffff  }
0x196: {  	[tilespmem:s15+$0xF490] =	vst v30;
	v57 =	vld.idx.msk [tilespmem:v52+s4+$0x0], $0xffff  }
0x197: {  	v44 =	vor.u32 v13, v44;
	[tilespmem:s15+$0xF510] =	vst v29;
	v58 =	vld.idx.msk [tilespmem:v53+s4+$0x0], $0xffff  }
0x198: {  	v62 =	vor.u32 v15, v47;
	v33 =	vld.idx.msk [tilespmem:v33+s4+$0x0], $0xffff;
	[tilespmem:s8+$0xF410] =	vst v40  }
0x199: {  	v60 =	vor.u32 v11, v46;
	v59 =	vld.idx.msk [tilespmem:v49+s4+$0x0], $0xffff;
	[tilespmem:s8+$0xF790] =	vst v39  }
0x19a: {  	v61 =	vld.idx.msk [tilespmem:v48+s4+$0x0], $0xffff;
	[tilespmem:s8+$0xF490] =	vst v45  }
0x19b: {  	v63 =	vld.idx.msk [tilespmem:v42+s4+$0x0], $0xffff;
	[tilespmem:s8+$0xF510] =	vst v50  }
0x19c: {  	v46 =	vld.idx.msk [tilespmem:v44+s4+$0x0], $0xffff;
	[tilespmem:s8+$0xF590] =	vst v56  }
0x19d: {  	v47 =	vld.idx.msk [tilespmem:v62+s4+$0x0], $0xffff;
	[tilespmem:s8+$0xF610] =	vst v57  }
0x19e: {  	v45 =	vld.idx.msk [tilespmem:v60+s4+$0x0], $0xffff;
	[tilespmem:s9+$0xB410] =	vst v59  }
0x19f: {  	v48 =	vadd.s32 v16, v31;
	[tilespmem:s9+$0xB490] =	vst v61  }
0x1a0: {  	v49 =	vadd.s32 v17, v31;
	v36 =	vand.u32 $0xFFFFFFF8, v48;
	[tilespmem:s9+$0xB510] =	vst v43  }
0x1a1: {  	v34 =	vand.u32 $0xFFFFFFF8, v49;
	v36 =	vor.u32 v1, v36;
	v51 =	vadd.s32 v19, v31;
	[tilespmem:s9+$0xB590] =	vst v41  }
0x1a2: {  	v34 =	vor.u32 v3, v34;
	v52 =	vadd.s32 v20, v31;
	v40 =	vand.u32 $0xFFFFFFF8, v51;
	[tilespmem:s9+$0xB610] =	vst v63  }
0x1a3: {  	v53 =	vadd.s32 v21, v31;
	v37 =	vand.u32 $0xFFFFFFF8, v52;
	v40 =	vor.u32 v7, v40;
	[tilespmem:s9+$0xB710] =	vst v46  }
0x1a4: {  	v54 =	vadd.s32 v22, v31;
	v38 =	vand.u32 $0xFFFFFFF8, v53;
	v37 =	vor.u32 v9, v37;
	[tilespmem:s9+$0xB790] =	vst v47  }
0x1a5: {  	v55 =	vand.u32 $0xFFFFFFF8, v54;
	v50 =	vadd.s32 v18, v31;
	v56 =	vor.u32 v11, v38;
	[tilespmem:s9+$0xB690] =	vst v45  }
0x1a6: {  	[tilespmem:s8+$0xF710] =	vst v33;
	v31 =	vadd.s32 v23, v31;
	v33 =	vor.u32 v13, v55;
	v39 =	vand.u32 $0xFFFFFFF8, v50;
	v57 =	vld.idx.msk [tilespmem:v36+s4+$0x0], $0xffff  }
0x1a7: {  	[tilespmem:s15+$0xF590] =	vst v27;
	v31 =	vand.u32 $0xFFFFFFF8, v31;
	v39 =	vor.u32 v5, v39;
	v30 =	vld.idx.msk [tilespmem:v34+s4+$0x0], $0xffff  }
0x1a8: {  	[tilespmem:s15+$0xF610] =	vst v25;
	v31 =	vor.u32 v15, v31;
	v27 =	vld.idx.msk [tilespmem:v40+s4+$0x0], $0xffff  }
0x1a9: {  	[tilespmem:s15+$0xF690] =	vst v26;
	v25 =	vld.idx.msk [tilespmem:v37+s4+$0x0], $0xffff  }
0x1aa: {  	[tilespmem:s15+$0xF710] =	vst v24;
	v26 =	vld.idx.msk [tilespmem:v56+s4+$0x0], $0xffff  }
0x1ab: {  	[tilespmem:s15+$0xF790] =	vst v28;
	v24 =	vld.idx.msk [tilespmem:v33+s4+$0x0], $0xffff  }
0x1ac: {  	[tilespmem:s8+$0xF690] =	vst v58;
	v29 =	vld.idx.msk [tilespmem:v39+s4+$0x0], $0xffff  }
0x1ad: {  	v28 =	vld.idx.msk [tilespmem:v31+s4+$0x0], $0xffff;
	[tilespmem:s9+$0xF410] =	vst v57  }
0x1ae: {  	[tilespmem:s9+$0xF490] =	vst v30  }
0x1af: {  	[tilespmem:s9+$0xF590] =	vst v27  }
0x1b0: {  	[tilespmem:s9+$0xF610] =	vst v25  }
0x1b1: {  	[tilespmem:s9+$0xF690] =	vst v26  }
0x1b2: {  	[tilespmem:s9+$0xF710] =	vst v24  }
0x1b3: {  	s12 =	sshll.u32 s5, $0x7;
	[tilespmem:s9+$0xF510] =	vst v29  }
0x1b4: {  	s5 =	sadd.s32 s3, s12;
	[tilespmem:s9+$0xF790] =	vst v28  }
0x1b5: {  	[hbm4b:s5+s4] =	stream.linear.scatter [tilespmem:s21], [sflag:$0x5], $0x4000, $0x38;
	[tilespmem:$0x1B410] =	vst v63  }
0x1b6: {  	s0 =	sadd.s32 s12, s11  }
0x1b7: {  	[hbm4b:s0+s4] =	stream.linear.scatter [tilespmem:s22], [sflag:$0x5], $0x4000, $0x38;
	[tilespmem:$0x1B410] =	vst v63  }
0x1b8: {  	s0 =	sadd.s32 @!p1 $0x40, s2  }
0x1b9: {  	p2 =	slt.s32 @!p1 s0, s7  }
0x1ba: {  	p2 =	por !p2, p1  }
0x1bb: {  	s0 =	smov.u32 @p2 s7  }
0x1bc: {  	s0 =	sadd.s32 @!p1 s6, s0  }
0x1bd: {  	s0 =	sshll.u32 @!p1 s0, $0x5  }
0x1be: {  	s0 =	sand.u32 @!p1 $0x1FFFFFE0, s0  }
0x1bf: {  	s8 =	simm.s32 @!p1 $0x1410;
	s5 =	simm.s32 @!p1 $0x0;
	s0 =	sadd.s32 @!p1 s1, s0  }
0x1c0: {  	[tilespmem:s8], [sflag:$0x2] =	stream.linear.gather @!p1 [hbm4b:s0+s5], $0x1000, $0x38;
	[tilespmem:$0x1B410] =	vst v63  }
0x1c1: {  	_ =	swait.ge [sflag:s23], $0x1000  }
0x1c2: {  	[sflag:s23] =	ssyncset.done $0x0  }
0x1c3: {  	s5 =	simm.s32 @!p0 $0x6;
	[sflag:s23] =	ssyncadd.s32 $0xFFFFF000  }
0x1c4: {  	_ =	swait.ge @!p0 [sflag:s5], $0x4000  }
0x1c5: {  	s13 =	simm.s32 $0x0;
	[sflag:s5] =	ssyncset.done @!p0 $0x0  }
0x1c6: {  	s0 =	sand.u32 $0x7FFFFC00, s13;
	[sflag:s5] =	ssyncadd.s32 @!p0 $0xFFFFC000  }
0x1c7: {  	s8 =	sand.u32 $0x60, s13;
	s14 =	sshrl.u32 s0, $0x2;
	_ =	swait.ge @!p0 [sflag:s5], $0x4000  }
0x1c8: {  	s10 =	sor.u32 $0x10, s8;
	s9 =	sadd.s32 $0x2410, s14;
	[sflag:s5] =	ssyncset.done @!p0 $0x0  }
0x1c9: {  	s15 =	sadd.s32 s10, s9;
	[sflag:s5] =	ssyncadd.s32 @!p0 $0xFFFFC000  }
0x1ca: {  	v24 =	vld [tilespmem:s15+$0x0]  }
0x1cb: {  	s26 =	sor.u32 s8, s9;
	v25 =	vld [tilespmem:s15+$0x80]  }
0x1cc: {  	v28 =	vld [tilespmem:s26+$0x0]  }
0x1cd: {  	v30 =	vld [tilespmem:s26+$0x80];
	_ =	sdelay $0x3  }
0x1ce: {  	v24 =	vshll.u32 v24, $0x5;
	v25 =	vshll.u32 v25, $0x4  }
0x1cf: {  	v28 =	vshll.u32 v28, $0x5;
	v30 =	vshll.u32 v30, $0x4;
	v24 =	vadd.s32 v24, v25  }
0x1d0: {  	v30 =	vadd.s32 v28, v30;
	v25 =	vadd.s32 v0, v24  }
0x1d1: {  	v26 =	vadd.s32 v2, v24;
	v27 =	vadd.s32 v4, v24;
	v29 =	vadd.s32 v6, v24  }
0x1d2: {  	v31 =	vadd.s32 v8, v24;
	v58 =	vadd.s32 v10, v24;
	v59 =	vadd.s32 v12, v24  }
0x1d3: {  	v60 =	vadd.s32 v14, v24;
	v61 =	vadd.s32 v2, v30;
	v62 =	vadd.s32 v4, v30  }
0x1d4: {  	s28 =	simm.s32 $0x100;
	v63 =	vadd.s32 v6, v30;
	v44 =	vadd.s32 v8, v30;
	v25 =	vand.u32 $0xFFFFFFF8, v25  }
0x1d5: {  	s29 =	simm.s32 $0x20;
	s5 =	sand.u32 $0x7FFFFC00, s28;
	v45 =	vadd.s32 v10, v30;
	v26 =	vand.u32 $0xFFFFFFF8, v26;
	v25 =	vor.u32 v1, v25  }
0x1d6: {  	s9 =	sand.u32 $0x60, s29;
	s30 =	sshrl.u32 s5, $0x2;
	v46 =	vadd.s32 v12, v30;
	v27 =	vand.u32 $0xFFFFFFF8, v27;
	v26 =	vor.u32 v3, v26  }
0x1d7: {  	s13 =	sor.u32 $0x10, s9;
	s15 =	sor.u32 s0, s10;
	s10 =	sadd.s32 $0x2410, s30;
	v47 =	vadd.s32 v14, v30;
	v29 =	vand.u32 $0xFFFFFFF8, v29;
	v27 =	vor.u32 v5, v27  }
0x1d8: {  	s12 =	sadd.s32 s13, s10;
	v50 =	vadd.s32 v19, v24;
	v31 =	vand.u32 $0xFFFFFFF8, v31;
	v29 =	vor.u32 v7, v29  }
0x1d9: {  	v41 =	vld [tilespmem:s12+$0x0];
	v51 =	vadd.s32 v20, v24;
	v33 =	vand.u32 $0xFFFFFFF8, v59;
	v31 =	vor.u32 v9, v31  }
0x1da: {  	v53 =	vadd.s32 v21, v24;
	v32 =	vand.u32 $0xFFFFFFF8, v58;
	v33 =	vor.u32 v13, v33;
	v25 =	vld.idx.msk [tilespmem:v25+s4+$0x0], $0xffff  }
0x1db: {  	v55 =	vadd.s32 v17, v30;
	v34 =	vand.u32 $0xFFFFFFF8, v60;
	v32 =	vor.u32 v11, v32;
	v26 =	vld.idx.msk [tilespmem:v26+s4+$0x0], $0xffff  }
0x1dc: {  	v56 =	vadd.s32 v18, v30;
	v57 =	vadd.s32 v19, v30;
	v34 =	vor.u32 v15, v34;
	v27 =	vld.idx.msk [tilespmem:v27+s4+$0x0], $0xffff  }
0x1dd: {  	v35 =	vand.u32 $0xFFFFFFF8, v61;
	v36 =	vand.u32 $0xFFFFFFF8, v62;
	v37 =	vand.u32 $0xFFFFFFF8, v63;
	v28 =	vld.idx.msk [tilespmem:v29+s4+$0x0], $0xffff  }
0x1de: {  	v48 =	vand.u32 $0xFFFFFFF8, v45;
	v49 =	vand.u32 $0xFFFFFFF8, v46;
	v35 =	vor.u32 v3, v35;
	v31 =	vld.idx.msk [tilespmem:v31+s4+$0x0], $0xffff  }
0x1df: {  	v52 =	vand.u32 $0xFFFFFFF8, v51;
	v58 =	vadd.s32 v20, v30;
	v59 =	vadd.s32 v21, v30;
	v33 =	vld.idx.msk [tilespmem:v33+s4+$0x0], $0xffff  }
0x1e0: {  	v61 =	vadd.s32 v22, v30;
	v37 =	vor.u32 v7, v37;
	v29 =	vadd.s32 v0, v30;
	v32 =	vld.idx.msk [tilespmem:v32+s4+$0x0], $0xffff  }
0x1e1: {  	v46 =	vand.u32 $0xFFFFFFF8, v55;
	v38 =	vor.u32 v11, v48;
	v34 =	vld.idx.msk [tilespmem:v34+s4+$0x0], $0xffff;
	v29 =	vand.u32 $0xFFFFFFF8, v29;
	[tilespmem:s15+$0x13410] =	vst v25  }
0x1e2: {  	v62 =	vand.u32 $0xFFFFFFF8, v56;
	v63 =	vand.u32 $0xFFFFFFF8, v57;
	v29 =	vor.u32 v1, v29;
	[tilespmem:s15+$0x13490] =	vst v26  }
0x1e3: {  	s10 =	sor.u32 s9, s10;
	v41 =	vshll.u32 v41, $0x5;
	v39 =	vor.u32 v13, v49;
	v35 =	vld.idx.msk [tilespmem:v35+s4+$0x0], $0xffff;
	v25 =	vand.u32 $0xFFFFFFF8, v44;
	[tilespmem:s15+$0x13510] =	vst v27  }
0x1e4: {  	v51 =	vld [tilespmem:s10+$0x80];
	v26 =	vadd.s32 v16, v24;
	v27 =	vadd.s32 v23, v24;
	[tilespmem:s15+$0x13710] =	vst v33;
	v33 =	vor.u32 v5, v36  }
0x1e5: {  	v37 =	vld.idx.msk [tilespmem:v37+s4+$0x0], $0xffff;
	[tilespmem:s15+$0x13590] =	vst v28;
	v28 =	vadd.s32 v17, v24;
	v26 =	vand.u32 $0xFFFFFFF8, v26;
	v44 =	vor.u32 v9, v25  }
0x1e6: {  	v38 =	vld.idx.msk [tilespmem:v38+s4+$0x0], $0xffff;
	[tilespmem:s15+$0x13610] =	vst v31;
	v31 =	vadd.s32 v18, v24;
	v27 =	vand.u32 $0xFFFFFFF8, v27;
	v26 =	vor.u32 v1, v26  }
0x1e7: {  	v27 =	vor.u32 v15, v27;
	v40 =	vld.idx.msk [tilespmem:v29+s4+$0x0], $0xffff;
	v29 =	vand.u32 $0xFFFFFFF8, v31;
	v31 =	vand.u32 $0xFFFFFFF8, v47  }
0x1e8: {  	[tilespmem:s15+$0x13690] =	vst v32;
	v32 =	vand.u32 $0xFFFFFFF8, v50;
	v29 =	vor.u32 v5, v29;
	v45 =	vor.u32 v15, v31;
	v31 =	vld [tilespmem:s12+$0x80]  }
0x1e9: {  	v43 =	vor.u32 v5, v62;
	v28 =	vand.u32 $0xFFFFFFF8, v28;
	v32 =	vor.u32 v7, v32;
	v33 =	vld.idx.msk [tilespmem:v33+s4+$0x0], $0xffff  }
0x1ea: {  	v48 =	vand.u32 $0xFFFFFFF8, v59;
	[tilespmem:s15+$0x13790] =	vst v34;
	v24 =	vadd.s32 v22, v24;
	v28 =	vor.u32 v3, v28;
	v44 =	vld.idx.msk [tilespmem:v44+s4+$0x0], $0xffff  }
0x1eb: {  	v34 =	vor.u32 v9, v52;
	v24 =	vand.u32 $0xFFFFFFF8, v24;
	v25 =	vadd.s32 v16, v30;
	v42 =	vld.idx.msk [tilespmem:v26+s4+$0x0], $0xffff  }
0x1ec: {  	v24 =	vor.u32 v13, v24;
	v60 =	vand.u32 $0xFFFFFFF8, v25;
	v26 =	vand.u32 $0xFFFFFFF8, v53;
	v36 =	vld.idx.msk [tilespmem:v27+s4+$0x0], $0xffff  }
0x1ed: {  	v50 =	vor.u32 v1, v60;
	v54 =	vor.u32 v11, v26;
	v26 =	vld.idx.msk [tilespmem:v29+s4+$0x0], $0xffff;
	v31 =	vshll.u32 v31, $0x4  }
0x1ee: {  	v29 =	vld.idx.msk [tilespmem:v32+s4+$0x0], $0xffff;
	v32 =	vand.u32 $0xFFFFFFF8, v58;
	v52 =	vadd.s32 v41, v31;
	v31 =	vor.u32 v7, v63  }
0x1ef: {  	v27 =	vld.idx.msk [tilespmem:v28+s4+$0x0], $0xffff;
	v55 =	vadd.s32 v2, v52;
	v56 =	vadd.s32 v4, v52;
	v57 =	vadd.s32 v6, v52  }
0x1f0: {  	v28 =	vld.idx.msk [tilespmem:v34+s4+$0x0], $0xffff;
	v59 =	vadd.s32 v8, v52;
	v63 =	vadd.s32 v12, v52;
	v47 =	vand.u32 $0xFFFFFFF8, v55  }
0x1f1: {  	v24 =	vld.idx.msk [tilespmem:v24+s4+$0x0], $0xffff;
	v58 =	vand.u32 $0xFFFFFFF8, v57;
	v57 =	vand.u32 $0xFFFFFFF8, v63;
	v47 =	vor.u32 v3, v47  }
0x1f2: {  	v53 =	vand.u32 $0xFFFFFFF8, v56;
	v60 =	vand.u32 $0xFFFFFFF8, v59;
	v59 =	vor.u32 v13, v57;
	v25 =	vld.idx.msk [tilespmem:v54+s4+$0x0], $0xffff;
	[tilespmem:s15+$0x17790] =	vst v36  }
0x1f3: {  	s0 =	sor.u32 s8, s0;
	v41 =	vor.u32 v3, v46;
	v36 =	vld.idx.msk [tilespmem:v39+s4+$0x0], $0xffff;
	v39 =	vor.u32 v5, v53;
	[tilespmem:s15+$0x17410] =	vst v42  }
0x1f4: {  	v34 =	vand.u32 $0xFFFFFFF8, v61;
	v61 =	vadd.s32 v10, v52;
	v42 =	vld.idx.msk [tilespmem:v45+s4+$0x0], $0xffff;
	v45 =	vor.u32 v7, v58;
	[tilespmem:s0+$0x13410] =	vst v40  }
0x1f5: {  	v49 =	vld [tilespmem:s10+$0x0];
	v62 =	vand.u32 $0xFFFFFFF8, v61;
	v54 =	vadd.s32 v0, v52;
	v40 =	vor.u32 v9, v60;
	[tilespmem:s0+$0x13490] =	vst v35  }
0x1f6: {  	v53 =	vor.u32 v11, v62;
	v58 =	vadd.s32 v14, v52;
	[tilespmem:s0+$0x13510] =	vst v33;
	v46 =	vand.u32 $0xFFFFFFF8, v54;
	v33 =	vld.idx.msk [tilespmem:v47+s4+$0x0], $0xffff  }
0x1f7: {  	[tilespmem:s0+$0x13590] =	vst v37;
	v54 =	vand.u32 $0xFFFFFFF8, v58;
	v46 =	vor.u32 v1, v46;
	v47 =	vld.idx.msk [tilespmem:v59+s4+$0x0], $0xffff  }
0x1f8: {  	v30 =	vadd.s32 v23, v30;
	[tilespmem:s0+$0x13610] =	vst v44;
	v60 =	vor.u32 v15, v54;
	v37 =	vld.idx.msk [tilespmem:v39+s4+$0x0], $0xffff  }
0x1f9: {  	s10 =	simm.s32 $0x200;
	v51 =	vshll.u32 v51, $0x4;
	v30 =	vand.u32 $0xFFFFFFF8, v30;
	v35 =	vor.u32 v11, v48;
	[tilespmem:s0+$0x13690] =	vst v38;
	v61 =	vld.idx.msk [tilespmem:v45+s4+$0x0], $0xffff  }
0x1fa: {  	s14 =	simm.s32 $0x40;
	v49 =	vshll.u32 v49, $0x5;
	s12 =	sand.u32 $0x7FFFFC00, s10;
	v59 =	vadd.s32 v19, v52;
	v39 =	vor.u32 v15, v30;
	v38 =	vld.idx.msk [tilespmem:v40+s4+$0x0], $0xffff;
	[tilespmem:s0+$0x13710] =	vst v36  }
0x1fb: {  	s29 =	sand.u32 $0x60, s14;
	s8 =	sshrl.u32 s12, $0x2;
	v30 =	vadd.s32 v49, v51;
	v45 =	vld.idx.msk [tilespmem:v53+s4+$0x0], $0xffff;
	[tilespmem:s0+$0x13790] =	vst v42;
	v42 =	vadd.s32 v16, v52;
	v44 =	vand.u32 $0xFFFFFFF8, v59  }
0x1fc: {  	s30 =	sor.u32 $0x10, s29;
	s13 =	sor.u32 s5, s13;
	s26 =	sadd.s32 $0x2410, s8;
	v62 =	vadd.s32 v0, v30;
	v63 =	vadd.s32 v2, v30;
	v49 =	vadd.s32 v4, v30;
	v46 =	vld.idx.msk [tilespmem:v46+s4+$0x0], $0xffff  }
0x1fd: {  	s28 =	sadd.s32 s30, s26;
	v51 =	vadd.s32 v6, v30;
	v55 =	vadd.s32 v12, v30;
	v36 =	vand.u32 $0xFFFFFFF8, v62;
	v48 =	vld.idx.msk [tilespmem:v60+s4+$0x0], $0xffff;
	[tilespmem:s13+$0x13490] =	vst v33  }
0x1fe: {  	v57 =	vld [tilespmem:s28+$0x80];
	v44 =	vor.u32 v7, v44;
	v40 =	vand.u32 $0xFFFFFFF8, v63;
	v36 =	vor.u32 v1, v36;
	[tilespmem:s13+$0x13710] =	vst v47  }
0x1ff: {  	v49 =	vand.u32 $0xFFFFFFF8, v49;
	v63 =	vadd.s32 v18, v52;
	v58 =	vor.u32 v3, v40;
	v40 =	vld.idx.msk [tilespmem:v43+s4+$0x0], $0xffff;
	[tilespmem:s13+$0x13510] =	vst v37  }
0x200: {  	s26 =	sor.u32 s29, s26;
	v59 =	vand.u32 $0xFFFFFFF8, v55;
	v33 =	vand.u32 $0xFFFFFFF8, v42;
	v42 =	vld.idx.msk [tilespmem:v50+s4+$0x0], $0xffff;
	v50 =	vand.u32 $0xFFFFFFF8, v63;
	[tilespmem:s13+$0x13590] =	vst v61  }
0x201: {  	v49 =	vor.u32 v5, v49;
	[tilespmem:s13+$0x13610] =	vst v38;
	v43 =	vor.u32 v5, v50;
	v50 =	vor.u32 v13, v59;
	v59 =	vld [tilespmem:s26+$0x0]  }
0x202: {  	v33 =	vor.u32 v1, v33;
	[tilespmem:s13+$0x13410] =	vst v46;
	v46 =	vand.u32 $0xFFFFFFF8, v51;
	v51 =	vld [tilespmem:s28+$0x0]  }
0x203: {  	v60 =	vadd.s32 v23, v52;
	[tilespmem:s13+$0x13690] =	vst v45;
	v36 =	vld.idx.msk [tilespmem:v36+s4+$0x0], $0xffff  }
0x204: {  	v61 =	vadd.s32 v17, v52;
	v37 =	vand.u32 $0xFFFFFFF8, v60;
	[tilespmem:s13+$0x13790] =	vst v48;
	v47 =	vld.idx.msk [tilespmem:v58+s4+$0x0], $0xffff  }
0x205: {  	v60 =	vadd.s32 v20, v52;
	v62 =	vand.u32 $0xFFFFFFF8, v61;
	v37 =	vor.u32 v15, v37;
	v44 =	vld.idx.msk [tilespmem:v44+s4+$0x0], $0xffff  }
0x206: {  	v45 =	vand.u32 $0xFFFFFFF8, v60;
	v61 =	vadd.s32 v21, v52;
	v38 =	vor.u32 v3, v62;
	v49 =	vld.idx.msk [tilespmem:v49+s4+$0x0], $0xffff  }
0x207: {  	[tilespmem:s15+$0x17490] =	vst v27;
	v62 =	vor.u32 v9, v45;
	v63 =	vand.u32 $0xFFFFFFF8, v61;
	v27 =	vld.idx.msk [tilespmem:v33+s4+$0x0], $0xffff  }
0x208: {  	v34 =	vor.u32 v13, v34;
	v58 =	vadd.s32 v22, v52;
	v45 =	vor.u32 v11, v63;
	v43 =	vld.idx.msk [tilespmem:v43+s4+$0x0], $0xffff  }
0x209: {  	v53 =	vadd.s32 v8, v30;
	v46 =	vor.u32 v7, v46;
	v48 =	vand.u32 $0xFFFFFFF8, v58;
	v50 =	vld.idx.msk [tilespmem:v50+s4+$0x0], $0xffff  }
0x20a: {  	[tilespmem:s15+$0x17510] =	vst v26;
	v54 =	vadd.s32 v10, v30;
	v26 =	vand.u32 $0xFFFFFFF8, v53;
	v48 =	vor.u32 v13, v48;
	v37 =	vld.idx.msk [tilespmem:v37+s4+$0x0], $0xffff  }
0x20b: {  	[tilespmem:s15+$0x17590] =	vst v29;
	v56 =	vadd.s32 v14, v30;
	v29 =	vand.u32 $0xFFFFFFF8, v54;
	v52 =	vor.u32 v9, v26;
	v38 =	vld.idx.msk [tilespmem:v38+s4+$0x0], $0xffff  }
0x20c: {  	v32 =	vor.u32 v9, v32;
	[tilespmem:s15+$0x17610] =	vst v28;
	v28 =	vand.u32 $0xFFFFFFF8, v56;
	v53 =	vor.u32 v11, v29;
	v55 =	vld.idx.msk [tilespmem:v62+s4+$0x0], $0xffff  }
0x20d: {  	[tilespmem:s15+$0x17710] =	vst v24;
	v54 =	vor.u32 v15, v28;
	v29 =	vadd.s32 v18, v30;
	v45 =	vld.idx.msk [tilespmem:v45+s4+$0x0], $0xffff  }
0x20e: {  	[tilespmem:s15+$0x17690] =	vst v25;
	v25 =	vadd.s32 v21, v30;
	v24 =	vadd.s32 v23, v30;
	v29 =	vand.u32 $0xFFFFFFF8, v29;
	v46 =	vld.idx.msk [tilespmem:v46+s4+$0x0], $0xffff  }
0x20f: {  	v28 =	vadd.s32 v17, v30;
	v29 =	vor.u32 v5, v29;
	v48 =	vld.idx.msk [tilespmem:v48+s4+$0x0], $0xffff;
	[tilespmem:s13+$0x17410] =	vst v27  }
0x210: {  	v28 =	vand.u32 $0xFFFFFFF8, v28;
	v61 =	vadd.s32 v20, v30;
	v26 =	vadd.s32 v16, v30;
	[tilespmem:s13+$0x17510] =	vst v43;
	v43 =	vld.idx.msk [tilespmem:v52+s4+$0x0], $0xffff  }
0x211: {  	s15 =	sor.u32 s9, s5;
	v60 =	vadd.s32 v19, v30;
	v56 =	vand.u32 $0xFFFFFFF8, v61;
	v26 =	vand.u32 $0xFFFFFFF8, v26;
	[tilespmem:s13+$0x17590] =	vst v44;
	v44 =	vld.idx.msk [tilespmem:v53+s4+$0x0], $0xffff  }
0x212: {  	v58 =	vadd.s32 v22, v30;
	v30 =	vor.u32 v3, v28;
	v33 =	vand.u32 $0xFFFFFFF8, v60;
	v52 =	vld.idx.msk [tilespmem:v54+s4+$0x0], $0xffff;
	[tilespmem:s15+$0x13410] =	vst v36  }
0x213: {  	v60 =	vor.u32 v1, v26;
	v26 =	vand.u32 $0xFFFFFFF8, v25;
	v28 =	vand.u32 $0xFFFFFFF8, v58;
	v62 =	vld [tilespmem:s26+$0x80];
	[tilespmem:s15+$0x13490] =	vst v47  }
0x214: {  	v25 =	vor.u32 v9, v56;
	v56 =	vshll.u32 v57, $0x4;
	v57 =	vand.u32 $0xFFFFFFF8, v24;
	[tilespmem:s15+$0x13510] =	vst v49  }
0x215: {  	v41 =	vld.idx.msk [tilespmem:v41+s4+$0x0], $0xffff;
	v24 =	vor.u32 v13, v28;
	v28 =	vor.u32 v15, v57;
	v63 =	vshll.u32 v51, $0x5;
	[tilespmem:s15+$0x13710] =	vst v50  }
0x216: {  	v35 =	vld.idx.msk [tilespmem:v35+s4+$0x0], $0xffff;
	v51 =	vshll.u32 v59, $0x5;
	v27 =	vor.u32 v7, v33;
	v33 =	vadd.s32 v63, v56;
	[tilespmem:s13+$0x17790] =	vst v37  }
0x217: {  	v59 =	vadd.s32 v2, v33;
	v53 =	vadd.s32 v6, v33;
	[tilespmem:s13+$0x17490] =	vst v38;
	v38 =	vadd.s32 v0, v33  }
0x218: {  	v36 =	vld.idx.msk [tilespmem:v34+s4+$0x0], $0xffff;
	v56 =	vadd.s32 v8, v33;
	[tilespmem:s13+$0x17690] =	vst v45;
	v45 =	vshll.u32 v62, $0x4;
	v58 =	vand.u32 $0xFFFFFFF8, v38  }
0x219: {  	v34 =	vld.idx.msk [tilespmem:v39+s4+$0x0], $0xffff;
	[tilespmem:s13+$0x17610] =	vst v55;
	v38 =	vand.u32 $0xFFFFFFF8, v59;
	v62 =	vadd.s32 v4, v33;
	v61 =	vor.u32 v1, v58  }
0x21a: {  	v37 =	vld.idx.msk [tilespmem:v31+s4+$0x0], $0xffff;
	v57 =	vadd.s32 v10, v33;
	[tilespmem:s15+$0x13590] =	vst v46;
	v63 =	vor.u32 v3, v38;
	v31 =	vand.u32 $0xFFFFFFF8, v62  }
0x21b: {  	v38 =	vld.idx.msk [tilespmem:v32+s4+$0x0], $0xffff;
	v58 =	vadd.s32 v12, v33;
	[tilespmem:s0+$0x17410] =	vst v42;
	v55 =	vor.u32 v5, v31;
	v31 =	vand.u32 $0xFFFFFFF8, v53  }
0x21c: {  	[tilespmem:s15+$0x13610] =	vst v43;
	v59 =	vand.u32 $0xFFFFFFF8, v58;
	v47 =	vor.u32 v7, v31;
	v31 =	vand.u32 $0xFFFFFFF8, v56  }
0x21d: {  	[tilespmem:s15+$0x13690] =	vst v44;
	v44 =	vor.u32 v13, v59;
	v46 =	vor.u32 v9, v31;
	v31 =	vand.u32 $0xFFFFFFF8, v57  }
0x21e: {  	v43 =	vor.u32 v11, v31;
	v31 =	vadd.s32 v51, v45;
	v39 =	vld.idx.msk [tilespmem:v61+s4+$0x0], $0xffff;
	v61 =	vadd.s32 v14, v33  }
0x21f: {  	v26 =	vor.u32 v11, v26;
	[tilespmem:s13+$0x17710] =	vst v48;
	v45 =	vld.idx.msk [tilespmem:v63+s4+$0x0], $0xffff;
	v49 =	vadd.s32 v0, v31;
	v62 =	vand.u32 $0xFFFFFFF8, v61  }
0x220: {  	v63 =	vadd.s32 v2, v31;
	v56 =	vadd.s32 v10, v31;
	v32 =	vld.idx.msk [tilespmem:v55+s4+$0x0], $0xffff;
	v48 =	vor.u32 v15, v62  }
0x221: {  	v57 =	vadd.s32 v12, v31;
	v58 =	vadd.s32 v14, v31;
	v61 =	vadd.s32 v4, v31;
	v53 =	vld.idx.msk [tilespmem:v47+s4+$0x0], $0xffff  }
0x222: {  	[tilespmem:s15+$0x13790] =	vst v52;
	v55 =	vadd.s32 v8, v31;
	v49 =	vand.u32 $0xFFFFFFF8, v49;
	v63 =	vand.u32 $0xFFFFFFF8, v63;
	v52 =	vld.idx.msk [tilespmem:v44+s4+$0x0], $0xffff  }
0x223: {  	[tilespmem:s0+$0x17490] =	vst v41;
	v62 =	vadd.s32 v6, v31;
	v61 =	vand.u32 $0xFFFFFFF8, v61;
	v55 =	vand.u32 $0xFFFFFFF8, v55;
	v51 =	vld.idx.msk [tilespmem:v46+s4+$0x0], $0xffff  }
0x224: {  	s8 =	sor.u32 s12, s30;
	s5 =	sadd.s32 $0x20, s2;
	[tilespmem:s0+$0x17510] =	vst v40;
	v44 =	vand.u32 $0xFFFFFFF8, v57;
	v49 =	vor.u32 v1, v49;
	v47 =	vand.u32 $0xFFFFFFF8, v58;
	v50 =	vld.idx.msk [tilespmem:v43+s4+$0x0], $0xffff  }
0x225: {  	s9 =	smov.u32 s7;
	p0 =	slt.s32 s5, s7;
	v62 =	vand.u32 $0xFFFFFFF8, v62;
	v46 =	vand.u32 $0xFFFFFFF8, v56;
	v42 =	vor.u32 v9, v55;
	v54 =	vld.idx.msk [tilespmem:v48+s4+$0x0], $0xffff;
	[tilespmem:s8+$0x13410] =	vst v39  }
0x226: {  	s10 =	simm.s32 $0x4;
	s9 =	smov.u32 @p0 s5;
	v43 =	vor.u32 v5, v61;
	v48 =	vor.u32 v3, v63;
	[tilespmem:s8+$0x13490] =	vst v45;
	v63 =	vadd.s32 v16, v33  }
0x227: {  	s5 =	sadd.s32 s6, s9;
	s9 =	sor.u32 s29, s12;
	s12 =	simm.s32 $0x300;
	v41 =	vor.u32 v7, v62;
	[tilespmem:s8+$0x13510] =	vst v32;
	v39 =	vadd.s32 v23, v33;
	v32 =	vld.idx.msk [tilespmem:v60+s4+$0x0], $0xffff;
	v40 =	vand.u32 $0xFFFFFFF8, v63  }
.LBB2_7:
0x228: {  	s13 =	sand.u32 $0x7FFFFC00, s12;
	[tilespmem:s8+$0x13590] =	vst v53;
	v45 =	vor.u32 v1, v40;
	v53 =	vadd.s32 v17, v33;
	v39 =	vand.u32 $0xFFFFFFF8, v39;
	s14 =	sadd.s32 $0x20, s14;
	v40 =	vld.idx.msk [tilespmem:v30+s4+$0x0], $0xffff  }
0x229: {  	s28 =	sand.u32 $0x60, s14;
	s26 =	sshrl.u32 s13, $0x2;
	[tilespmem:s8+$0x13610] =	vst v51;
	v30 =	vand.u32 $0xFFFFFFF8, v53;
	v51 =	vadd.s32 v18, v33;
	v53 =	vor.u32 v15, v39;
	v39 =	vld.idx.msk [tilespmem:v29+s4+$0x0], $0xffff  }
0x22a: {  	s30 =	sadd.s32 $0x2410, s26;
	s29 =	sor.u32 s28, s13;
	s26 =	sor.u32 $0x10, s28;
	v49 =	vld.idx.msk [tilespmem:v49+s4+$0x0], $0xffff;
	[tilespmem:s8+$0x13690] =	vst v50;
	v29 =	vor.u32 v3, v30;
	v30 =	vand.u32 $0xFFFFFFF8, v51;
	v50 =	vadd.s32 v19, v33  }
0x22b: {  	v51 =	vadd.s32 v20, v33;
	s28 =	sor.u32 s28, s30;
	s30 =	sadd.s32 s26, s30;
	v48 =	vld.idx.msk [tilespmem:v48+s4+$0x0], $0xffff;
	[tilespmem:s8+$0x13710] =	vst v52;
	v30 =	vor.u32 v5, v30;
	v50 =	vand.u32 $0xFFFFFFF8, v50  }
0x22c: {  	v55 =	vmovc v28;
	v51 =	vand.u32 $0xFFFFFFF8, v51;
	v52 =	vld [tilespmem:s30+$0x0];
	[tilespmem:s8+$0x13790] =	vst v54;
	v50 =	vor.u32 v7, v50;
	v54 =	vadd.s32 v21, v33  }
0x22d: {  	v33 =	vadd.s32 v22, v33;
	v28 =	vld.idx.msk [tilespmem:v45+s4+$0x0], $0xffff;
	v45 =	vor.u32 v9, v51;
	v51 =	vand.u32 $0xFFFFFFF8, v54;
	[tilespmem:s0+$0x17590] =	vst v37  }
0x22e: {  	v37 =	vor.u32 v11, v46;
	v33 =	vand.u32 $0xFFFFFFF8, v33;
	v46 =	vor.u32 v11, v51;
	v51 =	vld.idx.msk [tilespmem:v53+s4+$0x0], $0xffff;
	[tilespmem:s0+$0x17610] =	vst v38  }
0x22f: {  	v38 =	vor.u32 v13, v44;
	v44 =	vor.u32 v15, v47;
	v47 =	vld.idx.msk [tilespmem:v29+s4+$0x0], $0xffff;
	v29 =	vor.u32 v13, v33  }
0x230: {  	v54 =	vadd.s32 v18, v31;
	v53 =	vadd.s32 v17, v31;
	v33 =	vadd.s32 v16, v31;
	v56 =	vld.idx.msk [tilespmem:v30+s4+$0x0], $0xffff  }
0x231: {  	v57 =	vadd.s32 v20, v31;
	v58 =	vadd.s32 v21, v31;
	v30 =	vadd.s32 v19, v31;
	v50 =	vld.idx.msk [tilespmem:v50+s4+$0x0], $0xffff  }
0x232: {  	v59 =	vadd.s32 v22, v31;
	v33 =	vand.u32 $0xFFFFFFF8, v33;
	v31 =	vadd.s32 v23, v31;
	v60 =	vld.idx.msk [tilespmem:v45+s4+$0x0], $0xffff;
	[tilespmem:s0+$0x17690] =	vst v35  }
0x233: {  	v35 =	vand.u32 $0xFFFFFFF8, v53;
	v53 =	vand.u32 $0xFFFFFFF8, v54;
	v54 =	vand.u32 $0xFFFFFFF8, v30;
	v46 =	vld.idx.msk [tilespmem:v46+s4+$0x0], $0xffff;
	[tilespmem:s0+$0x17710] =	vst v36  }
0x234: {  	v36 =	vand.u32 $0xFFFFFFF8, v57;
	v57 =	vand.u32 $0xFFFFFFF8, v58;
	v58 =	vand.u32 $0xFFFFFFF8, v59;
	v59 =	vld.idx.msk [tilespmem:v29+s4+$0x0], $0xffff;
	[tilespmem:s8+$0x17790] =	vst v51  }
0x235: {  	v31 =	vand.u32 $0xFFFFFFF8, v31;
	v45 =	vor.u32 v1, v33;
	v30 =	vor.u32 v3, v35;
	v51 =	vld [tilespmem:s30+$0x80];
	[tilespmem:s0+$0x17790] =	vst v34;
	s0 =	smov.u32 s15;
	s15 =	smov.u32 s9;
	s9 =	smov.u32 s29  }
0x236: {  	v54 =	vor.u32 v7, v54;
	v29 =	vor.u32 v5, v53;
	v61 =	vor.u32 v9, v36;
	v33 =	vld [tilespmem:s28+$0x0];
	[tilespmem:s8+$0x17410] =	vst v28  }
0x237: {  	v57 =	vor.u32 v11, v57;
	v58 =	vor.u32 v13, v58;
	v28 =	vor.u32 v15, v31;
	v34 =	vld [tilespmem:s28+$0x80];
	[tilespmem:s8+$0x17490] =	vst v47  }
0x238: {  	v35 =	vld.idx.msk [tilespmem:v43+s4+$0x0], $0xffff;
	[tilespmem:s8+$0x17510] =	vst v56  }
0x239: {  	v36 =	vld.idx.msk [tilespmem:v41+s4+$0x0], $0xffff;
	[tilespmem:s8+$0x17590] =	vst v50  }
0x23a: {  	s10 =	sadd.s32 $0x2, s10;
	v31 =	vshll.u32 v52, $0x5;
	v41 =	vshll.u32 v51, $0x4;
	v42 =	vld.idx.msk [tilespmem:v42+s4+$0x0], $0xffff;
	[tilespmem:s8+$0x17610] =	vst v60  }
0x23b: {  	p0 =	slt.u32 s10, $0x7E;
	v43 =	vshll.u32 v33, $0x5;
	v33 =	vadd.s32 v31, v41;
	v41 =	vld.idx.msk [tilespmem:v37+s4+$0x0], $0xffff;
	[tilespmem:s8+$0x17690] =	vst v46  }
0x23c: {  	v31 =	vshll.u32 v34, $0x4;
	v34 =	vadd.s32 v0, v33;
	v46 =	vld.idx.msk [tilespmem:v38+s4+$0x0], $0xffff;
	[tilespmem:s8+$0x17710] =	vst v59;
	v37 =	vadd.s32 v2, v33  }
0x23d: {  	v38 =	vadd.s32 v4, v33;
	v31 =	vadd.s32 v43, v31;
	v34 =	vand.u32 $0xFFFFFFF8, v34;
	v43 =	vld.idx.msk [tilespmem:v44+s4+$0x0], $0xffff;
	[tilespmem:s15+$0x13410] =	vst v49  }
0x23e: {  	v47 =	vadd.s32 v6, v33;
	v44 =	vor.u32 v1, v34;
	v34 =	vand.u32 $0xFFFFFFF8, v37;
	[tilespmem:s15+$0x13490] =	vst v48;
	v37 =	vld.idx.msk [tilespmem:v27+s4+$0x0], $0xffff  }
0x23f: {  	v52 =	vadd.s32 v6, v31;
	v27 =	vor.u32 v3, v34;
	v34 =	vand.u32 $0xFFFFFFF8, v38;
	[tilespmem:s15+$0x13510] =	vst v35;
	v38 =	vld.idx.msk [tilespmem:v25+s4+$0x0], $0xffff  }
0x240: {  	v25 =	vor.u32 v5, v34;
	v34 =	vand.u32 $0xFFFFFFF8, v47;
	v47 =	vadd.s32 v8, v33;
	[tilespmem:s15+$0x13590] =	vst v36;
	v35 =	vld.idx.msk [tilespmem:v26+s4+$0x0], $0xffff  }
0x241: {  	v26 =	vor.u32 v7, v34;
	v34 =	vand.u32 $0xFFFFFFF8, v47;
	v47 =	vadd.s32 v10, v33;
	[tilespmem:s15+$0x13610] =	vst v42;
	v36 =	vld.idx.msk [tilespmem:v24+s4+$0x0], $0xffff  }
0x242: {  	v24 =	vor.u32 v9, v34;
	v42 =	vand.u32 $0xFFFFFFF8, v47;
	v47 =	vadd.s32 v12, v33;
	[tilespmem:s15+$0x13690] =	vst v41;
	v34 =	vld.idx.msk [tilespmem:v55+s4+$0x0], $0xffff  }
0x243: {  	v41 =	vld.idx.msk [tilespmem:v44+s4+$0x0], $0xffff;
	v42 =	vor.u32 v11, v42;
	v44 =	vand.u32 $0xFFFFFFF8, v47;
	v47 =	vadd.s32 v14, v33;
	[tilespmem:s15+$0x13710] =	vst v46  }
0x244: {  	v46 =	vadd.s32 v0, v31;
	v55 =	vld.idx.msk [tilespmem:v27+s4+$0x0], $0xffff;
	v48 =	vor.u32 v13, v44;
	v27 =	vand.u32 $0xFFFFFFF8, v47;
	[tilespmem:s15+$0x13790] =	vst v43  }
0x245: {  	v43 =	vadd.s32 v2, v31;
	v44 =	vadd.s32 v4, v31;
	v56 =	vld.idx.msk [tilespmem:v25+s4+$0x0], $0xffff;
	v59 =	vor.u32 v15, v27  }
0x246: {  	v49 =	vadd.s32 v10, v31;
	v47 =	vadd.s32 v8, v31;
	v53 =	vld.idx.msk [tilespmem:v26+s4+$0x0], $0xffff;
	v26 =	vadd.s32 v12, v31  }
0x247: {  	v62 =	vadd.s32 v14, v31;
	v60 =	vand.u32 $0xFFFFFFF8, v46;
	v51 =	vld.idx.msk [tilespmem:v24+s4+$0x0], $0xffff;
	[tilespmem:s0+$0x17410] =	vst v32  }
.Ltmp4:
0x248: {  	v63 =	vand.u32 $0xFFFFFFF8, v52;
	v25 =	vmovc v61;
	v32 =	vand.u32 $0xFFFFFFF8, v43;
	v43 =	vand.u32 $0xFFFFFFF8, v44;
	v27 =	vmovc v54;
	v50 =	vld.idx.msk [tilespmem:v42+s4+$0x0], $0xffff;
	[tilespmem:s0+$0x17490] =	vst v40;
	(pc) =	sbr.rel @p0 .LBB2_7-.Ltmp4, $4  }
0x249: {  	s8 =	sor.u32 s13, s26;
	v46 =	vand.u32 $0xFFFFFFF8, v49;
	v44 =	vand.u32 $0xFFFFFFF8, v26;
	v24 =	vmovc v58;
	v40 =	vand.u32 $0xFFFFFFF8, v47;
	v52 =	vld.idx.msk [tilespmem:v48+s4+$0x0], $0xffff;
	[tilespmem:s0+$0x17510] =	vst v39;
	v26 =	vmovc v57  }
0x24a: {  	v49 =	vor.u32 v1, v60;
	v47 =	vand.u32 $0xFFFFFFF8, v62;
	v48 =	vor.u32 v3, v32;
	v54 =	vld.idx.msk [tilespmem:v59+s4+$0x0], $0xffff;
	[tilespmem:s8+$0x13410] =	vst v41  }
0x24b: {  	v43 =	vor.u32 v5, v43;
	v32 =	vadd.s32 v16, v33;
	v41 =	vor.u32 v7, v63;
	[tilespmem:s8+$0x13490] =	vst v55  }
0x24c: {  	s12 =	sadd.s32 $0x100, s12;
	v42 =	vor.u32 v9, v40;
	v39 =	vadd.s32 v23, v33;
	v40 =	vand.u32 $0xFFFFFFF8, v32;
	[tilespmem:s8+$0x13510] =	vst v56;
	v32 =	vld.idx.msk [tilespmem:v45+s4+$0x0], $0xffff  }
0x24d: {  	_ =	sdelay $0x3  }
0x24e: {  	v43 =	vld.idx.msk [tilespmem:v43+s4+$0x0], $0xffff  }
0x24f: {  	v41 =	vld.idx.msk [tilespmem:v41+s4+$0x0], $0xffff  }
0x250: {  	v30 =	vld.idx.msk [tilespmem:v30+s4+$0x0], $0xffff  }
0x251: {  	[tilespmem:s8+$0x13590] =	vst v53;
	v29 =	vld.idx.msk [tilespmem:v29+s4+$0x0], $0xffff  }
0x252: {  	v40 =	vor.u32 v1, v40;
	v45 =	vadd.s32 v17, v33;
	v39 =	vand.u32 $0xFFFFFFF8, v39;
	[tilespmem:s8+$0x13610] =	vst v51;
	v27 =	vld.idx.msk [tilespmem:v27+s4+$0x0], $0xffff  }
0x253: {  	v58 =	vadd.s32 v18, v33;
	[tilespmem:s8+$0x13690] =	vst v50;
	v25 =	vld.idx.msk [tilespmem:v25+s4+$0x0], $0xffff;
	v45 =	vand.u32 $0xFFFFFFF8, v45;
	v39 =	vor.u32 v15, v39  }
0x254: {  	v60 =	vadd.s32 v19, v33;
	[tilespmem:s0+$0x17590] =	vst v37;
	v26 =	vld.idx.msk [tilespmem:v26+s4+$0x0], $0xffff;
	v59 =	vand.u32 $0xFFFFFFF8, v58;
	v45 =	vor.u32 v3, v45  }
0x255: {  	v61 =	vadd.s32 v20, v33;
	v24 =	vld.idx.msk [tilespmem:v24+s4+$0x0], $0xffff;
	[tilespmem:s8+$0x13710] =	vst v52;
	v51 =	vand.u32 $0xFFFFFFF8, v60;
	v50 =	vor.u32 v5, v59  }
0x256: {  	v62 =	vadd.s32 v21, v33;
	v28 =	vld.idx.msk [tilespmem:v28+s4+$0x0], $0xffff;
	v52 =	vand.u32 $0xFFFFFFF8, v61;
	[tilespmem:s8+$0x13790] =	vst v54;
	v51 =	vor.u32 v7, v51  }
0x257: {  	v63 =	vadd.s32 v22, v33;
	[tilespmem:s0+$0x17610] =	vst v38;
	v53 =	vand.u32 $0xFFFFFFF8, v62;
	v52 =	vor.u32 v9, v52;
	v40 =	vld.idx.msk [tilespmem:v40+s4+$0x0], $0xffff  }
0x258: {  	[tilespmem:s0+$0x17690] =	vst v35;
	v33 =	vand.u32 $0xFFFFFFF8, v63;
	v53 =	vor.u32 v11, v53;
	v39 =	vld.idx.msk [tilespmem:v39+s4+$0x0], $0xffff  }
0x259: {  	[tilespmem:s0+$0x17710] =	vst v36;
	v33 =	vor.u32 v13, v33;
	v45 =	vld.idx.msk [tilespmem:v45+s4+$0x0], $0xffff  }
0x25a: {  	[tilespmem:s0+$0x17790] =	vst v34;
	v50 =	vld.idx.msk [tilespmem:v50+s4+$0x0], $0xffff  }
0x25b: {  	[tilespmem:s15+$0x17410] =	vst v32;
	v55 =	vld.idx.msk [tilespmem:v51+s4+$0x0], $0xffff  }
0x25c: {  	[tilespmem:s15+$0x17490] =	vst v30;
	v56 =	vld.idx.msk [tilespmem:v52+s4+$0x0], $0xffff  }
0x25d: {  	v44 =	vor.u32 v13, v44;
	[tilespmem:s15+$0x17510] =	vst v29;
	v57 =	vld.idx.msk [tilespmem:v53+s4+$0x0], $0xffff  }
0x25e: {  	v59 =	vor.u32 v11, v46;
	v33 =	vld.idx.msk [tilespmem:v33+s4+$0x0], $0xffff;
	[tilespmem:s8+$0x17410] =	vst v40  }
0x25f: {  	v58 =	vld.idx.msk [tilespmem:v49+s4+$0x0], $0xffff;
	v61 =	vor.u32 v15, v47;
	[tilespmem:s8+$0x17790] =	vst v39  }
0x260: {  	v60 =	vld.idx.msk [tilespmem:v48+s4+$0x0], $0xffff;
	[tilespmem:s8+$0x17490] =	vst v45  }
0x261: {  	v62 =	vld.idx.msk [tilespmem:v42+s4+$0x0], $0xffff;
	[tilespmem:s8+$0x17510] =	vst v50  }
0x262: {  	v44 =	vld.idx.msk [tilespmem:v44+s4+$0x0], $0xffff;
	[tilespmem:s8+$0x17590] =	vst v55  }
0x263: {  	v63 =	vld.idx.msk [tilespmem:v59+s4+$0x0], $0xffff;
	[tilespmem:s8+$0x17610] =	vst v56  }
0x264: {  	v45 =	vld.idx.msk [tilespmem:v61+s4+$0x0], $0xffff;
	[tilespmem:s9+$0x13410] =	vst v58  }
0x265: {  	v46 =	vadd.s32 v16, v31;
	[tilespmem:s9+$0x13490] =	vst v60  }
0x266: {  	v47 =	vadd.s32 v17, v31;
	v36 =	vand.u32 $0xFFFFFFF8, v46;
	[tilespmem:s9+$0x13510] =	vst v43  }
0x267: {  	v48 =	vadd.s32 v18, v31;
	v34 =	vand.u32 $0xFFFFFFF8, v47;
	v36 =	vor.u32 v1, v36;
	[tilespmem:s9+$0x13590] =	vst v41  }
0x268: {  	v49 =	vadd.s32 v19, v31;
	v34 =	vor.u32 v3, v34;
	v39 =	vand.u32 $0xFFFFFFF8, v48;
	[tilespmem:s9+$0x13610] =	vst v62  }
0x269: {  	v51 =	vadd.s32 v21, v31;
	v40 =	vand.u32 $0xFFFFFFF8, v49;
	v39 =	vor.u32 v5, v39;
	[tilespmem:s9+$0x13690] =	vst v63  }
0x26a: {  	v52 =	vadd.s32 v22, v31;
	v38 =	vand.u32 $0xFFFFFFF8, v51;
	v40 =	vor.u32 v7, v40;
	[tilespmem:s9+$0x13710] =	vst v44  }
0x26b: {  	v53 =	vadd.s32 v23, v31;
	v54 =	vand.u32 $0xFFFFFFF8, v52;
	v55 =	vor.u32 v11, v38;
	[tilespmem:s9+$0x13790] =	vst v45  }
0x26c: {  	[tilespmem:s8+$0x17710] =	vst v33;
	v50 =	vadd.s32 v20, v31;
	v31 =	vand.u32 $0xFFFFFFF8, v53;
	v33 =	vor.u32 v13, v54;
	v56 =	vld.idx.msk [tilespmem:v36+s4+$0x0], $0xffff  }
0x26d: {  	[tilespmem:s8+$0x17690] =	vst v57;
	v37 =	vand.u32 $0xFFFFFFF8, v50;
	v31 =	vor.u32 v15, v31;
	v57 =	vld.idx.msk [tilespmem:v34+s4+$0x0], $0xffff  }
0x26e: {  	[tilespmem:s15+$0x17590] =	vst v27;
	v37 =	vor.u32 v9, v37;
	v58 =	vld.idx.msk [tilespmem:v39+s4+$0x0], $0xffff  }
0x26f: {  	[tilespmem:s15+$0x17610] =	vst v25;
	v59 =	vld.idx.msk [tilespmem:v40+s4+$0x0], $0xffff  }
0x270: {  	[tilespmem:s15+$0x17690] =	vst v26;
	v61 =	vld.idx.msk [tilespmem:v55+s4+$0x0], $0xffff  }
0x271: {  	[tilespmem:s15+$0x17710] =	vst v24;
	v62 =	vld.idx.msk [tilespmem:v33+s4+$0x0], $0xffff  }
0x272: {  	[tilespmem:s15+$0x17790] =	vst v28;
	v63 =	vld.idx.msk [tilespmem:v31+s4+$0x0], $0xffff  }
0x273: {  	v60 =	vld.idx.msk [tilespmem:v37+s4+$0x0], $0xffff;
	[tilespmem:s9+$0x17410] =	vst v56  }
0x274: {  	[tilespmem:s9+$0x17490] =	vst v57  }
0x275: {  	[tilespmem:s9+$0x17510] =	vst v58  }
0x276: {  	[tilespmem:s9+$0x17590] =	vst v59  }
0x277: {  	[tilespmem:s9+$0x17690] =	vst v61  }
0x278: {  	[tilespmem:s9+$0x17710] =	vst v62  }
.Ltmp5:
0x279: {  	s30 =	sshll.u32 s5, $0x7;
	[tilespmem:s9+$0x17790] =	vst v63;
	(pc) =	sbr.rel @p1 .LBB2_10-.Ltmp5, $4  }
0x27a: {  	s5 =	sadd.s32 s3, s30;
	[tilespmem:s9+$0x17610] =	vst v60  }
0x27b: {  	[hbm4b:s5+s4] =	stream.linear.scatter [tilespmem:s24], [sflag:$0x6], $0x4000, $0x38;
	[tilespmem:$0x1B410] =	vst v63  }
0x27c: {  	s0 =	sadd.s32 s30, s11  }
0x27d: {  	[hbm4b:s0+s4] =	stream.linear.scatter [tilespmem:s25], [sflag:$0x6], $0x4000, $0x38;
	[tilespmem:$0x1B410] =	vst v63  }
0x27e: {  	s0 =	sadd.s32 $0x50, s2  }
0x27f: {  	s2 =	smov.u32 s7;
	p0 =	slt.s32 s0, s7  }
0x280: {  	s2 =	smov.u32 @p0 s0  }
.Ltmp6:
0x281: {  	s0 =	sadd.s32 s6, s2;
	(pc) =	sbr.rel .LBB2_2-.Ltmp6, $4  }
0x282: {  	s0 =	sshll.u32 s0, $0x5  }
0x283: {  	s0 =	sand.u32 $0x1FFFFFE0, s0  }
0x284: {  	s31 =	sadd.s32 $0x1, s31;
	s0 =	sadd.s32 s1, s0  }
0x285: {  	[tilespmem:s16], [sflag:$0x3] =	stream.linear.gather [hbm4b:s0+s4], $0x1000, $0x38;
	[tilespmem:$0x1B410] =	vst v63  }
.LBB2_11:
0x286: {  	_ =	sfence.sel $0x180000  }
0x287: {  	[bflag:$0x0] =	sbarrier.arrive $0xFFFF  }
0x288: {  	_ =	strace $0x90000047  }
0x289: {  	s0 =	stileid.u32;
	[bflag:$0x2] =	sbarrier.arrive $0xFFFF  }
0x28a: {  	p0 =	sne.s32 s0, $0x0;
	s0 =	rddreg [dreg:$0x3]  }
0x28b: {  	s0 =	sadd.s32 @!p0 $0x100000, s0  }
0x28c: {  	[sflag:s0] =	ssyncadd.tile.s32 @!p0 $0x1;
	_ =	shalt  }
.Lfunc_end2:
_tile_overlayer_lowered:
.L_overlay_start_2:
0x28d: {  	(tag) =	ssettag $0x2  }
0x28e: {  	s0 =	rddreg [dreg:$0x0];
	s2 =	stileid.u32  }
0x28f: {  	s1 =	rddreg [dreg:$0x1];
	p0 =	sne.s32 s2, $0x0  }
0x290: {  	s3 =	rddreg [dreg:$0x2];
	[bflag:$0x3] =	sbarrier.arrive $0xFFFF;
	s2 =	simm.s32 @!p0 $0x1C07  }
0x291: {  	[timem:s3], [sflag:s2] =	dma.local @!p0 [hbm:s0], s1  }
0x292: {  	s0 =	simm.s32 @!p0 $0x7  }
0x293: {  	_ =	swait.ge @!p0 [sflag:s0], s1  }
0x294: {  	s1 =	ssub.s32 @!p0 $0x0, s1;
	[sflag:s0] =	ssyncset.done @!p0 $0x0  }
0x295: {  	[sflag:s0] =	ssyncadd.s32 @!p0 s1  }
0x296: {  	[bflag:$0x3] =	sbarrier.arrive $0xFFFF  }
0x297: {  	_ =	shalt  }

</sc_bundles>
